<compile_context>
chip_gen: v7x
topology: tpu7x:2x2x1
jax: 0.10.2.dev20260603
libtpu: 0.0.44.dev20260713+nightly
codegen_flags: <defaults>
</compile_context>

<pallas_src>
import jax
import jax.numpy as jnp
from jax import lax
from jax.experimental import pallas as pl
from jax.experimental.pallas import tpu as pltpu
from jax.experimental.pallas import tpu_sc as plsc

N = 10000
E = 320000
D = 128
DE = 16

NC = 2
NS = 16
NW = NC * NS
LANE = 16

NPAD = 10240
ECH = 79
ET = ECH * 128
EPAD = NW * ET
PAD_E = EPAD - E
EROWS = NW * ECH

ER = E // 8
EB = ER // 8
NB = NPAD // 8


def _k0a_body(x_r, w_r, asw_r, adw_r, h_r, asrc_r, adst_r):
    xb = x_r[...]
    h = lax.dot_general(xb, w_r[...], (((1,), (1,)), ((), ())),
                        preferred_element_type=jnp.float32)
    h_r[...] = h
    asrc_r[...] = jnp.sum(h * asw_r[...], axis=1)[None, None, :]
    adst_r[...] = jnp.sum(h * adw_r[...], axis=1)[None, None, :]


def _k0a(xp, W, att_src, att_dst):
    return pl.pallas_call(
        _k0a_body,
        grid=(8,),
        in_specs=[
            pl.BlockSpec((NB, D), lambda i: (i, 0)),
            pl.BlockSpec((D, D), lambda i: (0, 0)),
            pl.BlockSpec((1, D), lambda i: (0, 0)),
            pl.BlockSpec((1, D), lambda i: (0, 0)),
        ],
        out_specs=[
            pl.BlockSpec((NB, D), lambda i: (i, 0)),
            pl.BlockSpec((1, 1, NB), lambda i: (i, 0, 0)),
            pl.BlockSpec((1, 1, NB), lambda i: (i, 0, 0)),
        ],
        out_shape=[
            jax.ShapeDtypeStruct((NPAD, D), jnp.float32),
            jax.ShapeDtypeStruct((8, 1, NB), jnp.float32),
            jax.ShapeDtypeStruct((8, 1, NB), jnp.float32),
        ],
    )(xp, W, att_src, att_dst)


def _k0b_body(ea_r, lew_r, aew_r, emat_r, mask8_r, ae_r):
    v = lax.dot_general(aew_r[...], lew_r[...], (((1,), (0,)), ((), ())),
                        preferred_element_type=jnp.float32)
    vcol = lax.dot_general(emat_r[...], v, (((1,), (1,)), ((), ())),
                           preferred_element_type=jnp.float32)
    bmat = mask8_r[...] * vcol
    ae_r[...] = lax.dot_general(ea_r[...], bmat, (((1,), (0,)), ((), ())),
                                preferred_element_type=jnp.float32)


def _k0b(ea2, lin_edge_W, att_edge, emat, mask8):
    return pl.pallas_call(
        _k0b_body,
        grid=(8,),
        in_specs=[
            pl.BlockSpec((EB, 128), lambda i: (i, 0)),
            pl.BlockSpec((D, DE), lambda i: (0, 0)),
            pl.BlockSpec((1, D), lambda i: (0, 0)),
            pl.BlockSpec((128, DE), lambda i: (0, 0)),
            pl.BlockSpec((128, 8), lambda i: (0, 0)),
        ],
        out_specs=pl.BlockSpec((EB, 8), lambda i: (i, 0)),
        out_shape=jax.ShapeDtypeStruct((ER, 8), jnp.float32),
    )(ea2, lin_edge_W, att_edge, emat, mask8)


def _k1a_body(combp, asrc, adst, zeros1,
              asum_o, degp_o,
              comb_v, dst_v, asum_v, asrc_v, adst_v, ones_v,
              deg_sh):
    cid = lax.axis_index("c")
    sid = lax.axis_index("s")
    wid = sid * NC + cid

    pltpu.sync_copy(combp.at[wid], comb_v)
    pltpu.sync_copy(asrc, asrc_v)
    pltpu.sync_copy(adst, adst_v)

    for g in range(8):
        ones_v[pl.ds(g * LANE, LANE)] = jnp.full((LANE,), 1.0, jnp.float32)

    pltpu.sync_copy(zeros1, deg_sh.at[pl.ds(sid * 640, 640)])
    plsc.subcore_barrier()

    def chunk(j, c):
        for g in range(8):
            off = pl.ds(g * LANE, LANE)
            c16 = comb_v[j, off]
            s16 = c16 & 0xFFFF
            d16 = lax.shift_right_logical(c16, 16)
            dst_v[j, off] = d16
            asum_v[j, off] = plsc.load_gather(asrc_v, [s16]) \
                + plsc.load_gather(adst_v, [d16])
        pltpu.sync_copy(ones_v, deg_sh.at[dst_v.at[j]], add=True)
        return c

    lax.fori_loop(0, ECH, chunk, 0)

    pltpu.sync_copy(asum_v, asum_o.at[wid])
    plsc.subcore_barrier()
    base = cid * NPAD + sid * 640
    pltpu.sync_copy(deg_sh.at[pl.ds(sid * 640, 640)],
                    degp_o.at[pl.ds(base, 640)])


def _k1a(combp, asrc, adst, zeros1):
    mesh = plsc.VectorSubcoreMesh(core_axis_name="c", subcore_axis_name="s",
                                  num_cores=NC, num_subcores=NS)
    f = pl.kernel(
        _k1a_body,
        out_type=[
            jax.ShapeDtypeStruct((NW, ECH, 128), jnp.float32),
            jax.ShapeDtypeStruct((NC * NPAD,), jnp.float32),
        ],
        mesh=mesh,
        compiler_params=pltpu.CompilerParams(needs_layout_passes=False),
        scratch_types=[
            pltpu.VMEM((ECH, 128), jnp.int32),
            pltpu.VMEM((ECH, 128), jnp.int32),
            pltpu.VMEM((ECH, 128), jnp.float32),
            pltpu.VMEM((NPAD,), jnp.float32),
            pltpu.VMEM((NPAD,), jnp.float32),
            pltpu.VMEM((128,), jnp.float32),
            pltpu.VMEM_SHARED((NPAD,), jnp.float32),
        ],
    )
    return f(combp, asrc, adst, zeros1)


def _k2_body(asum_r, ae_r, alpha_o, gmax_o):
    al = asum_r[...] + ae_r[...]
    al = jnp.maximum(al, al * 0.2)
    alpha_o[...] = al
    m = jnp.max(al)
    i = pl.program_id(0)

    @pl.when(i == 0)
    def _():
        gmax_o[...] = jnp.full((8, 128), m, jnp.float32)

    @pl.when(i > 0)
    def _():
        gmax_o[...] = jnp.maximum(gmax_o[...], m)


def _k2(asum, ae2):
    kb = EROWS // 4
    return pl.pallas_call(
        _k2_body,
        grid=(4,),
        in_specs=[
            pl.BlockSpec((kb, 128), lambda i: (i, 0)),
            pl.BlockSpec((kb, 128), lambda i: (i, 0)),
        ],
        out_specs=[
            pl.BlockSpec((kb, 128), lambda i: (i, 0)),
            pl.BlockSpec((8, 128), lambda i: (0, 0)),
        ],
        out_shape=[
            jax.ShapeDtypeStruct((EROWS, 128), jnp.float32),
            jax.ShapeDtypeStruct((8, 128), jnp.float32),
        ],
    )(asum, ae2)


def _k3_body(combp, alpha2, aerows, gmaxp, h, zeros1, zeros2,
             denomp_o, saep_o, acc_o,
             comb_v, src_a, src_b, dst_a, dst_b, exp_a, exp_b,
             ae_a, ae_b, rows_a, rows_b, gmax_v,
             denom_sh, sae_sh, acc_sh, sem_a, sem_b):
    cid = lax.axis_index("c")
    sid = lax.axis_index("s")
    wid = sid * NC + cid

    pltpu.sync_copy(combp.at[wid], comb_v)
    pltpu.sync_copy(gmaxp.at[0], gmax_v)

    pltpu.sync_copy(zeros1, denom_sh.at[pl.ds(sid * 640, 640)])
    pltpu.sync_copy(zeros1, sae_sh.at[pl.ds(sid * 640, 640)])
    pltpu.sync_copy(zeros2, acc_sh.at[pl.ds(sid * 640, 640)])
    plsc.subcore_barrier()

    gsp = gmax_v[pl.ds(0, LANE)]
    arow0 = wid * ECH

    def prep(j, src_r, dst_r, exp_r, ae_r, rows, sem):
        for g in range(8):
            off = pl.ds(g * LANE, LANE)
            c16 = comb_v[j, off]
            src_r[off] = c16 & 0xFFFF
            dst_r[off] = lax.shift_right_logical(c16, 16)
        pltpu.async_copy(alpha2.at[arow0 + j], exp_r, sem)
        pltpu.async_copy(aerows.at[arow0 + j], ae_r, sem)
        pltpu.async_copy(h.at[src_r], rows, sem)

    def process(j, src_r, dst_r, exp_r, ae_r, rows, sem):
        pltpu.make_async_copy(alpha2.at[arow0 + j], exp_r, sem).wait()
        pltpu.make_async_copy(aerows.at[arow0 + j], ae_r, sem).wait()
        pltpu.make_async_copy(h.at[src_r], rows, sem).wait()
        for g in range(8):
            off = pl.ds(g * LANE, LANE)
            exp_r[off] = jnp.exp(exp_r[off] - gsp)
        pltpu.sync_copy(exp_r, denom_sh.at[dst_r], add=True)
        pltpu.sync_copy(ae_r, sae_sh.at[dst_r], add=True)

        def scale(r, c):
            spl = plsc.load_gather(exp_r, [jnp.full((LANE,), r, jnp.int32)])
            for g in range(8):
                off = pl.ds(g * LANE, LANE)
                rows[r, off] = rows[r, off] * spl
            return c
        lax.fori_loop(0, 128, scale, 0)
        pltpu.sync_copy(rows, acc_sh.at[dst_r], add=True)

    prep(0, src_a, dst_a, exp_a, ae_a, rows_a, sem_a)

    def pair(j2, carry):
        ja = 2 * j2
        jb = ja + 1
        prep(jb, src_b, dst_b, exp_b, ae_b, rows_b, sem_b)
        process(ja, src_a, dst_a, exp_a, ae_a, rows_a, sem_a)
        prep(ja + 2, src_a, dst_a, exp_a, ae_a, rows_a, sem_a)
        process(jb, src_b, dst_b, exp_b, ae_b, rows_b, sem_b)
        return carry

    lax.fori_loop(0, (ECH - 1) // 2, pair, 0)
    process(ECH - 1, src_a, dst_a, exp_a, ae_a, rows_a, sem_a)

    plsc.subcore_barrier()
    base = cid * NPAD + sid * 640
    pltpu.sync_copy(denom_sh.at[pl.ds(sid * 640, 640)],
                    denomp_o.at[pl.ds(base, 640)])
    pltpu.sync_copy(sae_sh.at[pl.ds(sid * 640, 640)],
                    saep_o.at[pl.ds(base, 640)])
    pltpu.sync_copy(acc_sh.at[pl.ds(sid * 640, 640)],
                    acc_o.at[pl.ds(base, 640)])


def _k3(combp, alpha2, aerows, gmaxp, h, zeros1, zeros2):
    mesh = plsc.VectorSubcoreMesh(core_axis_name="c", subcore_axis_name="s",
                                  num_cores=NC, num_subcores=NS)
    f = pl.kernel(
        _k3_body,
        out_type=[
            jax.ShapeDtypeStruct((NC * NPAD,), jnp.float32),
            jax.ShapeDtypeStruct((NC * NPAD,), jnp.float32),
            jax.ShapeDtypeStruct((NC * NPAD, D), jnp.float32),
        ],
        mesh=mesh,
        compiler_params=pltpu.CompilerParams(needs_layout_passes=False),
        scratch_types=[
            pltpu.VMEM((ECH, 128), jnp.int32),
            pltpu.VMEM((128,), jnp.int32),
            pltpu.VMEM((128,), jnp.int32),
            pltpu.VMEM((128,), jnp.int32),
            pltpu.VMEM((128,), jnp.int32),
            pltpu.VMEM((128,), jnp.float32),
            pltpu.VMEM((128,), jnp.float32),
            pltpu.VMEM((128,), jnp.float32),
            pltpu.VMEM((128,), jnp.float32),
            pltpu.VMEM((128, D), jnp.float32),
            pltpu.VMEM((128, D), jnp.float32),
            pltpu.VMEM((128,), jnp.float32),
            pltpu.VMEM_SHARED((NPAD,), jnp.float32),
            pltpu.VMEM_SHARED((NPAD,), jnp.float32),
            pltpu.VMEM_SHARED((NPAD, D), jnp.float32),
            pltpu.SemaphoreType.DMA,
            pltpu.SemaphoreType.DMA,
        ],
    )
    return f(combp, alpha2, aerows, gmaxp, h, zeros1, zeros2)


def _k4_body(acc0_r, acc1_r, den0_r, den1_r, sae0_r, sae1_r,
             deg0_r, deg1_r, asrc_r, adst_r, gmax_r, h_r, bias_r,
             out_r):
    gm = jnp.max(gmax_r[...])
    deg = deg0_r[...] + deg1_r[...]
    sae = sae0_r[...] + sae1_r[...]
    aloop = asrc_r[...] + adst_r[...] + sae / jnp.maximum(deg, 1.0)
    aloop = jnp.maximum(aloop, aloop * 0.2)
    el = jnp.exp(aloop - gm)
    den = den0_r[...] + den1_r[...] + el + 1e-16
    num = acc0_r[...] + acc1_r[...] + el * h_r[...]
    out = num / den + bias_r[...]
    out_r[...] = jnp.maximum(out, 0.0)


def _k4(acc, denomp, saep, degp, asrc, adst, gmaxp, h, bias):
    nb = NPAD // 8
    nblk = NPAD // nb

    def lo(i):
        return (i, 0)

    def hi(i):
        return (i + nblk, 0)

    den2 = denomp.reshape(NC * NPAD, 1)
    sae2 = saep.reshape(NC * NPAD, 1)
    deg2 = degp.reshape(NC * NPAD, 1)
    return pl.pallas_call(
        _k4_body,
        grid=(8,),
        in_specs=[
            pl.BlockSpec((nb, D), lo),
            pl.BlockSpec((nb, D), hi),
            pl.BlockSpec((nb, 1), lo),
            pl.BlockSpec((nb, 1), hi),
            pl.BlockSpec((nb, 1), lo),
            pl.BlockSpec((nb, 1), hi),
            pl.BlockSpec((nb, 1), lo),
            pl.BlockSpec((nb, 1), hi),
            pl.BlockSpec((nb, 1), lo),
            pl.BlockSpec((nb, 1), lo),
            pl.BlockSpec((8, 128), lambda i: (0, 0)),
            pl.BlockSpec((nb, D), lo),
            pl.BlockSpec((1, D), lambda i: (0, 0)),
        ],
        out_specs=pl.BlockSpec((nb, D), lo),
        out_shape=jax.ShapeDtypeStruct((N, D), jnp.float32),
    )(acc, acc, den2, den2, sae2, sae2, deg2, deg2,
      asrc.reshape(NPAD, 1), adst.reshape(NPAD, 1), gmaxp, h, bias)


@jax.jit
def kernel(x, edge_index, edge_attr, W, att_src, att_dst, lin_edge_W,
           att_edge, bias):
    src = edge_index[0]
    dst = edge_index[1]
    pad_nodes = (N + (jnp.arange(PAD_E, dtype=jnp.int32) % (NPAD - N)))
    comb = src | (dst << 16)
    combp = jnp.concatenate(
        [comb, pad_nodes | (pad_nodes << 16)]).reshape(NW, ECH, 128)
    ea2 = edge_attr.reshape(ER, 128)
    xp = jnp.concatenate([x, jnp.zeros((NPAD - N, D), jnp.float32)], axis=0)
    zeros1 = jnp.zeros((640,), jnp.float32)
    zeros2 = jnp.zeros((640, D), jnp.float32)
    ii = lax.broadcasted_iota(jnp.int32, (128, DE), 0)
    kk = lax.broadcasted_iota(jnp.int32, (128, DE), 1)
    emat = ((ii % DE) == kk).astype(jnp.float32)
    i8 = lax.broadcasted_iota(jnp.int32, (128, 8), 0)
    j8 = lax.broadcasted_iota(jnp.int32, (128, 8), 1)
    mask8 = ((i8 // DE) == j8).astype(jnp.float32)

    h, asrc3, adst3 = _k0a(xp, W, att_src.reshape(1, D),
                           att_dst.reshape(1, D))
    asrc = asrc3.reshape(NPAD)
    adst = adst3.reshape(NPAD)
    asum, degp = _k1a(combp, asrc, adst, zeros1)

    ae = _k0b(ea2, lin_edge_W, att_edge.reshape(1, D), emat, mask8)
    aef = jnp.concatenate(
        [ae.reshape(E), jnp.zeros((PAD_E,), jnp.float32)])

    alpha2, gmaxp = _k2(asum.reshape(EROWS, 128), aef.reshape(EROWS, 128))
    denomp, saep, acc = _k3(combp, alpha2, aef.reshape(EROWS, 128), gmaxp,
                            h, zeros1, zeros2)
    return _k4(acc, denomp, saep, degp, asrc, adst, gmaxp, h,
               bias.reshape(1, D))

# --- scband reference (transcript-rebuilt; emitter-appended) ---
"""Pipeline reference for scband-pawlayer-81235011437199 (READ-ONLY COPY).

The authoritative reference and input builder live on the scoring server;
editing this copy changes nothing except your own understanding.
"""

import jax, jax.numpy as jnp
import numpy as np

N = 10000
E = 320000
D_IN = 128
D_OUT = 128
D_EDGE = 16


def setup_inputs(seed: int = 0) -> dict:
    key = jax.random.key(seed)
    ks = jax.random.split(key, 9)
    x = jax.random.normal(ks[0], (N, D_IN), dtype=jnp.float32)
    edge_index = jax.random.randint(ks[1], (2, E), 0, N, dtype=jnp.int32)
    edge_attr = jax.random.normal(ks[2], (E, D_EDGE), dtype=jnp.float32)
    s_in = 1.0 / np.sqrt(D_IN)
    s_edge = 1.0 / np.sqrt(D_EDGE)
    s_att = 1.0 / np.sqrt(D_OUT)
    W = jax.random.uniform(ks[3], (D_OUT, D_IN), minval=-s_in, maxval=s_in, dtype=jnp.float32)
    att_src = jax.random.uniform(ks[4], (D_OUT,), minval=-s_att, maxval=s_att, dtype=jnp.float32)
    att_dst = jax.random.uniform(ks[5], (D_OUT,), minval=-s_att, maxval=s_att, dtype=jnp.float32)
    lin_edge_W = jax.random.uniform(ks[6], (D_OUT, D_EDGE), minval=-s_edge, maxval=s_edge, dtype=jnp.float32)
    att_edge = jax.random.uniform(ks[7], (D_OUT,), minval=-s_att, maxval=s_att, dtype=jnp.float32)
    bias = jnp.zeros((D_OUT,), dtype=jnp.float32)
    return {"x": x, "edge_index": edge_index, "edge_attr": edge_attr, "W": W,
            "att_src": att_src, "att_dst": att_dst, "lin_edge_W": lin_edge_W,
            "att_edge": att_edge, "bias": bias}


def reference(x, edge_index, edge_attr, W, att_src, att_dst, lin_edge_W, att_edge, bias):
    # PAWLayer = relu(GATConv(heads=1, edge_dim=D_EDGE)(x, edge_index, edge_attr))
    n = x.shape[0]
    src, dst = edge_index[0], edge_index[1]
    # add_self_loops with fill_value='mean': loop edge_attr = segment-mean of edge_attr over dst
    ones = jnp.ones((src.shape[0],), dtype=x.dtype)
    deg = jax.ops.segment_sum(ones, dst, num_segments=n)
    loop_attr = jax.ops.segment_sum(edge_attr, dst, num_segments=n) / jnp.maximum(deg, 1.0)[:, None]
    loop_idx = jnp.arange(n, dtype=src.dtype)
    src_f = jnp.concatenate([src, loop_idx])
    dst_f = jnp.concatenate([dst, loop_idx])
    ea_f = jnp.concatenate([edge_attr, loop_attr], axis=0)
    # linear transforms
    h = x @ W.T                      # [N, D_OUT]
    a_src = h @ att_src              # [N]
    a_dst = h @ att_dst              # [N]
    e = ea_f @ lin_edge_W.T          # [E+N, D_OUT]
    a_e = e @ att_edge               # [E+N]
    alpha = a_src[src_f] + a_dst[dst_f] + a_e
    alpha = jax.nn.leaky_relu(alpha, negative_slope=0.2)
    # segment softmax over incoming edges per dst node
    amax = jax.ops.segment_max(alpha, dst_f, num_segments=n)
    alpha = jnp.exp(alpha - amax[dst_f])
    denom = jax.ops.segment_sum(alpha, dst_f, num_segments=n)
    alpha = alpha / (denom[dst_f] + 1e-16)
    # message aggregation (scatter-add)
    out = jax.ops.segment_sum(alpha[:, None] * h[src_f], dst_f, num_segments=n)
    out = out + bias
    return jax.nn.relu(out)

if __name__ == "__main__":
    import jax
    _d = setup_inputs()
    print(jax.jit(kernel)(*tuple(_d.values())))

</pallas_src>

<mosaic_0001>
#map = affine_map<(d0, d1) -> (0, 0, 0)>
#map1 = affine_map<(d0, d1) -> (0, 0)>
#map2 = affine_map<(d0, d1) -> (0)>
module attributes {stable_mosaic.version = 14 : i64} {
  func.func @_k3_body(%arg0: i32, %arg1: i32, %arg2: memref<32x79x128xi32, #tpu.memory_space<hbm>>, %arg3: memref<2528x128xf32, #tpu.memory_space<hbm>>, %arg4: memref<2528x128xf32, #tpu.memory_space<hbm>>, %arg5: memref<8x128xf32, #tpu.memory_space<hbm>>, %arg6: memref<10240x128xf32, #tpu.memory_space<hbm>>, %arg7: memref<640xf32, #tpu.memory_space<hbm>>, %arg8: memref<640x128xf32, #tpu.memory_space<hbm>>, %arg9: memref<20480xf32, #tpu.memory_space<hbm>>, %arg10: memref<20480xf32, #tpu.memory_space<hbm>>, %arg11: memref<20480x128xf32, #tpu.memory_space<hbm>>, %arg12: memref<79x128xi32, #tpu.memory_space<vmem>>, %arg13: memref<128xi32, #tpu.memory_space<vmem>>, %arg14: memref<128xi32, #tpu.memory_space<vmem>>, %arg15: memref<128xi32, #tpu.memory_space<vmem>>, %arg16: memref<128xi32, #tpu.memory_space<vmem>>, %arg17: memref<128xf32, #tpu.memory_space<vmem>>, %arg18: memref<128xf32, #tpu.memory_space<vmem>>, %arg19: memref<128xf32, #tpu.memory_space<vmem>>, %arg20: memref<128xf32, #tpu.memory_space<vmem>>, %arg21: memref<128x128xf32, #tpu.memory_space<vmem>>, %arg22: memref<128x128xf32, #tpu.memory_space<vmem>>, %arg23: memref<128xf32, #tpu.memory_space<vmem>>, %arg24: memref<10240xf32, #tpu.memory_space<vmem_shared>>, %arg25: memref<10240xf32, #tpu.memory_space<vmem_shared>>, %arg26: memref<10240x128xf32, #tpu.memory_space<vmem_shared>>, %arg27: memref<!tpu.dma_semaphore, #tpu.memory_space<semaphore_mem>>, %arg28: memref<!tpu.dma_semaphore, #tpu.memory_space<semaphore_mem>>) attributes {dimension_semantics = [#tpu.dimension_semantics<core_parallel>, #tpu.dimension_semantics<subcore_parallel>], iteration_bounds = array<i64: 2, 16>, scalar_prefetch = 0 : i64, scratch_operands = 17 : i64, tpu.core_type = #tpu.core_type<sc_vector_subcore>, window_params = [{transform_indices = #map}, {transform_indices = #map1}, {transform_indices = #map1}, {transform_indices = #map1}, {transform_indices = #map1}, {transform_indices = #map2}, {transform_indices = #map1}, {transform_indices = #map2}, {transform_indices = #map2}, {transform_indices = #map1}]} {
    %mul3A = arith.constant 2 : i32
    %mul3A_0 = arith.muli %arg1, %mul3A : i32
    %add3A = arith.addi %mul3A_0, %arg0 : i32
    "tpu.region"() ({
      %run_scoped3A_224 = tpu.sem_alloc : memref<!tpu.dma_semaphore, #tpu.memory_space<semaphore_mem>>
      %dma_start3A_225 = arith.constant 0 : i32
      %dma_start3A_226 = arith.constant 0 : i32
      %dma_start3A_227 = tpu.memref_slice %arg2[%add3A, %dma_start3A_225, %dma_start3A_226] : memref<32x79x128xi32, #tpu.memory_space<hbm>> -> memref<1x79x128xi32, #tpu.memory_space<hbm>>
      %dma_start3A_228 = tpu.memref_squeeze %dma_start3A_227 : memref<1x79x128xi32, #tpu.memory_space<hbm>> -> memref<79x128xi32, #tpu.memory_space<hbm>>
      %dma_start3A_229 = arith.constant 0 : i32
      %dma_start3A_230 = arith.constant 0 : i32
      %dma_start3A_231 = tpu.memref_slice %arg2[%add3A, %dma_start3A_229, %dma_start3A_230] : memref<32x79x128xi32, #tpu.memory_space<hbm>> -> memref<1x79x128xi32, #tpu.memory_space<hbm>>
      %dma_start3A_232 = tpu.memref_squeeze %dma_start3A_231 : memref<1x79x128xi32, #tpu.memory_space<hbm>> -> memref<79x128xi32, #tpu.memory_space<hbm>>
      tpu.enqueue_dma source(%dma_start3A_232 : memref<79x128xi32, #tpu.memory_space<hbm>>) target(%arg12 : memref<79x128xi32, #tpu.memory_space<vmem>>) target_semaphore(%run_scoped3A_224 : memref<!tpu.dma_semaphore, #tpu.memory_space<semaphore_mem>>)
      %dma_wait3A_233 = arith.constant 0 : i32
      %dma_wait3A_234 = arith.constant 0 : i32
      %dma_wait3A_235 = tpu.memref_slice %arg2[%add3A, %dma_wait3A_233, %dma_wait3A_234] : memref<32x79x128xi32, #tpu.memory_space<hbm>> -> memref<1x79x128xi32, #tpu.memory_space<hbm>>
      %dma_wait3A_236 = tpu.memref_squeeze %dma_wait3A_235 : memref<1x79x128xi32, #tpu.memory_space<hbm>> -> memref<79x128xi32, #tpu.memory_space<hbm>>
      %dma_wait3A_237 = arith.constant 0 : i32
      %dma_wait3A_238 = arith.constant 0 : i32
      %dma_wait3A_239 = tpu.memref_slice %arg2[%add3A, %dma_wait3A_237, %dma_wait3A_238] : memref<32x79x128xi32, #tpu.memory_space<hbm>> -> memref<1x79x128xi32, #tpu.memory_space<hbm>>
      %dma_wait3A_240 = tpu.memref_squeeze %dma_wait3A_239 : memref<1x79x128xi32, #tpu.memory_space<hbm>> -> memref<79x128xi32, #tpu.memory_space<hbm>>
      tpu.wait_dma2 semaphore(%run_scoped3A_224 : memref<!tpu.dma_semaphore, #tpu.memory_space<semaphore_mem>>) src(%dma_wait3A_240 : memref<79x128xi32, #tpu.memory_space<hbm>>) dst(%arg12 : memref<79x128xi32, #tpu.memory_space<vmem>>)
      tpu.yield
    }) : () -> ()
    %run_scoped3A = arith.constant 0 : i32
    "tpu.region"() ({
      %run_scoped3A_224 = tpu.sem_alloc : memref<!tpu.dma_semaphore, #tpu.memory_space<semaphore_mem>>
      %dma_start3A_225 = arith.constant 0 : i32
      %dma_start3A_226 = tpu.memref_slice %arg5[%run_scoped3A, %dma_start3A_225] : memref<8x128xf32, #tpu.memory_space<hbm>> -> memref<1x128xf32, #tpu.memory_space<hbm>>
      %dma_start3A_227 = tpu.memref_squeeze %dma_start3A_226 : memref<1x128xf32, #tpu.memory_space<hbm>> -> memref<128xf32, #tpu.memory_space<hbm>>
      %dma_start3A_228 = arith.constant 0 : i32
      %dma_start3A_229 = tpu.memref_slice %arg5[%run_scoped3A, %dma_start3A_228] : memref<8x128xf32, #tpu.memory_space<hbm>> -> memref<1x128xf32, #tpu.memory_space<hbm>>
      %dma_start3A_230 = tpu.memref_squeeze %dma_start3A_229 : memref<1x128xf32, #tpu.memory_space<hbm>> -> memref<128xf32, #tpu.memory_space<hbm>>
      tpu.enqueue_dma source(%dma_start3A_230 : memref<128xf32, #tpu.memory_space<hbm>>) target(%arg23 : memref<128xf32, #tpu.memory_space<vmem>>) target_semaphore(%run_scoped3A_224 : memref<!tpu.dma_semaphore, #tpu.memory_space<semaphore_mem>>)
      %dma_wait3A_231 = arith.constant 0 : i32
      %dma_wait3A_232 = tpu.memref_slice %arg5[%run_scoped3A, %dma_wait3A_231] : memref<8x128xf32, #tpu.memory_space<hbm>> -> memref<1x128xf32, #tpu.memory_space<hbm>>
      %dma_wait3A_233 = tpu.memref_squeeze %dma_wait3A_232 : memref<1x128xf32, #tpu.memory_space<hbm>> -> memref<128xf32, #tpu.memory_space<hbm>>
      %dma_wait3A_234 = arith.constant 0 : i32
      %dma_wait3A_235 = tpu.memref_slice %arg5[%run_scoped3A, %dma_wait3A_234] : memref<8x128xf32, #tpu.memory_space<hbm>> -> memref<1x128xf32, #tpu.memory_space<hbm>>
      %dma_wait3A_236 = tpu.memref_squeeze %dma_wait3A_235 : memref<1x128xf32, #tpu.memory_space<hbm>> -> memref<128xf32, #tpu.memory_space<hbm>>
      tpu.wait_dma2 semaphore(%run_scoped3A_224 : memref<!tpu.dma_semaphore, #tpu.memory_space<semaphore_mem>>) src(%dma_wait3A_236 : memref<128xf32, #tpu.memory_space<hbm>>) dst(%arg23 : memref<128xf32, #tpu.memory_space<vmem>>)
      tpu.yield
    }) : () -> ()
    %mul3A_1 = arith.constant 640 : i32
    %mul3A_2 = arith.muli %arg1, %mul3A_1 : i32
    "tpu.region"() ({
      %run_scoped3A_224 = tpu.sem_alloc : memref<!tpu.dma_semaphore, #tpu.memory_space<semaphore_mem>>
      %dma_start3A_225 = tpu.memref_slice %arg24[%mul3A_2] : memref<10240xf32, #tpu.memory_space<vmem_shared>> -> memref<640xf32, #tpu.memory_space<vmem_shared>>
      tpu.enqueue_dma source(%arg7 : memref<640xf32, #tpu.memory_space<hbm>>) target(%dma_start3A_225 : memref<640xf32, #tpu.memory_space<vmem_shared>>) target_semaphore(%run_scoped3A_224 : memref<!tpu.dma_semaphore, #tpu.memory_space<semaphore_mem>>)
      %dma_wait3A_226 = tpu.memref_slice %arg24[%mul3A_2] : memref<10240xf32, #tpu.memory_space<vmem_shared>> -> memref<640xf32, #tpu.memory_space<vmem_shared>>
      tpu.wait_dma2 semaphore(%run_scoped3A_224 : memref<!tpu.dma_semaphore, #tpu.memory_space<semaphore_mem>>) src(%arg7 : memref<640xf32, #tpu.memory_space<hbm>>) dst(%dma_wait3A_226 : memref<640xf32, #tpu.memory_space<vmem_shared>>)
      tpu.yield
    }) : () -> ()
    %mul3A_3 = arith.constant 640 : i32
    %mul3A_4 = arith.muli %arg1, %mul3A_3 : i32
    "tpu.region"() ({
      %run_scoped3A_224 = tpu.sem_alloc : memref<!tpu.dma_semaphore, #tpu.memory_space<semaphore_mem>>
      %dma_start3A_225 = tpu.memref_slice %arg25[%mul3A_4] : memref<10240xf32, #tpu.memory_space<vmem_shared>> -> memref<640xf32, #tpu.memory_space<vmem_shared>>
      tpu.enqueue_dma source(%arg7 : memref<640xf32, #tpu.memory_space<hbm>>) target(%dma_start3A_225 : memref<640xf32, #tpu.memory_space<vmem_shared>>) target_semaphore(%run_scoped3A_224 : memref<!tpu.dma_semaphore, #tpu.memory_space<semaphore_mem>>)
      %dma_wait3A_226 = tpu.memref_slice %arg25[%mul3A_4] : memref<10240xf32, #tpu.memory_space<vmem_shared>> -> memref<640xf32, #tpu.memory_space<vmem_shared>>
      tpu.wait_dma2 semaphore(%run_scoped3A_224 : memref<!tpu.dma_semaphore, #tpu.memory_space<semaphore_mem>>) src(%arg7 : memref<640xf32, #tpu.memory_space<hbm>>) dst(%dma_wait3A_226 : memref<640xf32, #tpu.memory_space<vmem_shared>>)
      tpu.yield
    }) : () -> ()
    %mul3A_5 = arith.constant 640 : i32
    %mul3A_6 = arith.muli %arg1, %mul3A_5 : i32
    "tpu.region"() ({
      %run_scoped3A_224 = tpu.sem_alloc : memref<!tpu.dma_semaphore, #tpu.memory_space<semaphore_mem>>
      %dma_start3A_225 = arith.constant 0 : i32
      %dma_start3A_226 = tpu.memref_slice %arg26[%mul3A_6, %dma_start3A_225] : memref<10240x128xf32, #tpu.memory_space<vmem_shared>> -> memref<640x128xf32, #tpu.memory_space<vmem_shared>>
      tpu.enqueue_dma source(%arg8 : memref<640x128xf32, #tpu.memory_space<hbm>>) target(%dma_start3A_226 : memref<640x128xf32, #tpu.memory_space<vmem_shared>>) target_semaphore(%run_scoped3A_224 : memref<!tpu.dma_semaphore, #tpu.memory_space<semaphore_mem>>)
      %dma_wait3A_227 = arith.constant 0 : i32
      %dma_wait3A_228 = tpu.memref_slice %arg26[%mul3A_6, %dma_wait3A_227] : memref<10240x128xf32, #tpu.memory_space<vmem_shared>> -> memref<640x128xf32, #tpu.memory_space<vmem_shared>>
      tpu.wait_dma2 semaphore(%run_scoped3A_224 : memref<!tpu.dma_semaphore, #tpu.memory_space<semaphore_mem>>) src(%arg8 : memref<640x128xf32, #tpu.memory_space<hbm>>) dst(%dma_wait3A_228 : memref<640x128xf32, #tpu.memory_space<vmem_shared>>)
      tpu.yield
    }) : () -> ()
    %barrier3A = arith.constant 0 : index
    tpu.barrier barrier_id(%barrier3A)
    %get3A = arith.constant 0 : index
    %get3A_7 = tpu.vector_load %arg23[%get3A] {strides = array<i32>} : memref<128xf32, #tpu.memory_space<vmem>>, vector<16xf32>,
    %mul3A_8 = arith.constant 79 : i32
    %mul3A_9 = arith.muli %add3A, %mul3A_8 : i32
    %get3A_10 = arith.constant 0 : i32
    %get3A_11 = arith.index_cast %get3A_10 : i32 to index
    %get3A_12 = arith.constant 0 : index
    %get3A_13 = tpu.vector_load %arg12[%get3A_11, %get3A_12] {strides = array<i32>} : memref<79x128xi32, #tpu.memory_space<vmem>>, vector<16xi32>,
    %and3A = arith.constant 65535 : i32
    %and3A_14 = vector.broadcast %and3A : i32 to vector<16xi32>
    %and3A_15 = arith.andi %get3A_13, %and3A_14 : vector<16xi32>
    %swap3A = arith.constant 0 : index
    %swap3A_16 = tpu.vector_load %arg13[%swap3A] {strides = array<i32>} : memref<128xi32, #tpu.memory_space<vmem>>, vector<16xi32>,
    tpu.vector_store %arg13[%swap3A], %and3A_15 {strides = array<i32>} : memref<128xi32, #tpu.memory_space<vmem>>, vector<16xi32>,
    %shift_right_logical3A = arith.constant 16 : i32
    %shift_right_logical3A_17 = vector.broadcast %shift_right_logical3A : i32 to vector<16xi32>
    %shift_right_logical3A_18 = arith.shrui %get3A_13, %shift_right_logical3A_17 : vector<16xi32>
    %swap3A_19 = arith.constant 0 : index
    %swap3A_20 = tpu.vector_load %arg15[%swap3A_19] {strides = array<i32>} : memref<128xi32, #tpu.memory_space<vmem>>, vector<16xi32>,
    tpu.vector_store %arg15[%swap3A_19], %shift_right_logical3A_18 {strides = array<i32>} : memref<128xi32, #tpu.memory_space<vmem>>, vector<16xi32>,
    %get3A_21 = arith.constant 0 : i32
    %get3A_22 = arith.index_cast %get3A_21 : i32 to index
    %get3A_23 = arith.constant 16 : index
    %get3A_24 = tpu.vector_load %arg12[%get3A_22, %get3A_23] {strides = array<i32>} : memref<79x128xi32, #tpu.memory_space<vmem>>, vector<16xi32>,
    %and3A_25 = arith.constant 65535 : i32
    %and3A_26 = vector.broadcast %and3A_25 : i32 to vector<16xi32>
    %and3A_27 = arith.andi %get3A_24, %and3A_26 : vector<16xi32>
    %swap3A_28 = arith.constant 16 : index
    %swap3A_29 = tpu.vector_load %arg13[%swap3A_28] {strides = array<i32>} : memref<128xi32, #tpu.memory_space<vmem>>, vector<16xi32>,
    tpu.vector_store %arg13[%swap3A_28], %and3A_27 {strides = array<i32>} : memref<128xi32, #tpu.memory_space<vmem>>, vector<16xi32>,
    %shift_right_logical3A_30 = arith.constant 16 : i32
    %shift_right_logical3A_31 = vector.broadcast %shift_right_logical3A_30 : i32 to vector<16xi32>
    %shift_right_logical3A_32 = arith.shrui %get3A_24, %shift_right_logical3A_31 : vector<16xi32>
    %swap3A_33 = arith.constant 16 : index
    %swap3A_34 = tpu.vector_load %arg15[%swap3A_33] {strides = array<i32>} : memref<128xi32, #tpu.memory_space<vmem>>, vector<16xi32>,
    tpu.vector_store %arg15[%swap3A_33], %shift_right_logical3A_32 {strides = array<i32>} : memref<128xi32, #tpu.memory_space<vmem>>, vector<16xi32>,
    %get3A_35 = arith.constant 0 : i32
    %get3A_36 = arith.index_cast %get3A_35 : i32 to index
    %get3A_37 = arith.constant 32 : index
    %get3A_38 = tpu.vector_load %arg12[%get3A_36, %get3A_37] {strides = array<i32>} : memref<79x128xi32, #tpu.memory_space<vmem>>, vector<16xi32>,
    %and3A_39 = arith.constant 65535 : i32
    %and3A_40 = vector.broadcast %and3A_39 : i32 to vector<16xi32>
    %and3A_41 = arith.andi %get3A_38, %and3A_40 : vector<16xi32>
    %swap3A_42 = arith.constant 32 : index
    %swap3A_43 = tpu.vector_load %arg13[%swap3A_42] {strides = array<i32>} : memref<128xi32, #tpu.memory_space<vmem>>, vector<16xi32>,
    tpu.vector_store %arg13[%swap3A_42], %and3A_41 {strides = array<i32>} : memref<128xi32, #tpu.memory_space<vmem>>, vector<16xi32>,
    %shift_right_logical3A_44 = arith.constant 16 : i32
    %shift_right_logical3A_45 = vector.broadcast %shift_right_logical3A_44 : i32 to vector<16xi32>
    %shift_right_logical3A_46 = arith.shrui %get3A_38, %shift_right_logical3A_45 : vector<16xi32>
    %swap3A_47 = arith.constant 32 : index
    %swap3A_48 = tpu.vector_load %arg15[%swap3A_47] {strides = array<i32>} : memref<128xi32, #tpu.memory_space<vmem>>, vector<16xi32>,
    tpu.vector_store %arg15[%swap3A_47], %shift_right_logical3A_46 {strides = array<i32>} : memref<128xi32, #tpu.memory_space<vmem>>, vector<16xi32>,
    %get3A_49 = arith.constant 0 : i32
    %get3A_50 = arith.index_cast %get3A_49 : i32 to index
    %get3A_51 = arith.constant 48 : index
    %get3A_52 = tpu.vector_load %arg12[%get3A_50, %get3A_51] {strides = array<i32>} : memref<79x128xi32, #tpu.memory_space<vmem>>, vector<16xi32>,
    %and3A_53 = arith.constant 65535 : i32
    %and3A_54 = vector.broadcast %and3A_53 : i32 to vector<16xi32>
    %and3A_55 = arith.andi %get3A_52, %and3A_54 : vector<16xi32>
    %swap3A_56 = arith.constant 48 : index
    %swap3A_57 = tpu.vector_load %arg13[%swap3A_56] {strides = array<i32>} : memref<128xi32, #tpu.memory_space<vmem>>, vector<16xi32>,
    tpu.vector_store %arg13[%swap3A_56], %and3A_55 {strides = array<i32>} : memref<128xi32, #tpu.memory_space<vmem>>, vector<16xi32>,
    %shift_right_logical3A_58 = arith.constant 16 : i32
    %shift_right_logical3A_59 = vector.broadcast %shift_right_logical3A_58 : i32 to vector<16xi32>
    %shift_right_logical3A_60 = arith.shrui %get3A_52, %shift_right_logical3A_59 : vector<16xi32>
    %swap3A_61 = arith.constant 48 : index
    %swap3A_62 = tpu.vector_load %arg15[%swap3A_61] {strides = array<i32>} : memref<128xi32, #tpu.memory_space<vmem>>, vector<16xi32>,
    tpu.vector_store %arg15[%swap3A_61], %shift_right_logical3A_60 {strides = array<i32>} : memref<128xi32, #tpu.memory_space<vmem>>, vector<16xi32>,
    %get3A_63 = arith.constant 0 : i32
    %get3A_64 = arith.index_cast %get3A_63 : i32 to index
    %get3A_65 = arith.constant 64 : index
    %get3A_66 = tpu.vector_load %arg12[%get3A_64, %get3A_65] {strides = array<i32>} : memref<79x128xi32, #tpu.memory_space<vmem>>, vector<16xi32>,
    %and3A_67 = arith.constant 65535 : i32
    %and3A_68 = vector.broadcast %and3A_67 : i32 to vector<16xi32>
    %and3A_69 = arith.andi %get3A_66, %and3A_68 : vector<16xi32>
    %swap3A_70 = arith.constant 64 : index
    %swap3A_71 = tpu.vector_load %arg13[%swap3A_70] {strides = array<i32>} : memref<128xi32, #tpu.memory_space<vmem>>, vector<16xi32>,
    tpu.vector_store %arg13[%swap3A_70], %and3A_69 {strides = array<i32>} : memref<128xi32, #tpu.memory_space<vmem>>, vector<16xi32>,
    %shift_right_logical3A_72 = arith.constant 16 : i32
    %shift_right_logical3A_73 = vector.broadcast %shift_right_logical3A_72 : i32 to vector<16xi32>
    %shift_right_logical3A_74 = arith.shrui %get3A_66, %shift_right_logical3A_73 : vector<16xi32>
    %swap3A_75 = arith.constant 64 : index
    %swap3A_76 = tpu.vector_load %arg15[%swap3A_75] {strides = array<i32>} : memref<128xi32, #tpu.memory_space<vmem>>, vector<16xi32>,
    tpu.vector_store %arg15[%swap3A_75], %shift_right_logical3A_74 {strides = array<i32>} : memref<128xi32, #tpu.memory_space<vmem>>, vector<16xi32>,
    %get3A_77 = arith.constant 0 : i32
    %get3A_78 = arith.index_cast %get3A_77 : i32 to index
    %get3A_79 = arith.constant 80 : index
    %get3A_80 = tpu.vector_load %arg12[%get3A_78, %get3A_79] {strides = array<i32>} : memref<79x128xi32, #tpu.memory_space<vmem>>, vector<16xi32>,
    %and3A_81 = arith.constant 65535 : i32
    %and3A_82 = vector.broadcast %and3A_81 : i32 to vector<16xi32>
    %and3A_83 = arith.andi %get3A_80, %and3A_82 : vector<16xi32>
    %swap3A_84 = arith.constant 80 : index
    %swap3A_85 = tpu.vector_load %arg13[%swap3A_84] {strides = array<i32>} : memref<128xi32, #tpu.memory_space<vmem>>, vector<16xi32>,
    tpu.vector_store %arg13[%swap3A_84], %and3A_83 {strides = array<i32>} : memref<128xi32, #tpu.memory_space<vmem>>, vector<16xi32>,
    %shift_right_logical3A_86 = arith.constant 16 : i32
    %shift_right_logical3A_87 = vector.broadcast %shift_right_logical3A_86 : i32 to vector<16xi32>
    %shift_right_logical3A_88 = arith.shrui %get3A_80, %shift_right_logical3A_87 : vector<16xi32>
    %swap3A_89 = arith.constant 80 : index
    %swap3A_90 = tpu.vector_load %arg15[%swap3A_89] {strides = array<i32>} : memref<128xi32, #tpu.memory_space<vmem>>, vector<16xi32>,
    tpu.vector_store %arg15[%swap3A_89], %shift_right_logical3A_88 {strides = array<i32>} : memref<128xi32, #tpu.memory_space<vmem>>, vector<16xi32>,
    %get3A_91 = arith.constant 0 : i32
    %get3A_92 = arith.index_cast %get3A_91 : i32 to index
    %get3A_93 = arith.constant 96 : index
    %get3A_94 = tpu.vector_load %arg12[%get3A_92, %get3A_93] {strides = array<i32>} : memref<79x128xi32, #tpu.memory_space<vmem>>, vector<16xi32>,
    %and3A_95 = arith.constant 65535 : i32
    %and3A_96 = vector.broadcast %and3A_95 : i32 to vector<16xi32>
    %and3A_97 = arith.andi %get3A_94, %and3A_96 : vector<16xi32>
    %swap3A_98 = arith.constant 96 : index
    %swap3A_99 = tpu.vector_load %arg13[%swap3A_98] {strides = array<i32>} : memref<128xi32, #tpu.memory_space<vmem>>, vector<16xi32>,
    tpu.vector_store %arg13[%swap3A_98], %and3A_97 {strides = array<i32>} : memref<128xi32, #tpu.memory_space<vmem>>, vector<16xi32>,
    %shift_right_logical3A_100 = arith.constant 16 : i32
    %shift_right_logical3A_101 = vector.broadcast %shift_right_logical3A_100 : i32 to vector<16xi32>
    %shift_right_logical3A_102 = arith.shrui %get3A_94, %shift_right_logical3A_101 : vector<16xi32>
    %swap3A_103 = arith.constant 96 : index
    %swap3A_104 = tpu.vector_load %arg15[%swap3A_103] {strides = array<i32>} : memref<128xi32, #tpu.memory_space<vmem>>, vector<16xi32>,
    tpu.vector_store %arg15[%swap3A_103], %shift_right_logical3A_102 {strides = array<i32>} : memref<128xi32, #tpu.memory_space<vmem>>, vector<16xi32>,
    %get3A_105 = arith.constant 0 : i32
    %get3A_106 = arith.index_cast %get3A_105 : i32 to index
    %get3A_107 = arith.constant 112 : index
    %get3A_108 = tpu.vector_load %arg12[%get3A_106, %get3A_107] {strides = array<i32>} : memref<79x128xi32, #tpu.memory_space<vmem>>, vector<16xi32>,
    %and3A_109 = arith.constant 65535 : i32
    %and3A_110 = vector.broadcast %and3A_109 : i32 to vector<16xi32>
    %and3A_111 = arith.andi %get3A_108, %and3A_110 : vector<16xi32>
    %swap3A_112 = arith.constant 112 : index
    %swap3A_113 = tpu.vector_load %arg13[%swap3A_112] {strides = array<i32>} : memref<128xi32, #tpu.memory_space<vmem>>, vector<16xi32>,
    tpu.vector_store %arg13[%swap3A_112], %and3A_111 {strides = array<i32>} : memref<128xi32, #tpu.memory_space<vmem>>, vector<16xi32>,
    %shift_right_logical3A_114 = arith.constant 16 : i32
    %shift_right_logical3A_115 = vector.broadcast %shift_right_logical3A_114 : i32 to vector<16xi32>
    %shift_right_logical3A_116 = arith.shrui %get3A_108, %shift_right_logical3A_115 : vector<16xi32>
    %swap3A_117 = arith.constant 112 : index
    %swap3A_118 = tpu.vector_load %arg15[%swap3A_117] {strides = array<i32>} : memref<128xi32, #tpu.memory_space<vmem>>, vector<16xi32>,
    tpu.vector_store %arg15[%swap3A_117], %shift_right_logical3A_116 {strides = array<i32>} : memref<128xi32, #tpu.memory_space<vmem>>, vector<16xi32>,
    %add3A_119 = arith.constant 0 : i32
    %add3A_120 = arith.addi %mul3A_9, %add3A_119 : i32
    %dma_start3A = arith.constant 0 : i32
    %dma_start3A_121 = tpu.memref_slice %arg3[%add3A_120, %dma_start3A] : memref<2528x128xf32, #tpu.memory_space<hbm>> -> memref<1x128xf32, #tpu.memory_space<hbm>>
    %dma_start3A_122 = tpu.memref_squeeze %dma_start3A_121 : memref<1x128xf32, #tpu.memory_space<hbm>> -> memref<128xf32, #tpu.memory_space<hbm>>
    %dma_start3A_123 = arith.constant 0 : i32
    %dma_start3A_124 = tpu.memref_slice %arg3[%add3A_120, %dma_start3A_123] : memref<2528x128xf32, #tpu.memory_space<hbm>> -> memref<1x128xf32, #tpu.memory_space<hbm>>
    %dma_start3A_125 = tpu.memref_squeeze %dma_start3A_124 : memref<1x128xf32, #tpu.memory_space<hbm>> -> memref<128xf32, #tpu.memory_space<hbm>>
    tpu.enqueue_dma source(%dma_start3A_125 : memref<128xf32, #tpu.memory_space<hbm>>) target(%arg17 : memref<128xf32, #tpu.memory_space<vmem>>) target_semaphore(%arg27 : memref<!tpu.dma_semaphore, #tpu.memory_space<semaphore_mem>>)
    %add3A_126 = arith.constant 0 : i32
    %add3A_127 = arith.addi %mul3A_9, %add3A_126 : i32
    %dma_start3A_128 = arith.constant 0 : i32
    %dma_start3A_129 = tpu.memref_slice %arg4[%add3A_127, %dma_start3A_128] : memref<2528x128xf32, #tpu.memory_space<hbm>> -> memref<1x128xf32, #tpu.memory_space<hbm>>
    %dma_start3A_130 = tpu.memref_squeeze %dma_start3A_129 : memref<1x128xf32, #tpu.memory_space<hbm>> -> memref<128xf32, #tpu.memory_space<hbm>>
    %dma_start3A_131 = arith.constant 0 : i32
    %dma_start3A_132 = tpu.memref_slice %arg4[%add3A_127, %dma_start3A_131] : memref<2528x128xf32, #tpu.memory_space<hbm>> -> memref<1x128xf32, #tpu.memory_space<hbm>>
    %dma_start3A_133 = tpu.memref_squeeze %dma_start3A_132 : memref<1x128xf32, #tpu.memory_space<hbm>> -> memref<128xf32, #tpu.memory_space<hbm>>
    tpu.enqueue_dma source(%dma_start3A_133 : memref<128xf32, #tpu.memory_space<hbm>>) target(%arg19 : memref<128xf32, #tpu.memory_space<vmem>>) target_semaphore(%arg27 : memref<!tpu.dma_semaphore, #tpu.memory_space<semaphore_mem>>)
    %dma_start3A_134 = arith.constant 0 : i32
    %dma_start3A_135 = arith.constant 0 : i32
    %dma_start3A_136 = tpu.memref_slice %arg6[%dma_start3A_134, %dma_start3A_135] : memref<10240x128xf32, #tpu.memory_space<hbm>> -> memref<10240x128xf32, #tpu.memory_space<hbm>>
    tpu.enqueue_indirect_dma source(%dma_start3A_136 : memref<10240x128xf32, #tpu.memory_space<hbm>>) target(%arg21 : memref<128x128xf32, #tpu.memory_space<vmem>>) offsets(%arg13 : memref<128xi32, #tpu.memory_space<vmem>>) semaphore(%arg27 : memref<!tpu.dma_semaphore, #tpu.memory_space<semaphore_mem>>)
    %scan3A = arith.constant 0 : i32
    %scan3A_137 = arith.constant 0 : i32
    %scan3A_138 = arith.constant 39 : i32
    %scan3A_139 = arith.addi %scan3A_137, %scan3A_138 : i32
    %scan3A_140 = arith.constant 1 : i32
    scf.for %scan3A_224 = %scan3A_137 to %scan3A_139 step %scan3A_140  : i32 {
      %mul3A_225 = arith.constant 2 : i32
      %mul3A_226 = arith.muli %mul3A_225, %scan3A_224 : i32
      %add3A_227 = arith.constant 1 : i32
      %add3A_228 = arith.addi %mul3A_226, %add3A_227 : i32
      %get3A_229 = arith.index_cast %add3A_228 : i32 to index
      %get3A_230 = arith.constant 0 : index
      %get3A_231 = tpu.vector_load %arg12[%get3A_229, %get3A_230] {strides = array<i32>} : memref<79x128xi32, #tpu.memory_space<vmem>>, vector<16xi32>,
      %and3A_232 = arith.constant 65535 : i32
      %and3A_233 = vector.broadcast %and3A_232 : i32 to vector<16xi32>
      %and3A_234 = arith.andi %get3A_231, %and3A_233 : vector<16xi32>
      %swap3A_235 = arith.constant 0 : index
      %swap3A_236 = tpu.vector_load %arg14[%swap3A_235] {strides = array<i32>} : memref<128xi32, #tpu.memory_space<vmem>>, vector<16xi32>,
      tpu.vector_store %arg14[%swap3A_235], %and3A_234 {strides = array<i32>} : memref<128xi32, #tpu.memory_space<vmem>>, vector<16xi32>,
      %shift_right_logical3A_237 = arith.constant 16 : i32
      %shift_right_logical3A_238 = vector.broadcast %shift_right_logical3A_237 : i32 to vector<16xi32>
      %shift_right_logical3A_239 = arith.shrui %get3A_231, %shift_right_logical3A_238 : vector<16xi32>
      %swap3A_240 = arith.constant 0 : index
      %swap3A_241 = tpu.vector_load %arg16[%swap3A_240] {strides = array<i32>} : memref<128xi32, #tpu.memory_space<vmem>>, vector<16xi32>,
      tpu.vector_store %arg16[%swap3A_240], %shift_right_logical3A_239 {strides = array<i32>} : memref<128xi32, #tpu.memory_space<vmem>>, vector<16xi32>,
      %get3A_242 = arith.index_cast %add3A_228 : i32 to index
      %get3A_243 = arith.constant 16 : index
      %get3A_244 = tpu.vector_load %arg12[%get3A_242, %get3A_243] {strides = array<i32>} : memref<79x128xi32, #tpu.memory_space<vmem>>, vector<16xi32>,
      %and3A_245 = arith.constant 65535 : i32
      %and3A_246 = vector.broadcast %and3A_245 : i32 to vector<16xi32>
      %and3A_247 = arith.andi %get3A_244, %and3A_246 : vector<16xi32>
      %swap3A_248 = arith.constant 16 : index
      %swap3A_249 = tpu.vector_load %arg14[%swap3A_248] {strides = array<i32>} : memref<128xi32, #tpu.memory_space<vmem>>, vector<16xi32>,
      tpu.vector_store %arg14[%swap3A_248], %and3A_247 {strides = array<i32>} : memref<128xi32, #tpu.memory_space<vmem>>, vector<16xi32>,
      %shift_right_logical3A_250 = arith.constant 16 : i32
      %shift_right_logical3A_251 = vector.broadcast %shift_right_logical3A_250 : i32 to vector<16xi32>
      %shift_right_logical3A_252 = arith.shrui %get3A_244, %shift_right_logical3A_251 : vector<16xi32>
      %swap3A_253 = arith.constant 16 : index
      %swap3A_254 = tpu.vector_load %arg16[%swap3A_253] {strides = array<i32>} : memref<128xi32, #tpu.memory_space<vmem>>, vector<16xi32>,
      tpu.vector_store %arg16[%swap3A_253], %shift_right_logical3A_252 {strides = array<i32>} : memref<128xi32, #tpu.memory_space<vmem>>, vector<16xi32>,
      %get3A_255 = arith.index_cast %add3A_228 : i32 to index
      %get3A_256 = arith.constant 32 : index
      %get3A_257 = tpu.vector_load %arg12[%get3A_255, %get3A_256] {strides = array<i32>} : memref<79x128xi32, #tpu.memory_space<vmem>>, vector<16xi32>,
      %and3A_258 = arith.constant 65535 : i32
      %and3A_259 = vector.broadcast %and3A_258 : i32 to vector<16xi32>
      %and3A_260 = arith.andi %get3A_257, %and3A_259 : vector<16xi32>
      %swap3A_261 = arith.constant 32 : index
      %swap3A_262 = tpu.vector_load %arg14[%swap3A_261] {strides = array<i32>} : memref<128xi32, #tpu.memory_space<vmem>>, vector<16xi32>,
      tpu.vector_store %arg14[%swap3A_261], %and3A_260 {strides = array<i32>} : memref<128xi32, #tpu.memory_space<vmem>>, vector<16xi32>,
      %shift_right_logical3A_263 = arith.constant 16 : i32
      %shift_right_logical3A_264 = vector.broadcast %shift_right_logical3A_263 : i32 to vector<16xi32>
      %shift_right_logical3A_265 = arith.shrui %get3A_257, %shift_right_logical3A_264 : vector<16xi32>
      %swap3A_266 = arith.constant 32 : index
      %swap3A_267 = tpu.vector_load %arg16[%swap3A_266] {strides = array<i32>} : memref<128xi32, #tpu.memory_space<vmem>>, vector<16xi32>,
      tpu.vector_store %arg16[%swap3A_266], %shift_right_logical3A_265 {strides = array<i32>} : memref<128xi32, #tpu.memory_space<vmem>>, vector<16xi32>,
      %get3A_268 = arith.index_cast %add3A_228 : i32 to index
      %get3A_269 = arith.constant 48 : index
      %get3A_270 = tpu.vector_load %arg12[%get3A_268, %get3A_269] {strides = array<i32>} : memref<79x128xi32, #tpu.memory_space<vmem>>, vector<16xi32>,
      %and3A_271 = arith.constant 65535 : i32
      %and3A_272 = vector.broadcast %and3A_271 : i32 to vector<16xi32>
      %and3A_273 = arith.andi %get3A_270, %and3A_272 : vector<16xi32>
      %swap3A_274 = arith.constant 48 : index
      %swap3A_275 = tpu.vector_load %arg14[%swap3A_274] {strides = array<i32>} : memref<128xi32, #tpu.memory_space<vmem>>, vector<16xi32>,
      tpu.vector_store %arg14[%swap3A_274], %and3A_273 {strides = array<i32>} : memref<128xi32, #tpu.memory_space<vmem>>, vector<16xi32>,
      %shift_right_logical3A_276 = arith.constant 16 : i32
      %shift_right_logical3A_277 = vector.broadcast %shift_right_logical3A_276 : i32 to vector<16xi32>
      %shift_right_logical3A_278 = arith.shrui %get3A_270, %shift_right_logical3A_277 : vector<16xi32>
      %swap3A_279 = arith.constant 48 : index
      %swap3A_280 = tpu.vector_load %arg16[%swap3A_279] {strides = array<i32>} : memref<128xi32, #tpu.memory_space<vmem>>, vector<16xi32>,
      tpu.vector_store %arg16[%swap3A_279], %shift_right_logical3A_278 {strides = array<i32>} : memref<128xi32, #tpu.memory_space<vmem>>, vector<16xi32>,
      %get3A_281 = arith.index_cast %add3A_228 : i32 to index
      %get3A_282 = arith.constant 64 : index
      %get3A_283 = tpu.vector_load %arg12[%get3A_281, %get3A_282] {strides = array<i32>} : memref<79x128xi32, #tpu.memory_space<vmem>>, vector<16xi32>,
      %and3A_284 = arith.constant 65535 : i32
      %and3A_285 = vector.broadcast %and3A_284 : i32 to vector<16xi32>
      %and3A_286 = arith.andi %get3A_283, %and3A_285 : vector<16xi32>
      %swap3A_287 = arith.constant 64 : index
      %swap3A_288 = tpu.vector_load %arg14[%swap3A_287] {strides = array<i32>} : memref<128xi32, #tpu.memory_space<vmem>>, vector<16xi32>,
      tpu.vector_store %arg14[%swap3A_287], %and3A_286 {strides = array<i32>} : memref<128xi32, #tpu.memory_space<vmem>>, vector<16xi32>,
      %shift_right_logical3A_289 = arith.constant 16 : i32
      %shift_right_logical3A_290 = vector.broadcast %shift_right_logical3A_289 : i32 to vector<16xi32>
      %shift_right_logical3A_291 = arith.shrui %get3A_283, %shift_right_logical3A_290 : vector<16xi32>
      %swap3A_292 = arith.constant 64 : index
      %swap3A_293 = tpu.vector_load %arg16[%swap3A_292] {strides = array<i32>} : memref<128xi32, #tpu.memory_space<vmem>>, vector<16xi32>,
      tpu.vector_store %arg16[%swap3A_292], %shift_right_logical3A_291 {strides = array<i32>} : memref<128xi32, #tpu.memory_space<vmem>>, vector<16xi32>,
      %get3A_294 = arith.index_cast %add3A_228 : i32 to index
      %get3A_295 = arith.constant 80 : index
      %get3A_296 = tpu.vector_load %arg12[%get3A_294, %get3A_295] {strides = array<i32>} : memref<79x128xi32, #tpu.memory_space<vmem>>, vector<16xi32>,
      %and3A_297 = arith.constant 65535 : i32
      %and3A_298 = vector.broadcast %and3A_297 : i32 to vector<16xi32>
      %and3A_299 = arith.andi %get3A_296, %and3A_298 : vector<16xi32>
      %swap3A_300 = arith.constant 80 : index
      %swap3A_301 = tpu.vector_load %arg14[%swap3A_300] {strides = array<i32>} : memref<128xi32, #tpu.memory_space<vmem>>, vector<16xi32>,
      tpu.vector_store %arg14[%swap3A_300], %and3A_299 {strides = array<i32>} : memref<128xi32, #tpu.memory_space<vmem>>, vector<16xi32>,
      %shift_right_logical3A_302 = arith.constant 16 : i32
      %shift_right_logical3A_303 = vector.broadcast %shift_right_logical3A_302 : i32 to vector<16xi32>
      %shift_right_logical3A_304 = arith.shrui %get3A_296, %shift_right_logical3A_303 : vector<16xi32>
      %swap3A_305 = arith.constant 80 : index
      %swap3A_306 = tpu.vector_load %arg16[%swap3A_305] {strides = array<i32>} : memref<128xi32, #tpu.memory_space<vmem>>, vector<16xi32>,
      tpu.vector_store %arg16[%swap3A_305], %shift_right_logical3A_304 {strides = array<i32>} : memref<128xi32, #tpu.memory_space<vmem>>, vector<16xi32>,
      %get3A_307 = arith.index_cast %add3A_228 : i32 to index
      %get3A_308 = arith.constant 96 : index
      %get3A_309 = tpu.vector_load %arg12[%get3A_307, %get3A_308] {strides = array<i32>} : memref<79x128xi32, #tpu.memory_space<vmem>>, vector<16xi32>,
      %and3A_310 = arith.constant 65535 : i32
      %and3A_311 = vector.broadcast %and3A_310 : i32 to vector<16xi32>
      %and3A_312 = arith.andi %get3A_309, %and3A_311 : vector<16xi32>
      %swap3A_313 = arith.constant 96 : index
      %swap3A_314 = tpu.vector_load %arg14[%swap3A_313] {strides = array<i32>} : memref<128xi32, #tpu.memory_space<vmem>>, vector<16xi32>,
      tpu.vector_store %arg14[%swap3A_313], %and3A_312 {strides = array<i32>} : memref<128xi32, #tpu.memory_space<vmem>>, vector<16xi32>,
      %shift_right_logical3A_315 = arith.constant 16 : i32
      %shift_right_logical3A_316 = vector.broadcast %shift_right_logical3A_315 : i32 to vector<16xi32>
      %shift_right_logical3A_317 = arith.shrui %get3A_309, %shift_right_logical3A_316 : vector<16xi32>
      %swap3A_318 = arith.constant 96 : index
      %swap3A_319 = tpu.vector_load %arg16[%swap3A_318] {strides = array<i32>} : memref<128xi32, #tpu.memory_space<vmem>>, vector<16xi32>,
      tpu.vector_store %arg16[%swap3A_318], %shift_right_logical3A_317 {strides = array<i32>} : memref<128xi32, #tpu.memory_space<vmem>>, vector<16xi32>,
      %get3A_320 = arith.index_cast %add3A_228 : i32 to index
      %get3A_321 = arith.constant 112 : index
      %get3A_322 = tpu.vector_load %arg12[%get3A_320, %get3A_321] {strides = array<i32>} : memref<79x128xi32, #tpu.memory_space<vmem>>, vector<16xi32>,
      %and3A_323 = arith.constant 65535 : i32
      %and3A_324 = vector.broadcast %and3A_323 : i32 to vector<16xi32>
      %and3A_325 = arith.andi %get3A_322, %and3A_324 : vector<16xi32>
      %swap3A_326 = arith.constant 112 : index
      %swap3A_327 = tpu.vector_load %arg14[%swap3A_326] {strides = array<i32>} : memref<128xi32, #tpu.memory_space<vmem>>, vector<16xi32>,
      tpu.vector_store %arg14[%swap3A_326], %and3A_325 {strides = array<i32>} : memref<128xi32, #tpu.memory_space<vmem>>, vector<16xi32>,
      %shift_right_logical3A_328 = arith.constant 16 : i32
      %shift_right_logical3A_329 = vector.broadcast %shift_right_logical3A_328 : i32 to vector<16xi32>
      %shift_right_logical3A_330 = arith.shrui %get3A_322, %shift_right_logical3A_329 : vector<16xi32>
      %swap3A_331 = arith.constant 112 : index
      %swap3A_332 = tpu.vector_load %arg16[%swap3A_331] {strides = array<i32>} : memref<128xi32, #tpu.memory_space<vmem>>, vector<16xi32>,
      tpu.vector_store %arg16[%swap3A_331], %shift_right_logical3A_330 {strides = array<i32>} : memref<128xi32, #tpu.memory_space<vmem>>, vector<16xi32>,
      %add3A_333 = arith.addi %mul3A_9, %add3A_228 : i32
      %dma_start3A_334 = arith.constant 0 : i32
      %dma_start3A_335 = tpu.memref_slice %arg3[%add3A_333, %dma_start3A_334] : memref<2528x128xf32, #tpu.memory_space<hbm>> -> memref<1x128xf32, #tpu.memory_space<hbm>>
      %dma_start3A_336 = tpu.memref_squeeze %dma_start3A_335 : memref<1x128xf32, #tpu.memory_space<hbm>> -> memref<128xf32, #tpu.memory_space<hbm>>
      %dma_start3A_337 = arith.constant 0 : i32
      %dma_start3A_338 = tpu.memref_slice %arg3[%add3A_333, %dma_start3A_337] : memref<2528x128xf32, #tpu.memory_space<hbm>> -> memref<1x128xf32, #tpu.memory_space<hbm>>
      %dma_start3A_339 = tpu.memref_squeeze %dma_start3A_338 : memref<1x128xf32, #tpu.memory_space<hbm>> -> memref<128xf32, #tpu.memory_space<hbm>>
      tpu.enqueue_dma source(%dma_start3A_339 : memref<128xf32, #tpu.memory_space<hbm>>) target(%arg18 : memref<128xf32, #tpu.memory_space<vmem>>) target_semaphore(%arg28 : memref<!tpu.dma_semaphore, #tpu.memory_space<semaphore_mem>>)
      %add3A_340 = arith.addi %mul3A_9, %add3A_228 : i32
      %dma_start3A_341 = arith.constant 0 : i32
      %dma_start3A_342 = tpu.memref_slice %arg4[%add3A_340, %dma_start3A_341] : memref<2528x128xf32, #tpu.memory_space<hbm>> -> memref<1x128xf32, #tpu.memory_space<hbm>>
      %dma_start3A_343 = tpu.memref_squeeze %dma_start3A_342 : memref<1x128xf32, #tpu.memory_space<hbm>> -> memref<128xf32, #tpu.memory_space<hbm>>
      %dma_start3A_344 = arith.constant 0 : i32
      %dma_start3A_345 = tpu.memref_slice %arg4[%add3A_340, %dma_start3A_344] : memref<2528x128xf32, #tpu.memory_space<hbm>> -> memref<1x128xf32, #tpu.memory_space<hbm>>
      %dma_start3A_346 = tpu.memref_squeeze %dma_start3A_345 : memref<1x128xf32, #tpu.memory_space<hbm>> -> memref<128xf32, #tpu.memory_space<hbm>>
      tpu.enqueue_dma source(%dma_start3A_346 : memref<128xf32, #tpu.memory_space<hbm>>) target(%arg20 : memref<128xf32, #tpu.memory_space<vmem>>) target_semaphore(%arg28 : memref<!tpu.dma_semaphore, #tpu.memory_space<semaphore_mem>>)
      %dma_start3A_347 = arith.constant 0 : i32
      %dma_start3A_348 = arith.constant 0 : i32
      %dma_start3A_349 = tpu.memref_slice %arg6[%dma_start3A_347, %dma_start3A_348] : memref<10240x128xf32, #tpu.memory_space<hbm>> -> memref<10240x128xf32, #tpu.memory_space<hbm>>
      tpu.enqueue_indirect_dma source(%dma_start3A_349 : memref<10240x128xf32, #tpu.memory_space<hbm>>) target(%arg22 : memref<128x128xf32, #tpu.memory_space<vmem>>) offsets(%arg14 : memref<128xi32, #tpu.memory_space<vmem>>) semaphore(%arg28 : memref<!tpu.dma_semaphore, #tpu.memory_space<semaphore_mem>>)
      %add3A_350 = arith.addi %mul3A_9, %mul3A_226 : i32
      %dma_wait3A_351 = arith.constant 0 : i32
      %dma_wait3A_352 = tpu.memref_slice %arg3[%add3A_350, %dma_wait3A_351] : memref<2528x128xf32, #tpu.memory_space<hbm>> -> memref<1x128xf32, #tpu.memory_space<hbm>>
      %dma_wait3A_353 = tpu.memref_squeeze %dma_wait3A_352 : memref<1x128xf32, #tpu.memory_space<hbm>> -> memref<128xf32, #tpu.memory_space<hbm>>
      %dma_wait3A_354 = arith.constant 0 : i32
      %dma_wait3A_355 = tpu.memref_slice %arg3[%add3A_350, %dma_wait3A_354] : memref<2528x128xf32, #tpu.memory_space<hbm>> -> memref<1x128xf32, #tpu.memory_space<hbm>>
      %dma_wait3A_356 = tpu.memref_squeeze %dma_wait3A_355 : memref<1x128xf32, #tpu.memory_space<hbm>> -> memref<128xf32, #tpu.memory_space<hbm>>
      tpu.wait_dma2 semaphore(%arg27 : memref<!tpu.dma_semaphore, #tpu.memory_space<semaphore_mem>>) src(%dma_wait3A_356 : memref<128xf32, #tpu.memory_space<hbm>>) dst(%arg17 : memref<128xf32, #tpu.memory_space<vmem>>)
      %add3A_357 = arith.addi %mul3A_9, %mul3A_226 : i32
      %dma_wait3A_358 = arith.constant 0 : i32
      %dma_wait3A_359 = tpu.memref_slice %arg4[%add3A_357, %dma_wait3A_358] : memref<2528x128xf32, #tpu.memory_space<hbm>> -> memref<1x128xf32, #tpu.memory_space<hbm>>
      %dma_wait3A_360 = tpu.memref_squeeze %dma_wait3A_359 : memref<1x128xf32, #tpu.memory_space<hbm>> -> memref<128xf32, #tpu.memory_space<hbm>>
      %dma_wait3A_361 = arith.constant 0 : i32
      %dma_wait3A_362 = tpu.memref_slice %arg4[%add3A_357, %dma_wait3A_361] : memref<2528x128xf32, #tpu.memory_space<hbm>> -> memref<1x128xf32, #tpu.memory_space<hbm>>
      %dma_wait3A_363 = tpu.memref_squeeze %dma_wait3A_362 : memref<1x128xf32, #tpu.memory_space<hbm>> -> memref<128xf32, #tpu.memory_space<hbm>>
      tpu.wait_dma2 semaphore(%arg27 : memref<!tpu.dma_semaphore, #tpu.memory_space<semaphore_mem>>) src(%dma_wait3A_363 : memref<128xf32, #tpu.memory_space<hbm>>) dst(%arg19 : memref<128xf32, #tpu.memory_space<vmem>>)
      %dma_wait3A_364 = arith.constant 0 : i32
      %dma_wait3A_365 = arith.constant 0 : i32
      %dma_wait3A_366 = tpu.memref_slice %arg6[%dma_wait3A_364, %dma_wait3A_365] : memref<10240x128xf32, #tpu.memory_space<hbm>> -> memref<10240x128xf32, #tpu.memory_space<hbm>>
      tpu.wait_indirect_dma semaphore(%arg27 : memref<!tpu.dma_semaphore, #tpu.memory_space<semaphore_mem>>) src(%dma_wait3A_366 : memref<10240x128xf32, #tpu.memory_space<hbm>>) dst(%arg21 : memref<128x128xf32, #tpu.memory_space<vmem>>)
      %get3A_367 = arith.constant 0 : index
      %get3A_368 = tpu.vector_load %arg17[%get3A_367] {strides = array<i32>} : memref<128xf32, #tpu.memory_space<vmem>>, vector<16xf32>,
      %sub3A_369 = arith.subf %get3A_368, %get3A_7 : vector<16xf32>
      %exp3A_370 = math.exp %sub3A_369 : vector<16xf32>
      %swap3A_371 = arith.constant 0 : index
      %swap3A_372 = tpu.vector_load %arg17[%swap3A_371] {strides = array<i32>} : memref<128xf32, #tpu.memory_space<vmem>>, vector<16xf32>,
      tpu.vector_store %arg17[%swap3A_371], %exp3A_370 {strides = array<i32>} : memref<128xf32, #tpu.memory_space<vmem>>, vector<16xf32>,
      %get3A_373 = arith.constant 16 : index
      %get3A_374 = tpu.vector_load %arg17[%get3A_373] {strides = array<i32>} : memref<128xf32, #tpu.memory_space<vmem>>, vector<16xf32>,
      %sub3A_375 = arith.subf %get3A_374, %get3A_7 : vector<16xf32>
      %exp3A_376 = math.exp %sub3A_375 : vector<16xf32>
      %swap3A_377 = arith.constant 16 : index
      %swap3A_378 = tpu.vector_load %arg17[%swap3A_377] {strides = array<i32>} : memref<128xf32, #tpu.memory_space<vmem>>, vector<16xf32>,
      tpu.vector_store %arg17[%swap3A_377], %exp3A_376 {strides = array<i32>} : memref<128xf32, #tpu.memory_space<vmem>>, vector<16xf32>,
      %get3A_379 = arith.constant 32 : index
      %get3A_380 = tpu.vector_load %arg17[%get3A_379] {strides = array<i32>} : memref<128xf32, #tpu.memory_space<vmem>>, vector<16xf32>,
      %sub3A_381 = arith.subf %get3A_380, %get3A_7 : vector<16xf32>
      %exp3A_382 = math.exp %sub3A_381 : vector<16xf32>
      %swap3A_383 = arith.constant 32 : index
      %swap3A_384 = tpu.vector_load %arg17[%swap3A_383] {strides = array<i32>} : memref<128xf32, #tpu.memory_space<vmem>>, vector<16xf32>,
      tpu.vector_store %arg17[%swap3A_383], %exp3A_382 {strides = array<i32>} : memref<128xf32, #tpu.memory_space<vmem>>, vector<16xf32>,
      %get3A_385 = arith.constant 48 : index
      %get3A_386 = tpu.vector_load %arg17[%get3A_385] {strides = array<i32>} : memref<128xf32, #tpu.memory_space<vmem>>, vector<16xf32>,
      %sub3A_387 = arith.subf %get3A_386, %get3A_7 : vector<16xf32>
      %exp3A_388 = math.exp %sub3A_387 : vector<16xf32>
      %swap3A_389 = arith.constant 48 : index
      %swap3A_390 = tpu.vector_load %arg17[%swap3A_389] {strides = array<i32>} : memref<128xf32, #tpu.memory_space<vmem>>, vector<16xf32>,
      tpu.vector_store %arg17[%swap3A_389], %exp3A_388 {strides = array<i32>} : memref<128xf32, #tpu.memory_space<vmem>>, vector<16xf32>,
      %get3A_391 = arith.constant 64 : index
      %get3A_392 = tpu.vector_load %arg17[%get3A_391] {strides = array<i32>} : memref<128xf32, #tpu.memory_space<vmem>>, vector<16xf32>,
      %sub3A_393 = arith.subf %get3A_392, %get3A_7 : vector<16xf32>
      %exp3A_394 = math.exp %sub3A_393 : vector<16xf32>
      %swap3A_395 = arith.constant 64 : index
      %swap3A_396 = tpu.vector_load %arg17[%swap3A_395] {strides = array<i32>} : memref<128xf32, #tpu.memory_space<vmem>>, vector<16xf32>,
      tpu.vector_store %arg17[%swap3A_395], %exp3A_394 {strides = array<i32>} : memref<128xf32, #tpu.memory_space<vmem>>, vector<16xf32>,
      %get3A_397 = arith.constant 80 : index
      %get3A_398 = tpu.vector_load %arg17[%get3A_397] {strides = array<i32>} : memref<128xf32, #tpu.memory_space<vmem>>, vector<16xf32>,
      %sub3A_399 = arith.subf %get3A_398, %get3A_7 : vector<16xf32>
      %exp3A_400 = math.exp %sub3A_399 : vector<16xf32>
      %swap3A_401 = arith.constant 80 : index
      %swap3A_402 = tpu.vector_load %arg17[%swap3A_401] {strides = array<i32>} : memref<128xf32, #tpu.memory_space<vmem>>, vector<16xf32>,
      tpu.vector_store %arg17[%swap3A_401], %exp3A_400 {strides = array<i32>} : memref<128xf32, #tpu.memory_space<vmem>>, vector<16xf32>,
      %get3A_403 = arith.constant 96 : index
      %get3A_404 = tpu.vector_load %arg17[%get3A_403] {strides = array<i32>} : memref<128xf32, #tpu.memory_space<vmem>>, vector<16xf32>,
      %sub3A_405 = arith.subf %get3A_404, %get3A_7 : vector<16xf32>
      %exp3A_406 = math.exp %sub3A_405 : vector<16xf32>
      %swap3A_407 = arith.constant 96 : index
      %swap3A_408 = tpu.vector_load %arg17[%swap3A_407] {strides = array<i32>} : memref<128xf32, #tpu.memory_space<vmem>>, vector<16xf32>,
      tpu.vector_store %arg17[%swap3A_407], %exp3A_406 {strides = array<i32>} : memref<128xf32, #tpu.memory_space<vmem>>, vector<16xf32>,
      %get3A_409 = arith.constant 112 : index
      %get3A_410 = tpu.vector_load %arg17[%get3A_409] {strides = array<i32>} : memref<128xf32, #tpu.memory_space<vmem>>, vector<16xf32>,
      %sub3A_411 = arith.subf %get3A_410, %get3A_7 : vector<16xf32>
      %exp3A_412 = math.exp %sub3A_411 : vector<16xf32>
      %swap3A_413 = arith.constant 112 : index
      %swap3A_414 = tpu.vector_load %arg17[%swap3A_413] {strides = array<i32>} : memref<128xf32, #tpu.memory_space<vmem>>, vector<16xf32>,
      tpu.vector_store %arg17[%swap3A_413], %exp3A_412 {strides = array<i32>} : memref<128xf32, #tpu.memory_space<vmem>>, vector<16xf32>,
      "tpu.region"() ({
        %run_scoped3A_615 = tpu.sem_alloc : memref<!tpu.dma_semaphore, #tpu.memory_space<semaphore_mem>>
        %dma_start3A_616 = arith.constant 0 : i32
        %dma_start3A_617 = tpu.memref_slice %arg24[%dma_start3A_616] : memref<10240xf32, #tpu.memory_space<vmem_shared>> -> memref<10240xf32, #tpu.memory_space<vmem_shared>>
        tpu.enqueue_indirect_dma source(%arg17 : memref<128xf32, #tpu.memory_space<vmem>>) target(%dma_start3A_617 : memref<10240xf32, #tpu.memory_space<vmem_shared>>) offsets(%arg15 : memref<128xi32, #tpu.memory_space<vmem>>) semaphore(%run_scoped3A_615 : memref<!tpu.dma_semaphore, #tpu.memory_space<semaphore_mem>>) {add = true}
        %dma_wait3A_618 = arith.constant 0 : i32
        %dma_wait3A_619 = tpu.memref_slice %arg24[%dma_wait3A_618] : memref<10240xf32, #tpu.memory_space<vmem_shared>> -> memref<10240xf32, #tpu.memory_space<vmem_shared>>
        tpu.wait_indirect_dma semaphore(%run_scoped3A_615 : memref<!tpu.dma_semaphore, #tpu.memory_space<semaphore_mem>>) src(%arg17 : memref<128xf32, #tpu.memory_space<vmem>>) dst(%dma_wait3A_619 : memref<10240xf32, #tpu.memory_space<vmem_shared>>)
        tpu.yield
      }) : () -> ()
      "tpu.region"() ({
        %run_scoped3A_615 = tpu.sem_alloc : memref<!tpu.dma_semaphore, #tpu.memory_space<semaphore_mem>>
        %dma_start3A_616 = arith.constant 0 : i32
        %dma_start3A_617 = tpu.memref_slice %arg25[%dma_start3A_616] : memref<10240xf32, #tpu.memory_space<vmem_shared>> -> memref<10240xf32, #tpu.memory_space<vmem_shared>>
        tpu.enqueue_indirect_dma source(%arg19 : memref<128xf32, #tpu.memory_space<vmem>>) target(%dma_start3A_617 : memref<10240xf32, #tpu.memory_space<vmem_shared>>) offsets(%arg15 : memref<128xi32, #tpu.memory_space<vmem>>) semaphore(%run_scoped3A_615 : memref<!tpu.dma_semaphore, #tpu.memory_space<semaphore_mem>>) {add = true}
        %dma_wait3A_618 = arith.constant 0 : i32
        %dma_wait3A_619 = tpu.memref_slice %arg25[%dma_wait3A_618] : memref<10240xf32, #tpu.memory_space<vmem_shared>> -> memref<10240xf32, #tpu.memory_space<vmem_shared>>
        tpu.wait_indirect_dma semaphore(%run_scoped3A_615 : memref<!tpu.dma_semaphore, #tpu.memory_space<semaphore_mem>>) src(%arg19 : memref<128xf32, #tpu.memory_space<vmem>>) dst(%dma_wait3A_619 : memref<10240xf32, #tpu.memory_space<vmem_shared>>)
        tpu.yield
      }) : () -> ()
      %scan3A_415 = arith.constant 0 : i32
      %scan3A_416 = arith.constant 0 : i32
      %scan3A_417 = arith.constant 128 : i32
      %scan3A_418 = arith.addi %scan3A_416, %scan3A_417 : i32
      %scan3A_419 = arith.constant 1 : i32
      scf.for %scan3A_615 = %scan3A_416 to %scan3A_418 step %scan3A_419  : i32 {
        %broadcast_in_dim3A = vector.broadcast %scan3A_615 : i32 to vector<16xi32>
        %gather3A = tpu.vector_load_idx %arg17[%broadcast_in_dim3A] : memref<128xf32, #tpu.memory_space<vmem>>[vector<16xi32>], vector<16xf32>,
        %get3A_616 = arith.index_cast %scan3A_615 : i32 to index
        %get3A_617 = arith.constant 0 : index
        %get3A_618 = tpu.vector_load %arg21[%get3A_616, %get3A_617] {strides = array<i32>} : memref<128x128xf32, #tpu.memory_space<vmem>>, vector<16xf32>,
        %mul3A_619 = arith.mulf %get3A_618, %gather3A : vector<16xf32>
        %swap3A_620 = arith.index_cast %scan3A_615 : i32 to index
        %swap3A_621 = arith.constant 0 : index
        %swap3A_622 = tpu.vector_load %arg21[%swap3A_620, %swap3A_621] {strides = array<i32>} : memref<128x128xf32, #tpu.memory_space<vmem>>, vector<16xf32>,
        tpu.vector_store %arg21[%swap3A_620, %swap3A_621], %mul3A_619 {strides = array<i32>} : memref<128x128xf32, #tpu.memory_space<vmem>>, vector<16xf32>,
        %get3A_623 = arith.index_cast %scan3A_615 : i32 to index
        %get3A_624 = arith.constant 16 : index
        %get3A_625 = tpu.vector_load %arg21[%get3A_623, %get3A_624] {strides = array<i32>} : memref<128x128xf32, #tpu.memory_space<vmem>>, vector<16xf32>,
        %mul3A_626 = arith.mulf %get3A_625, %gather3A : vector<16xf32>
        %swap3A_627 = arith.index_cast %scan3A_615 : i32 to index
        %swap3A_628 = arith.constant 16 : index
        %swap3A_629 = tpu.vector_load %arg21[%swap3A_627, %swap3A_628] {strides = array<i32>} : memref<128x128xf32, #tpu.memory_space<vmem>>, vector<16xf32>,
        tpu.vector_store %arg21[%swap3A_627, %swap3A_628], %mul3A_626 {strides = array<i32>} : memref<128x128xf32, #tpu.memory_space<vmem>>, vector<16xf32>,
        %get3A_630 = arith.index_cast %scan3A_615 : i32 to index
        %get3A_631 = arith.constant 32 : index
        %get3A_632 = tpu.vector_load %arg21[%get3A_630, %get3A_631] {strides = array<i32>} : memref<128x128xf32, #tpu.memory_space<vmem>>, vector<16xf32>,
        %mul3A_633 = arith.mulf %get3A_632, %gather3A : vector<16xf32>
        %swap3A_634 = arith.index_cast %scan3A_615 : i32 to index
        %swap3A_635 = arith.constant 32 : index
        %swap3A_636 = tpu.vector_load %arg21[%swap3A_634, %swap3A_635] {strides = array<i32>} : memref<128x128xf32, #tpu.memory_space<vmem>>, vector<16xf32>,
        tpu.vector_store %arg21[%swap3A_634, %swap3A_635], %mul3A_633 {strides = array<i32>} : memref<128x128xf32, #tpu.memory_space<vmem>>, vector<16xf32>,
        %get3A_637 = arith.index_cast %scan3A_615 : i32 to index
        %get3A_638 = arith.constant 48 : index
        %get3A_639 = tpu.vector_load %arg21[%get3A_637, %get3A_638] {strides = array<i32>} : memref<128x128xf32, #tpu.memory_space<vmem>>, vector<16xf32>,
        %mul3A_640 = arith.mulf %get3A_639, %gather3A : vector<16xf32>
        %swap3A_641 = arith.index_cast %scan3A_615 : i32 to index
        %swap3A_642 = arith.constant 48 : index
        %swap3A_643 = tpu.vector_load %arg21[%swap3A_641, %swap3A_642] {strides = array<i32>} : memref<128x128xf32, #tpu.memory_space<vmem>>, vector<16xf32>,
        tpu.vector_store %arg21[%swap3A_641, %swap3A_642], %mul3A_640 {strides = array<i32>} : memref<128x128xf32, #tpu.memory_space<vmem>>, vector<16xf32>,
        %get3A_644 = arith.index_cast %scan3A_615 : i32 to index
        %get3A_645 = arith.constant 64 : index
        %get3A_646 = tpu.vector_load %arg21[%get3A_644, %get3A_645] {strides = array<i32>} : memref<128x128xf32, #tpu.memory_space<vmem>>, vector<16xf32>,
        %mul3A_647 = arith.mulf %get3A_646, %gather3A : vector<16xf32>
        %swap3A_648 = arith.index_cast %scan3A_615 : i32 to index
        %swap3A_649 = arith.constant 64 : index
        %swap3A_650 = tpu.vector_load %arg21[%swap3A_648, %swap3A_649] {strides = array<i32>} : memref<128x128xf32, #tpu.memory_space<vmem>>, vector<16xf32>,
        tpu.vector_store %arg21[%swap3A_648, %swap3A_649], %mul3A_647 {strides = array<i32>} : memref<128x128xf32, #tpu.memory_space<vmem>>, vector<16xf32>,
        %get3A_651 = arith.index_cast %scan3A_615 : i32 to index
        %get3A_652 = arith.constant 80 : index
        %get3A_653 = tpu.vector_load %arg21[%get3A_651, %get3A_652] {strides = array<i32>} : memref<128x128xf32, #tpu.memory_space<vmem>>, vector<16xf32>,
        %mul3A_654 = arith.mulf %get3A_653, %gather3A : vector<16xf32>
        %swap3A_655 = arith.index_cast %scan3A_615 : i32 to index
        %swap3A_656 = arith.constant 80 : index
        %swap3A_657 = tpu.vector_load %arg21[%swap3A_655, %swap3A_656] {strides = array<i32>} : memref<128x128xf32, #tpu.memory_space<vmem>>, vector<16xf32>,
        tpu.vector_store %arg21[%swap3A_655, %swap3A_656], %mul3A_654 {strides = array<i32>} : memref<128x128xf32, #tpu.memory_space<vmem>>, vector<16xf32>,
        %get3A_658 = arith.index_cast %scan3A_615 : i32 to index
        %get3A_659 = arith.constant 96 : index
        %get3A_660 = tpu.vector_load %arg21[%get3A_658, %get3A_659] {strides = array<i32>} : memref<128x128xf32, #tpu.memory_space<vmem>>, vector<16xf32>,
        %mul3A_661 = arith.mulf %get3A_660, %gather3A : vector<16xf32>
        %swap3A_662 = arith.index_cast %scan3A_615 : i32 to index
        %swap3A_663 = arith.constant 96 : index
        %swap3A_664 = tpu.vector_load %arg21[%swap3A_662, %swap3A_663] {strides = array<i32>} : memref<128x128xf32, #tpu.memory_space<vmem>>, vector<16xf32>,
        tpu.vector_store %arg21[%swap3A_662, %swap3A_663], %mul3A_661 {strides = array<i32>} : memref<128x128xf32, #tpu.memory_space<vmem>>, vector<16xf32>,
        %get3A_665 = arith.index_cast %scan3A_615 : i32 to index
        %get3A_666 = arith.constant 112 : index
        %get3A_667 = tpu.vector_load %arg21[%get3A_665, %get3A_666] {strides = array<i32>} : memref<128x128xf32, #tpu.memory_space<vmem>>, vector<16xf32>,
        %mul3A_668 = arith.mulf %get3A_667, %gather3A : vector<16xf32>
        %swap3A_669 = arith.index_cast %scan3A_615 : i32 to index
        %swap3A_670 = arith.constant 112 : index
        %swap3A_671 = tpu.vector_load %arg21[%swap3A_669, %swap3A_670] {strides = array<i32>} : memref<128x128xf32, #tpu.memory_space<vmem>>, vector<16xf32>,
        tpu.vector_store %arg21[%swap3A_669, %swap3A_670], %mul3A_668 {strides = array<i32>} : memref<128x128xf32, #tpu.memory_space<vmem>>, vector<16xf32>,
      }
      %scan3A_420 = arith.constant 128 : i32
      "tpu.region"() ({
        %run_scoped3A_615 = tpu.sem_alloc : memref<!tpu.dma_semaphore, #tpu.memory_space<semaphore_mem>>
        %dma_start3A_616 = arith.constant 0 : i32
        %dma_start3A_617 = arith.constant 0 : i32
        %dma_start3A_618 = tpu.memref_slice %arg26[%dma_start3A_616, %dma_start3A_617] : memref<10240x128xf32, #tpu.memory_space<vmem_shared>> -> memref<10240x128xf32, #tpu.memory_space<vmem_shared>>
        tpu.enqueue_indirect_dma source(%arg21 : memref<128x128xf32, #tpu.memory_space<vmem>>) target(%dma_start3A_618 : memref<10240x128xf32, #tpu.memory_space<vmem_shared>>) offsets(%arg15 : memref<128xi32, #tpu.memory_space<vmem>>) semaphore(%run_scoped3A_615 : memref<!tpu.dma_semaphore, #tpu.memory_space<semaphore_mem>>) {add = true}
        %dma_wait3A_619 = arith.constant 0 : i32
        %dma_wait3A_620 = arith.constant 0 : i32
        %dma_wait3A_621 = tpu.memref_slice %arg26[%dma_wait3A_619, %dma_wait3A_620] : memref<10240x128xf32, #tpu.memory_space<vmem_shared>> -> memref<10240x128xf32, #tpu.memory_space<vmem_shared>>
        tpu.wait_indirect_dma semaphore(%run_scoped3A_615 : memref<!tpu.dma_semaphore, #tpu.memory_space<semaphore_mem>>) src(%arg21 : memref<128x128xf32, #tpu.memory_space<vmem>>) dst(%dma_wait3A_621 : memref<10240x128xf32, #tpu.memory_space<vmem_shared>>)
        tpu.yield
      }) : () -> ()
      %add3A_421 = arith.constant 2 : i32
      %add3A_422 = arith.addi %mul3A_226, %add3A_421 : i32
      %get3A_423 = arith.index_cast %add3A_422 : i32 to index
      %get3A_424 = arith.constant 0 : index
      %get3A_425 = tpu.vector_load %arg12[%get3A_423, %get3A_424] {strides = array<i32>} : memref<79x128xi32, #tpu.memory_space<vmem>>, vector<16xi32>,
      %and3A_426 = arith.constant 65535 : i32
      %and3A_427 = vector.broadcast %and3A_426 : i32 to vector<16xi32>
      %and3A_428 = arith.andi %get3A_425, %and3A_427 : vector<16xi32>
      %swap3A_429 = arith.constant 0 : index
      %swap3A_430 = tpu.vector_load %arg13[%swap3A_429] {strides = array<i32>} : memref<128xi32, #tpu.memory_space<vmem>>, vector<16xi32>,
      tpu.vector_store %arg13[%swap3A_429], %and3A_428 {strides = array<i32>} : memref<128xi32, #tpu.memory_space<vmem>>, vector<16xi32>,
      %shift_right_logical3A_431 = arith.constant 16 : i32
      %shift_right_logical3A_432 = vector.broadcast %shift_right_logical3A_431 : i32 to vector<16xi32>
      %shift_right_logical3A_433 = arith.shrui %get3A_425, %shift_right_logical3A_432 : vector<16xi32>
      %swap3A_434 = arith.constant 0 : index
      %swap3A_435 = tpu.vector_load %arg15[%swap3A_434] {strides = array<i32>} : memref<128xi32, #tpu.memory_space<vmem>>, vector<16xi32>,
      tpu.vector_store %arg15[%swap3A_434], %shift_right_logical3A_433 {strides = array<i32>} : memref<128xi32, #tpu.memory_space<vmem>>, vector<16xi32>,
      %get3A_436 = arith.index_cast %add3A_422 : i32 to index
      %get3A_437 = arith.constant 16 : index
      %get3A_438 = tpu.vector_load %arg12[%get3A_436, %get3A_437] {strides = array<i32>} : memref<79x128xi32, #tpu.memory_space<vmem>>, vector<16xi32>,
      %and3A_439 = arith.constant 65535 : i32
      %and3A_440 = vector.broadcast %and3A_439 : i32 to vector<16xi32>
      %and3A_441 = arith.andi %get3A_438, %and3A_440 : vector<16xi32>
      %swap3A_442 = arith.constant 16 : index
      %swap3A_443 = tpu.vector_load %arg13[%swap3A_442] {strides = array<i32>} : memref<128xi32, #tpu.memory_space<vmem>>, vector<16xi32>,
      tpu.vector_store %arg13[%swap3A_442], %and3A_441 {strides = array<i32>} : memref<128xi32, #tpu.memory_space<vmem>>, vector<16xi32>,
      %shift_right_logical3A_444 = arith.constant 16 : i32
      %shift_right_logical3A_445 = vector.broadcast %shift_right_logical3A_444 : i32 to vector<16xi32>
      %shift_right_logical3A_446 = arith.shrui %get3A_438, %shift_right_logical3A_445 : vector<16xi32>
      %swap3A_447 = arith.constant 16 : index
      %swap3A_448 = tpu.vector_load %arg15[%swap3A_447] {strides = array<i32>} : memref<128xi32, #tpu.memory_space<vmem>>, vector<16xi32>,
      tpu.vector_store %arg15[%swap3A_447], %shift_right_logical3A_446 {strides = array<i32>} : memref<128xi32, #tpu.memory_space<vmem>>, vector<16xi32>,
      %get3A_449 = arith.index_cast %add3A_422 : i32 to index
      %get3A_450 = arith.constant 32 : index
      %get3A_451 = tpu.vector_load %arg12[%get3A_449, %get3A_450] {strides = array<i32>} : memref<79x128xi32, #tpu.memory_space<vmem>>, vector<16xi32>,
      %and3A_452 = arith.constant 65535 : i32
      %and3A_453 = vector.broadcast %and3A_452 : i32 to vector<16xi32>
      %and3A_454 = arith.andi %get3A_451, %and3A_453 : vector<16xi32>
      %swap3A_455 = arith.constant 32 : index
      %swap3A_456 = tpu.vector_load %arg13[%swap3A_455] {strides = array<i32>} : memref<128xi32, #tpu.memory_space<vmem>>, vector<16xi32>,
      tpu.vector_store %arg13[%swap3A_455], %and3A_454 {strides = array<i32>} : memref<128xi32, #tpu.memory_space<vmem>>, vector<16xi32>,
      %shift_right_logical3A_457 = arith.constant 16 : i32
      %shift_right_logical3A_458 = vector.broadcast %shift_right_logical3A_457 : i32 to vector<16xi32>
      %shift_right_logical3A_459 = arith.shrui %get3A_451, %shift_right_logical3A_458 : vector<16xi32>
      %swap3A_460 = arith.constant 32 : index
      %swap3A_461 = tpu.vector_load %arg15[%swap3A_460] {strides = array<i32>} : memref<128xi32, #tpu.memory_space<vmem>>, vector<16xi32>,
      tpu.vector_store %arg15[%swap3A_460], %shift_right_logical3A_459 {strides = array<i32>} : memref<128xi32, #tpu.memory_space<vmem>>, vector<16xi32>,
      %get3A_462 = arith.index_cast %add3A_422 : i32 to index
      %get3A_463 = arith.constant 48 : index
      %get3A_464 = tpu.vector_load %arg12[%get3A_462, %get3A_463] {strides = array<i32>} : memref<79x128xi32, #tpu.memory_space<vmem>>, vector<16xi32>,
      %and3A_465 = arith.constant 65535 : i32
      %and3A_466 = vector.broadcast %and3A_465 : i32 to vector<16xi32>
      %and3A_467 = arith.andi %get3A_464, %and3A_466 : vector<16xi32>
      %swap3A_468 = arith.constant 48 : index
      %swap3A_469 = tpu.vector_load %arg13[%swap3A_468] {strides = array<i32>} : memref<128xi32, #tpu.memory_space<vmem>>, vector<16xi32>,
      tpu.vector_store %arg13[%swap3A_468], %and3A_467 {strides = array<i32>} : memref<128xi32, #tpu.memory_space<vmem>>, vector<16xi32>,
      %shift_right_logical3A_470 = arith.constant 16 : i32
      %shift_right_logical3A_471 = vector.broadcast %shift_right_logical3A_470 : i32 to vector<16xi32>
      %shift_right_logical3A_472 = arith.shrui %get3A_464, %shift_right_logical3A_471 : vector<16xi32>
      %swap3A_473 = arith.constant 48 : index
      %swap3A_474 = tpu.vector_load %arg15[%swap3A_473] {strides = array<i32>} : memref<128xi32, #tpu.memory_space<vmem>>, vector<16xi32>,
      tpu.vector_store %arg15[%swap3A_473], %shift_right_logical3A_472 {strides = array<i32>} : memref<128xi32, #tpu.memory_space<vmem>>, vector<16xi32>,
      %get3A_475 = arith.index_cast %add3A_422 : i32 to index
      %get3A_476 = arith.constant 64 : index
      %get3A_477 = tpu.vector_load %arg12[%get3A_475, %get3A_476] {strides = array<i32>} : memref<79x128xi32, #tpu.memory_space<vmem>>, vector<16xi32>,
      %and3A_478 = arith.constant 65535 : i32
      %and3A_479 = vector.broadcast %and3A_478 : i32 to vector<16xi32>
      %and3A_480 = arith.andi %get3A_477, %and3A_479 : vector<16xi32>
      %swap3A_481 = arith.constant 64 : index
      %swap3A_482 = tpu.vector_load %arg13[%swap3A_481] {strides = array<i32>} : memref<128xi32, #tpu.memory_space<vmem>>, vector<16xi32>,
      tpu.vector_store %arg13[%swap3A_481], %and3A_480 {strides = array<i32>} : memref<128xi32, #tpu.memory_space<vmem>>, vector<16xi32>,
      %shift_right_logical3A_483 = arith.constant 16 : i32
      %shift_right_logical3A_484 = vector.broadcast %shift_right_logical3A_483 : i32 to vector<16xi32>
      %shift_right_logical3A_485 = arith.shrui %get3A_477, %shift_right_logical3A_484 : vector<16xi32>
      %swap3A_486 = arith.constant 64 : index
      %swap3A_487 = tpu.vector_load %arg15[%swap3A_486] {strides = array<i32>} : memref<128xi32, #tpu.memory_space<vmem>>, vector<16xi32>,
      tpu.vector_store %arg15[%swap3A_486], %shift_right_logical3A_485 {strides = array<i32>} : memref<128xi32, #tpu.memory_space<vmem>>, vector<16xi32>,
      %get3A_488 = arith.index_cast %add3A_422 : i32 to index
      %get3A_489 = arith.constant 80 : index
      %get3A_490 = tpu.vector_load %arg12[%get3A_488, %get3A_489] {strides = array<i32>} : memref<79x128xi32, #tpu.memory_space<vmem>>, vector<16xi32>,
      %and3A_491 = arith.constant 65535 : i32
      %and3A_492 = vector.broadcast %and3A_491 : i32 to vector<16xi32>
      %and3A_493 = arith.andi %get3A_490, %and3A_492 : vector<16xi32>
      %swap3A_494 = arith.constant 80 : index
      %swap3A_495 = tpu.vector_load %arg13[%swap3A_494] {strides = array<i32>} : memref<128xi32, #tpu.memory_space<vmem>>, vector<16xi32>,
      tpu.vector_store %arg13[%swap3A_494], %and3A_493 {strides = array<i32>} : memref<128xi32, #tpu.memory_space<vmem>>, vector<16xi32>,
      %shift_right_logical3A_496 = arith.constant 16 : i32
      %shift_right_logical3A_497 = vector.broadcast %shift_right_logical3A_496 : i32 to vector<16xi32>
      %shift_right_logical3A_498 = arith.shrui %get3A_490, %shift_right_logical3A_497 : vector<16xi32>
      %swap3A_499 = arith.constant 80 : index
      %swap3A_500 = tpu.vector_load %arg15[%swap3A_499] {strides = array<i32>} : memref<128xi32, #tpu.memory_space<vmem>>, vector<16xi32>,
      tpu.vector_store %arg15[%swap3A_499], %shift_right_logical3A_498 {strides = array<i32>} : memref<128xi32, #tpu.memory_space<vmem>>, vector<16xi32>,
      %get3A_501 = arith.index_cast %add3A_422 : i32 to index
      %get3A_502 = arith.constant 96 : index
      %get3A_503 = tpu.vector_load %arg12[%get3A_501, %get3A_502] {strides = array<i32>} : memref<79x128xi32, #tpu.memory_space<vmem>>, vector<16xi32>,
      %and3A_504 = arith.constant 65535 : i32
      %and3A_505 = vector.broadcast %and3A_504 : i32 to vector<16xi32>
      %and3A_506 = arith.andi %get3A_503, %and3A_505 : vector<16xi32>
      %swap3A_507 = arith.constant 96 : index
      %swap3A_508 = tpu.vector_load %arg13[%swap3A_507] {strides = array<i32>} : memref<128xi32, #tpu.memory_space<vmem>>, vector<16xi32>,
      tpu.vector_store %arg13[%swap3A_507], %and3A_506 {strides = array<i32>} : memref<128xi32, #tpu.memory_space<vmem>>, vector<16xi32>,
      %shift_right_logical3A_509 = arith.constant 16 : i32
      %shift_right_logical3A_510 = vector.broadcast %shift_right_logical3A_509 : i32 to vector<16xi32>
      %shift_right_logical3A_511 = arith.shrui %get3A_503, %shift_right_logical3A_510 : vector<16xi32>
      %swap3A_512 = arith.constant 96 : index
      %swap3A_513 = tpu.vector_load %arg15[%swap3A_512] {strides = array<i32>} : memref<128xi32, #tpu.memory_space<vmem>>, vector<16xi32>,
      tpu.vector_store %arg15[%swap3A_512], %shift_right_logical3A_511 {strides = array<i32>} : memref<128xi32, #tpu.memory_space<vmem>>, vector<16xi32>,
      %get3A_514 = arith.index_cast %add3A_422 : i32 to index
      %get3A_515 = arith.constant 112 : index
      %get3A_516 = tpu.vector_load %arg12[%get3A_514, %get3A_515] {strides = array<i32>} : memref<79x128xi32, #tpu.memory_space<vmem>>, vector<16xi32>,
      %and3A_517 = arith.constant 65535 : i32
      %and3A_518 = vector.broadcast %and3A_517 : i32 to vector<16xi32>
      %and3A_519 = arith.andi %get3A_516, %and3A_518 : vector<16xi32>
      %swap3A_520 = arith.constant 112 : index
      %swap3A_521 = tpu.vector_load %arg13[%swap3A_520] {strides = array<i32>} : memref<128xi32, #tpu.memory_space<vmem>>, vector<16xi32>,
      tpu.vector_store %arg13[%swap3A_520], %and3A_519 {strides = array<i32>} : memref<128xi32, #tpu.memory_space<vmem>>, vector<16xi32>,
      %shift_right_logical3A_522 = arith.constant 16 : i32
      %shift_right_logical3A_523 = vector.broadcast %shift_right_logical3A_522 : i32 to vector<16xi32>
      %shift_right_logical3A_524 = arith.shrui %get3A_516, %shift_right_logical3A_523 : vector<16xi32>
      %swap3A_525 = arith.constant 112 : index
      %swap3A_526 = tpu.vector_load %arg15[%swap3A_525] {strides = array<i32>} : memref<128xi32, #tpu.memory_space<vmem>>, vector<16xi32>,
      tpu.vector_store %arg15[%swap3A_525], %shift_right_logical3A_524 {strides = array<i32>} : memref<128xi32, #tpu.memory_space<vmem>>, vector<16xi32>,
      %add3A_527 = arith.addi %mul3A_9, %add3A_422 : i32
      %dma_start3A_528 = arith.constant 0 : i32
      %dma_start3A_529 = tpu.memref_slice %arg3[%add3A_527, %dma_start3A_528] : memref<2528x128xf32, #tpu.memory_space<hbm>> -> memref<1x128xf32, #tpu.memory_space<hbm>>
      %dma_start3A_530 = tpu.memref_squeeze %dma_start3A_529 : memref<1x128xf32, #tpu.memory_space<hbm>> -> memref<128xf32, #tpu.memory_space<hbm>>
      %dma_start3A_531 = arith.constant 0 : i32
      %dma_start3A_532 = tpu.memref_slice %arg3[%add3A_527, %dma_start3A_531] : memref<2528x128xf32, #tpu.memory_space<hbm>> -> memref<1x128xf32, #tpu.memory_space<hbm>>
      %dma_start3A_533 = tpu.memref_squeeze %dma_start3A_532 : memref<1x128xf32, #tpu.memory_space<hbm>> -> memref<128xf32, #tpu.memory_space<hbm>>
      tpu.enqueue_dma source(%dma_start3A_533 : memref<128xf32, #tpu.memory_space<hbm>>) target(%arg17 : memref<128xf32, #tpu.memory_space<vmem>>) target_semaphore(%arg27 : memref<!tpu.dma_semaphore, #tpu.memory_space<semaphore_mem>>)
      %add3A_534 = arith.addi %mul3A_9, %add3A_422 : i32
      %dma_start3A_535 = arith.constant 0 : i32
      %dma_start3A_536 = tpu.memref_slice %arg4[%add3A_534, %dma_start3A_535] : memref<2528x128xf32, #tpu.memory_space<hbm>> -> memref<1x128xf32, #tpu.memory_space<hbm>>
      %dma_start3A_537 = tpu.memref_squeeze %dma_start3A_536 : memref<1x128xf32, #tpu.memory_space<hbm>> -> memref<128xf32, #tpu.memory_space<hbm>>
      %dma_start3A_538 = arith.constant 0 : i32
      %dma_start3A_539 = tpu.memref_slice %arg4[%add3A_534, %dma_start3A_538] : memref<2528x128xf32, #tpu.memory_space<hbm>> -> memref<1x128xf32, #tpu.memory_space<hbm>>
      %dma_start3A_540 = tpu.memref_squeeze %dma_start3A_539 : memref<1x128xf32, #tpu.memory_space<hbm>> -> memref<128xf32, #tpu.memory_space<hbm>>
      tpu.enqueue_dma source(%dma_start3A_540 : memref<128xf32, #tpu.memory_space<hbm>>) target(%arg19 : memref<128xf32, #tpu.memory_space<vmem>>) target_semaphore(%arg27 : memref<!tpu.dma_semaphore, #tpu.memory_space<semaphore_mem>>)
      %dma_start3A_541 = arith.constant 0 : i32
      %dma_start3A_542 = arith.constant 0 : i32
      %dma_start3A_543 = tpu.memref_slice %arg6[%dma_start3A_541, %dma_start3A_542] : memref<10240x128xf32, #tpu.memory_space<hbm>> -> memref<10240x128xf32, #tpu.memory_space<hbm>>
      tpu.enqueue_indirect_dma source(%dma_start3A_543 : memref<10240x128xf32, #tpu.memory_space<hbm>>) target(%arg21 : memref<128x128xf32, #tpu.memory_space<vmem>>) offsets(%arg13 : memref<128xi32, #tpu.memory_space<vmem>>) semaphore(%arg27 : memref<!tpu.dma_semaphore, #tpu.memory_space<semaphore_mem>>)
      %add3A_544 = arith.addi %mul3A_9, %add3A_228 : i32
      %dma_wait3A_545 = arith.constant 0 : i32
      %dma_wait3A_546 = tpu.memref_slice %arg3[%add3A_544, %dma_wait3A_545] : memref<2528x128xf32, #tpu.memory_space<hbm>> -> memref<1x128xf32, #tpu.memory_space<hbm>>
      %dma_wait3A_547 = tpu.memref_squeeze %dma_wait3A_546 : memref<1x128xf32, #tpu.memory_space<hbm>> -> memref<128xf32, #tpu.memory_space<hbm>>
      %dma_wait3A_548 = arith.constant 0 : i32
      %dma_wait3A_549 = tpu.memref_slice %arg3[%add3A_544, %dma_wait3A_548] : memref<2528x128xf32, #tpu.memory_space<hbm>> -> memref<1x128xf32, #tpu.memory_space<hbm>>
      %dma_wait3A_550 = tpu.memref_squeeze %dma_wait3A_549 : memref<1x128xf32, #tpu.memory_space<hbm>> -> memref<128xf32, #tpu.memory_space<hbm>>
      tpu.wait_dma2 semaphore(%arg28 : memref<!tpu.dma_semaphore, #tpu.memory_space<semaphore_mem>>) src(%dma_wait3A_550 : memref<128xf32, #tpu.memory_space<hbm>>) dst(%arg18 : memref<128xf32, #tpu.memory_space<vmem>>)
      %add3A_551 = arith.addi %mul3A_9, %add3A_228 : i32
      %dma_wait3A_552 = arith.constant 0 : i32
      %dma_wait3A_553 = tpu.memref_slice %arg4[%add3A_551, %dma_wait3A_552] : memref<2528x128xf32, #tpu.memory_space<hbm>> -> memref<1x128xf32, #tpu.memory_space<hbm>>
      %dma_wait3A_554 = tpu.memref_squeeze %dma_wait3A_553 : memref<1x128xf32, #tpu.memory_space<hbm>> -> memref<128xf32, #tpu.memory_space<hbm>>
      %dma_wait3A_555 = arith.constant 0 : i32
      %dma_wait3A_556 = tpu.memref_slice %arg4[%add3A_551, %dma_wait3A_555] : memref<2528x128xf32, #tpu.memory_space<hbm>> -> memref<1x128xf32, #tpu.memory_space<hbm>>
      %dma_wait3A_557 = tpu.memref_squeeze %dma_wait3A_556 : memref<1x128xf32, #tpu.memory_space<hbm>> -> memref<128xf32, #tpu.memory_space<hbm>>
      tpu.wait_dma2 semaphore(%arg28 : memref<!tpu.dma_semaphore, #tpu.memory_space<semaphore_mem>>) src(%dma_wait3A_557 : memref<128xf32, #tpu.memory_space<hbm>>) dst(%arg20 : memref<128xf32, #tpu.memory_space<vmem>>)
      %dma_wait3A_558 = arith.constant 0 : i32
      %dma_wait3A_559 = arith.constant 0 : i32
      %dma_wait3A_560 = tpu.memref_slice %arg6[%dma_wait3A_558, %dma_wait3A_559] : memref<10240x128xf32, #tpu.memory_space<hbm>> -> memref<10240x128xf32, #tpu.memory_space<hbm>>
      tpu.wait_indirect_dma semaphore(%arg28 : memref<!tpu.dma_semaphore, #tpu.memory_space<semaphore_mem>>) src(%dma_wait3A_560 : memref<10240x128xf32, #tpu.memory_space<hbm>>) dst(%arg22 : memref<128x128xf32, #tpu.memory_space<vmem>>)
      %get3A_561 = arith.constant 0 : index
      %get3A_562 = tpu.vector_load %arg18[%get3A_561] {strides = array<i32>} : memref<128xf32, #tpu.memory_space<vmem>>, vector<16xf32>,
      %sub3A_563 = arith.subf %get3A_562, %get3A_7 : vector<16xf32>
      %exp3A_564 = math.exp %sub3A_563 : vector<16xf32>
      %swap3A_565 = arith.constant 0 : index
      %swap3A_566 = tpu.vector_load %arg18[%swap3A_565] {strides = array<i32>} : memref<128xf32, #tpu.memory_space<vmem>>, vector<16xf32>,
      tpu.vector_store %arg18[%swap3A_565], %exp3A_564 {strides = array<i32>} : memref<128xf32, #tpu.memory_space<vmem>>, vector<16xf32>,
      %get3A_567 = arith.constant 16 : index
      %get3A_568 = tpu.vector_load %arg18[%get3A_567] {strides = array<i32>} : memref<128xf32, #tpu.memory_space<vmem>>, vector<16xf32>,
      %sub3A_569 = arith.subf %get3A_568, %get3A_7 : vector<16xf32>
      %exp3A_570 = math.exp %sub3A_569 : vector<16xf32>
      %swap3A_571 = arith.constant 16 : index
      %swap3A_572 = tpu.vector_load %arg18[%swap3A_571] {strides = array<i32>} : memref<128xf32, #tpu.memory_space<vmem>>, vector<16xf32>,
      tpu.vector_store %arg18[%swap3A_571], %exp3A_570 {strides = array<i32>} : memref<128xf32, #tpu.memory_space<vmem>>, vector<16xf32>,
      %get3A_573 = arith.constant 32 : index
      %get3A_574 = tpu.vector_load %arg18[%get3A_573] {strides = array<i32>} : memref<128xf32, #tpu.memory_space<vmem>>, vector<16xf32>,
      %sub3A_575 = arith.subf %get3A_574, %get3A_7 : vector<16xf32>
      %exp3A_576 = math.exp %sub3A_575 : vector<16xf32>
      %swap3A_577 = arith.constant 32 : index
      %swap3A_578 = tpu.vector_load %arg18[%swap3A_577] {strides = array<i32>} : memref<128xf32, #tpu.memory_space<vmem>>, vector<16xf32>,
      tpu.vector_store %arg18[%swap3A_577], %exp3A_576 {strides = array<i32>} : memref<128xf32, #tpu.memory_space<vmem>>, vector<16xf32>,
      %get3A_579 = arith.constant 48 : index
      %get3A_580 = tpu.vector_load %arg18[%get3A_579] {strides = array<i32>} : memref<128xf32, #tpu.memory_space<vmem>>, vector<16xf32>,
      %sub3A_581 = arith.subf %get3A_580, %get3A_7 : vector<16xf32>
      %exp3A_582 = math.exp %sub3A_581 : vector<16xf32>
      %swap3A_583 = arith.constant 48 : index
      %swap3A_584 = tpu.vector_load %arg18[%swap3A_583] {strides = array<i32>} : memref<128xf32, #tpu.memory_space<vmem>>, vector<16xf32>,
      tpu.vector_store %arg18[%swap3A_583], %exp3A_582 {strides = array<i32>} : memref<128xf32, #tpu.memory_space<vmem>>, vector<16xf32>,
      %get3A_585 = arith.constant 64 : index
      %get3A_586 = tpu.vector_load %arg18[%get3A_585] {strides = array<i32>} : memref<128xf32, #tpu.memory_space<vmem>>, vector<16xf32>,
      %sub3A_587 = arith.subf %get3A_586, %get3A_7 : vector<16xf32>
      %exp3A_588 = math.exp %sub3A_587 : vector<16xf32>
      %swap3A_589 = arith.constant 64 : index
      %swap3A_590 = tpu.vector_load %arg18[%swap3A_589] {strides = array<i32>} : memref<128xf32, #tpu.memory_space<vmem>>, vector<16xf32>,
      tpu.vector_store %arg18[%swap3A_589], %exp3A_588 {strides = array<i32>} : memref<128xf32, #tpu.memory_space<vmem>>, vector<16xf32>,
      %get3A_591 = arith.constant 80 : index
      %get3A_592 = tpu.vector_load %arg18[%get3A_591] {strides = array<i32>} : memref<128xf32, #tpu.memory_space<vmem>>, vector<16xf32>,
      %sub3A_593 = arith.subf %get3A_592, %get3A_7 : vector<16xf32>
      %exp3A_594 = math.exp %sub3A_593 : vector<16xf32>
      %swap3A_595 = arith.constant 80 : index
      %swap3A_596 = tpu.vector_load %arg18[%swap3A_595] {strides = array<i32>} : memref<128xf32, #tpu.memory_space<vmem>>, vector<16xf32>,
      tpu.vector_store %arg18[%swap3A_595], %exp3A_594 {strides = array<i32>} : memref<128xf32, #tpu.memory_space<vmem>>, vector<16xf32>,
      %get3A_597 = arith.constant 96 : index
      %get3A_598 = tpu.vector_load %arg18[%get3A_597] {strides = array<i32>} : memref<128xf32, #tpu.memory_space<vmem>>, vector<16xf32>,
      %sub3A_599 = arith.subf %get3A_598, %get3A_7 : vector<16xf32>
      %exp3A_600 = math.exp %sub3A_599 : vector<16xf32>
      %swap3A_601 = arith.constant 96 : index
      %swap3A_602 = tpu.vector_load %arg18[%swap3A_601] {strides = array<i32>} : memref<128xf32, #tpu.memory_space<vmem>>, vector<16xf32>,
      tpu.vector_store %arg18[%swap3A_601], %exp3A_600 {strides = array<i32>} : memref<128xf32, #tpu.memory_space<vmem>>, vector<16xf32>,
      %get3A_603 = arith.constant 112 : index
      %get3A_604 = tpu.vector_load %arg18[%get3A_603] {strides = array<i32>} : memref<128xf32, #tpu.memory_space<vmem>>, vector<16xf32>,
      %sub3A_605 = arith.subf %get3A_604, %get3A_7 : vector<16xf32>
      %exp3A_606 = math.exp %sub3A_605 : vector<16xf32>
      %swap3A_607 = arith.constant 112 : index
      %swap3A_608 = tpu.vector_load %arg18[%swap3A_607] {strides = array<i32>} : memref<128xf32, #tpu.memory_space<vmem>>, vector<16xf32>,
      tpu.vector_store %arg18[%swap3A_607], %exp3A_606 {strides = array<i32>} : memref<128xf32, #tpu.memory_space<vmem>>, vector<16xf32>,
      "tpu.region"() ({
        %run_scoped3A_615 = tpu.sem_alloc : memref<!tpu.dma_semaphore, #tpu.memory_space<semaphore_mem>>
        %dma_start3A_616 = arith.constant 0 : i32
        %dma_start3A_617 = tpu.memref_slice %arg24[%dma_start3A_616] : memref<10240xf32, #tpu.memory_space<vmem_shared>> -> memref<10240xf32, #tpu.memory_space<vmem_shared>>
        tpu.enqueue_indirect_dma source(%arg18 : memref<128xf32, #tpu.memory_space<vmem>>) target(%dma_start3A_617 : memref<10240xf32, #tpu.memory_space<vmem_shared>>) offsets(%arg16 : memref<128xi32, #tpu.memory_space<vmem>>) semaphore(%run_scoped3A_615 : memref<!tpu.dma_semaphore, #tpu.memory_space<semaphore_mem>>) {add = true}
        %dma_wait3A_618 = arith.constant 0 : i32
        %dma_wait3A_619 = tpu.memref_slice %arg24[%dma_wait3A_618] : memref<10240xf32, #tpu.memory_space<vmem_shared>> -> memref<10240xf32, #tpu.memory_space<vmem_shared>>
        tpu.wait_indirect_dma semaphore(%run_scoped3A_615 : memref<!tpu.dma_semaphore, #tpu.memory_space<semaphore_mem>>) src(%arg18 : memref<128xf32, #tpu.memory_space<vmem>>) dst(%dma_wait3A_619 : memref<10240xf32, #tpu.memory_space<vmem_shared>>)
        tpu.yield
      }) : () -> ()
      "tpu.region"() ({
        %run_scoped3A_615 = tpu.sem_alloc : memref<!tpu.dma_semaphore, #tpu.memory_space<semaphore_mem>>
        %dma_start3A_616 = arith.constant 0 : i32
        %dma_start3A_617 = tpu.memref_slice %arg25[%dma_start3A_616] : memref<10240xf32, #tpu.memory_space<vmem_shared>> -> memref<10240xf32, #tpu.memory_space<vmem_shared>>
        tpu.enqueue_indirect_dma source(%arg20 : memref<128xf32, #tpu.memory_space<vmem>>) target(%dma_start3A_617 : memref<10240xf32, #tpu.memory_space<vmem_shared>>) offsets(%arg16 : memref<128xi32, #tpu.memory_space<vmem>>) semaphore(%run_scoped3A_615 : memref<!tpu.dma_semaphore, #tpu.memory_space<semaphore_mem>>) {add = true}
        %dma_wait3A_618 = arith.constant 0 : i32
        %dma_wait3A_619 = tpu.memref_slice %arg25[%dma_wait3A_618] : memref<10240xf32, #tpu.memory_space<vmem_shared>> -> memref<10240xf32, #tpu.memory_space<vmem_shared>>
        tpu.wait_indirect_dma semaphore(%run_scoped3A_615 : memref<!tpu.dma_semaphore, #tpu.memory_space<semaphore_mem>>) src(%arg20 : memref<128xf32, #tpu.memory_space<vmem>>) dst(%dma_wait3A_619 : memref<10240xf32, #tpu.memory_space<vmem_shared>>)
        tpu.yield
      }) : () -> ()
      %scan3A_609 = arith.constant 0 : i32
      %scan3A_610 = arith.constant 0 : i32
      %scan3A_611 = arith.constant 128 : i32
      %scan3A_612 = arith.addi %scan3A_610, %scan3A_611 : i32
      %scan3A_613 = arith.constant 1 : i32
      scf.for %scan3A_615 = %scan3A_610 to %scan3A_612 step %scan3A_613  : i32 {
        %broadcast_in_dim3A = vector.broadcast %scan3A_615 : i32 to vector<16xi32>
        %gather3A = tpu.vector_load_idx %arg18[%broadcast_in_dim3A] : memref<128xf32, #tpu.memory_space<vmem>>[vector<16xi32>], vector<16xf32>,
        %get3A_616 = arith.index_cast %scan3A_615 : i32 to index
        %get3A_617 = arith.constant 0 : index
        %get3A_618 = tpu.vector_load %arg22[%get3A_616, %get3A_617] {strides = array<i32>} : memref<128x128xf32, #tpu.memory_space<vmem>>, vector<16xf32>,
        %mul3A_619 = arith.mulf %get3A_618, %gather3A : vector<16xf32>
        %swap3A_620 = arith.index_cast %scan3A_615 : i32 to index
        %swap3A_621 = arith.constant 0 : index
        %swap3A_622 = tpu.vector_load %arg22[%swap3A_620, %swap3A_621] {strides = array<i32>} : memref<128x128xf32, #tpu.memory_space<vmem>>, vector<16xf32>,
        tpu.vector_store %arg22[%swap3A_620, %swap3A_621], %mul3A_619 {strides = array<i32>} : memref<128x128xf32, #tpu.memory_space<vmem>>, vector<16xf32>,
        %get3A_623 = arith.index_cast %scan3A_615 : i32 to index
        %get3A_624 = arith.constant 16 : index
        %get3A_625 = tpu.vector_load %arg22[%get3A_623, %get3A_624] {strides = array<i32>} : memref<128x128xf32, #tpu.memory_space<vmem>>, vector<16xf32>,
        %mul3A_626 = arith.mulf %get3A_625, %gather3A : vector<16xf32>
        %swap3A_627 = arith.index_cast %scan3A_615 : i32 to index
        %swap3A_628 = arith.constant 16 : index
        %swap3A_629 = tpu.vector_load %arg22[%swap3A_627, %swap3A_628] {strides = array<i32>} : memref<128x128xf32, #tpu.memory_space<vmem>>, vector<16xf32>,
        tpu.vector_store %arg22[%swap3A_627, %swap3A_628], %mul3A_626 {strides = array<i32>} : memref<128x128xf32, #tpu.memory_space<vmem>>, vector<16xf32>,
        %get3A_630 = arith.index_cast %scan3A_615 : i32 to index
        %get3A_631 = arith.constant 32 : index
        %get3A_632 = tpu.vector_load %arg22[%get3A_630, %get3A_631] {strides = array<i32>} : memref<128x128xf32, #tpu.memory_space<vmem>>, vector<16xf32>,
        %mul3A_633 = arith.mulf %get3A_632, %gather3A : vector<16xf32>
        %swap3A_634 = arith.index_cast %scan3A_615 : i32 to index
        %swap3A_635 = arith.constant 32 : index
        %swap3A_636 = tpu.vector_load %arg22[%swap3A_634, %swap3A_635] {strides = array<i32>} : memref<128x128xf32, #tpu.memory_space<vmem>>, vector<16xf32>,
        tpu.vector_store %arg22[%swap3A_634, %swap3A_635], %mul3A_633 {strides = array<i32>} : memref<128x128xf32, #tpu.memory_space<vmem>>, vector<16xf32>,
        %get3A_637 = arith.index_cast %scan3A_615 : i32 to index
        %get3A_638 = arith.constant 48 : index
        %get3A_639 = tpu.vector_load %arg22[%get3A_637, %get3A_638] {strides = array<i32>} : memref<128x128xf32, #tpu.memory_space<vmem>>, vector<16xf32>,
        %mul3A_640 = arith.mulf %get3A_639, %gather3A : vector<16xf32>
        %swap3A_641 = arith.index_cast %scan3A_615 : i32 to index
        %swap3A_642 = arith.constant 48 : index
        %swap3A_643 = tpu.vector_load %arg22[%swap3A_641, %swap3A_642] {strides = array<i32>} : memref<128x128xf32, #tpu.memory_space<vmem>>, vector<16xf32>,
        tpu.vector_store %arg22[%swap3A_641, %swap3A_642], %mul3A_640 {strides = array<i32>} : memref<128x128xf32, #tpu.memory_space<vmem>>, vector<16xf32>,
        %get3A_644 = arith.index_cast %scan3A_615 : i32 to index
        %get3A_645 = arith.constant 64 : index
        %get3A_646 = tpu.vector_load %arg22[%get3A_644, %get3A_645] {strides = array<i32>} : memref<128x128xf32, #tpu.memory_space<vmem>>, vector<16xf32>,
        %mul3A_647 = arith.mulf %get3A_646, %gather3A : vector<16xf32>
        %swap3A_648 = arith.index_cast %scan3A_615 : i32 to index
        %swap3A_649 = arith.constant 64 : index
        %swap3A_650 = tpu.vector_load %arg22[%swap3A_648, %swap3A_649] {strides = array<i32>} : memref<128x128xf32, #tpu.memory_space<vmem>>, vector<16xf32>,
        tpu.vector_store %arg22[%swap3A_648, %swap3A_649], %mul3A_647 {strides = array<i32>} : memref<128x128xf32, #tpu.memory_space<vmem>>, vector<16xf32>,
        %get3A_651 = arith.index_cast %scan3A_615 : i32 to index
        %get3A_652 = arith.constant 80 : index
        %get3A_653 = tpu.vector_load %arg22[%get3A_651, %get3A_652] {strides = array<i32>} : memref<128x128xf32, #tpu.memory_space<vmem>>, vector<16xf32>,
        %mul3A_654 = arith.mulf %get3A_653, %gather3A : vector<16xf32>
        %swap3A_655 = arith.index_cast %scan3A_615 : i32 to index
        %swap3A_656 = arith.constant 80 : index
        %swap3A_657 = tpu.vector_load %arg22[%swap3A_655, %swap3A_656] {strides = array<i32>} : memref<128x128xf32, #tpu.memory_space<vmem>>, vector<16xf32>,
        tpu.vector_store %arg22[%swap3A_655, %swap3A_656], %mul3A_654 {strides = array<i32>} : memref<128x128xf32, #tpu.memory_space<vmem>>, vector<16xf32>,
        %get3A_658 = arith.index_cast %scan3A_615 : i32 to index
        %get3A_659 = arith.constant 96 : index
        %get3A_660 = tpu.vector_load %arg22[%get3A_658, %get3A_659] {strides = array<i32>} : memref<128x128xf32, #tpu.memory_space<vmem>>, vector<16xf32>,
        %mul3A_661 = arith.mulf %get3A_660, %gather3A : vector<16xf32>
        %swap3A_662 = arith.index_cast %scan3A_615 : i32 to index
        %swap3A_663 = arith.constant 96 : index
        %swap3A_664 = tpu.vector_load %arg22[%swap3A_662, %swap3A_663] {strides = array<i32>} : memref<128x128xf32, #tpu.memory_space<vmem>>, vector<16xf32>,
        tpu.vector_store %arg22[%swap3A_662, %swap3A_663], %mul3A_661 {strides = array<i32>} : memref<128x128xf32, #tpu.memory_space<vmem>>, vector<16xf32>,
        %get3A_665 = arith.index_cast %scan3A_615 : i32 to index
        %get3A_666 = arith.constant 112 : index
        %get3A_667 = tpu.vector_load %arg22[%get3A_665, %get3A_666] {strides = array<i32>} : memref<128x128xf32, #tpu.memory_space<vmem>>, vector<16xf32>,
        %mul3A_668 = arith.mulf %get3A_667, %gather3A : vector<16xf32>
        %swap3A_669 = arith.index_cast %scan3A_615 : i32 to index
        %swap3A_670 = arith.constant 112 : index
        %swap3A_671 = tpu.vector_load %arg22[%swap3A_669, %swap3A_670] {strides = array<i32>} : memref<128x128xf32, #tpu.memory_space<vmem>>, vector<16xf32>,
        tpu.vector_store %arg22[%swap3A_669, %swap3A_670], %mul3A_668 {strides = array<i32>} : memref<128x128xf32, #tpu.memory_space<vmem>>, vector<16xf32>,
      }
      %scan3A_614 = arith.constant 128 : i32
      "tpu.region"() ({
        %run_scoped3A_615 = tpu.sem_alloc : memref<!tpu.dma_semaphore, #tpu.memory_space<semaphore_mem>>
        %dma_start3A_616 = arith.constant 0 : i32
        %dma_start3A_617 = arith.constant 0 : i32
        %dma_start3A_618 = tpu.memref_slice %arg26[%dma_start3A_616, %dma_start3A_617] : memref<10240x128xf32, #tpu.memory_space<vmem_shared>> -> memref<10240x128xf32, #tpu.memory_space<vmem_shared>>
        tpu.enqueue_indirect_dma source(%arg22 : memref<128x128xf32, #tpu.memory_space<vmem>>) target(%dma_start3A_618 : memref<10240x128xf32, #tpu.memory_space<vmem_shared>>) offsets(%arg16 : memref<128xi32, #tpu.memory_space<vmem>>) semaphore(%run_scoped3A_615 : memref<!tpu.dma_semaphore, #tpu.memory_space<semaphore_mem>>) {add = true}
        %dma_wait3A_619 = arith.constant 0 : i32
        %dma_wait3A_620 = arith.constant 0 : i32
        %dma_wait3A_621 = tpu.memref_slice %arg26[%dma_wait3A_619, %dma_wait3A_620] : memref<10240x128xf32, #tpu.memory_space<vmem_shared>> -> memref<10240x128xf32, #tpu.memory_space<vmem_shared>>
        tpu.wait_indirect_dma semaphore(%run_scoped3A_615 : memref<!tpu.dma_semaphore, #tpu.memory_space<semaphore_mem>>) src(%arg22 : memref<128x128xf32, #tpu.memory_space<vmem>>) dst(%dma_wait3A_621 : memref<10240x128xf32, #tpu.memory_space<vmem_shared>>)
        tpu.yield
      }) : () -> ()
    }
    %scan3A_141 = arith.constant 39 : i32
    %add3A_142 = arith.constant 78 : i32
    %add3A_143 = arith.addi %mul3A_9, %add3A_142 : i32
    %dma_wait3A = arith.constant 0 : i32
    %dma_wait3A_144 = tpu.memref_slice %arg3[%add3A_143, %dma_wait3A] : memref<2528x128xf32, #tpu.memory_space<hbm>> -> memref<1x128xf32, #tpu.memory_space<hbm>>
    %dma_wait3A_145 = tpu.memref_squeeze %dma_wait3A_144 : memref<1x128xf32, #tpu.memory_space<hbm>> -> memref<128xf32, #tpu.memory_space<hbm>>
    %dma_wait3A_146 = arith.constant 0 : i32
    %dma_wait3A_147 = tpu.memref_slice %arg3[%add3A_143, %dma_wait3A_146] : memref<2528x128xf32, #tpu.memory_space<hbm>> -> memref<1x128xf32, #tpu.memory_space<hbm>>
    %dma_wait3A_148 = tpu.memref_squeeze %dma_wait3A_147 : memref<1x128xf32, #tpu.memory_space<hbm>> -> memref<128xf32, #tpu.memory_space<hbm>>
    tpu.wait_dma2 semaphore(%arg27 : memref<!tpu.dma_semaphore, #tpu.memory_space<semaphore_mem>>) src(%dma_wait3A_148 : memref<128xf32, #tpu.memory_space<hbm>>) dst(%arg17 : memref<128xf32, #tpu.memory_space<vmem>>)
    %add3A_149 = arith.constant 78 : i32
    %add3A_150 = arith.addi %mul3A_9, %add3A_149 : i32
    %dma_wait3A_151 = arith.constant 0 : i32
    %dma_wait3A_152 = tpu.memref_slice %arg4[%add3A_150, %dma_wait3A_151] : memref<2528x128xf32, #tpu.memory_space<hbm>> -> memref<1x128xf32, #tpu.memory_space<hbm>>
    %dma_wait3A_153 = tpu.memref_squeeze %dma_wait3A_152 : memref<1x128xf32, #tpu.memory_space<hbm>> -> memref<128xf32, #tpu.memory_space<hbm>>
    %dma_wait3A_154 = arith.constant 0 : i32
    %dma_wait3A_155 = tpu.memref_slice %arg4[%add3A_150, %dma_wait3A_154] : memref<2528x128xf32, #tpu.memory_space<hbm>> -> memref<1x128xf32, #tpu.memory_space<hbm>>
    %dma_wait3A_156 = tpu.memref_squeeze %dma_wait3A_155 : memref<1x128xf32, #tpu.memory_space<hbm>> -> memref<128xf32, #tpu.memory_space<hbm>>
    tpu.wait_dma2 semaphore(%arg27 : memref<!tpu.dma_semaphore, #tpu.memory_space<semaphore_mem>>) src(%dma_wait3A_156 : memref<128xf32, #tpu.memory_space<hbm>>) dst(%arg19 : memref<128xf32, #tpu.memory_space<vmem>>)
    %dma_wait3A_157 = arith.constant 0 : i32
    %dma_wait3A_158 = arith.constant 0 : i32
    %dma_wait3A_159 = tpu.memref_slice %arg6[%dma_wait3A_157, %dma_wait3A_158] : memref<10240x128xf32, #tpu.memory_space<hbm>> -> memref<10240x128xf32, #tpu.memory_space<hbm>>
    tpu.wait_indirect_dma semaphore(%arg27 : memref<!tpu.dma_semaphore, #tpu.memory_space<semaphore_mem>>) src(%dma_wait3A_159 : memref<10240x128xf32, #tpu.memory_space<hbm>>) dst(%arg21 : memref<128x128xf32, #tpu.memory_space<vmem>>)
    %get3A_160 = arith.constant 0 : index
    %get3A_161 = tpu.vector_load %arg17[%get3A_160] {strides = array<i32>} : memref<128xf32, #tpu.memory_space<vmem>>, vector<16xf32>,
    %sub3A = arith.subf %get3A_161, %get3A_7 : vector<16xf32>
    %exp3A = math.exp %sub3A : vector<16xf32>
    %swap3A_162 = arith.constant 0 : index
    %swap3A_163 = tpu.vector_load %arg17[%swap3A_162] {strides = array<i32>} : memref<128xf32, #tpu.memory_space<vmem>>, vector<16xf32>,
    tpu.vector_store %arg17[%swap3A_162], %exp3A {strides = array<i32>} : memref<128xf32, #tpu.memory_space<vmem>>, vector<16xf32>,
    %get3A_164 = arith.constant 16 : index
    %get3A_165 = tpu.vector_load %arg17[%get3A_164] {strides = array<i32>} : memref<128xf32, #tpu.memory_space<vmem>>, vector<16xf32>,
    %sub3A_166 = arith.subf %get3A_165, %get3A_7 : vector<16xf32>
    %exp3A_167 = math.exp %sub3A_166 : vector<16xf32>
    %swap3A_168 = arith.constant 16 : index
    %swap3A_169 = tpu.vector_load %arg17[%swap3A_168] {strides = array<i32>} : memref<128xf32, #tpu.memory_space<vmem>>, vector<16xf32>,
    tpu.vector_store %arg17[%swap3A_168], %exp3A_167 {strides = array<i32>} : memref<128xf32, #tpu.memory_space<vmem>>, vector<16xf32>,
    %get3A_170 = arith.constant 32 : index
    %get3A_171 = tpu.vector_load %arg17[%get3A_170] {strides = array<i32>} : memref<128xf32, #tpu.memory_space<vmem>>, vector<16xf32>,
    %sub3A_172 = arith.subf %get3A_171, %get3A_7 : vector<16xf32>
    %exp3A_173 = math.exp %sub3A_172 : vector<16xf32>
    %swap3A_174 = arith.constant 32 : index
    %swap3A_175 = tpu.vector_load %arg17[%swap3A_174] {strides = array<i32>} : memref<128xf32, #tpu.memory_space<vmem>>, vector<16xf32>,
    tpu.vector_store %arg17[%swap3A_174], %exp3A_173 {strides = array<i32>} : memref<128xf32, #tpu.memory_space<vmem>>, vector<16xf32>,
    %get3A_176 = arith.constant 48 : index
    %get3A_177 = tpu.vector_load %arg17[%get3A_176] {strides = array<i32>} : memref<128xf32, #tpu.memory_space<vmem>>, vector<16xf32>,
    %sub3A_178 = arith.subf %get3A_177, %get3A_7 : vector<16xf32>
    %exp3A_179 = math.exp %sub3A_178 : vector<16xf32>
    %swap3A_180 = arith.constant 48 : index
    %swap3A_181 = tpu.vector_load %arg17[%swap3A_180] {strides = array<i32>} : memref<128xf32, #tpu.memory_space<vmem>>, vector<16xf32>,
    tpu.vector_store %arg17[%swap3A_180], %exp3A_179 {strides = array<i32>} : memref<128xf32, #tpu.memory_space<vmem>>, vector<16xf32>,
    %get3A_182 = arith.constant 64 : index
    %get3A_183 = tpu.vector_load %arg17[%get3A_182] {strides = array<i32>} : memref<128xf32, #tpu.memory_space<vmem>>, vector<16xf32>,
    %sub3A_184 = arith.subf %get3A_183, %get3A_7 : vector<16xf32>
    %exp3A_185 = math.exp %sub3A_184 : vector<16xf32>
    %swap3A_186 = arith.constant 64 : index
    %swap3A_187 = tpu.vector_load %arg17[%swap3A_186] {strides = array<i32>} : memref<128xf32, #tpu.memory_space<vmem>>, vector<16xf32>,
    tpu.vector_store %arg17[%swap3A_186], %exp3A_185 {strides = array<i32>} : memref<128xf32, #tpu.memory_space<vmem>>, vector<16xf32>,
    %get3A_188 = arith.constant 80 : index
    %get3A_189 = tpu.vector_load %arg17[%get3A_188] {strides = array<i32>} : memref<128xf32, #tpu.memory_space<vmem>>, vector<16xf32>,
    %sub3A_190 = arith.subf %get3A_189, %get3A_7 : vector<16xf32>
    %exp3A_191 = math.exp %sub3A_190 : vector<16xf32>
    %swap3A_192 = arith.constant 80 : index
    %swap3A_193 = tpu.vector_load %arg17[%swap3A_192] {strides = array<i32>} : memref<128xf32, #tpu.memory_space<vmem>>, vector<16xf32>,
    tpu.vector_store %arg17[%swap3A_192], %exp3A_191 {strides = array<i32>} : memref<128xf32, #tpu.memory_space<vmem>>, vector<16xf32>,
    %get3A_194 = arith.constant 96 : index
    %get3A_195 = tpu.vector_load %arg17[%get3A_194] {strides = array<i32>} : memref<128xf32, #tpu.memory_space<vmem>>, vector<16xf32>,
    %sub3A_196 = arith.subf %get3A_195, %get3A_7 : vector<16xf32>
    %exp3A_197 = math.exp %sub3A_196 : vector<16xf32>
    %swap3A_198 = arith.constant 96 : index
    %swap3A_199 = tpu.vector_load %arg17[%swap3A_198] {strides = array<i32>} : memref<128xf32, #tpu.memory_space<vmem>>, vector<16xf32>,
    tpu.vector_store %arg17[%swap3A_198], %exp3A_197 {strides = array<i32>} : memref<128xf32, #tpu.memory_space<vmem>>, vector<16xf32>,
    %get3A_200 = arith.constant 112 : index
    %get3A_201 = tpu.vector_load %arg17[%get3A_200] {strides = array<i32>} : memref<128xf32, #tpu.memory_space<vmem>>, vector<16xf32>,
    %sub3A_202 = arith.subf %get3A_201, %get3A_7 : vector<16xf32>
    %exp3A_203 = math.exp %sub3A_202 : vector<16xf32>
    %swap3A_204 = arith.constant 112 : index
    %swap3A_205 = tpu.vector_load %arg17[%swap3A_204] {strides = array<i32>} : memref<128xf32, #tpu.memory_space<vmem>>, vector<16xf32>,
    tpu.vector_store %arg17[%swap3A_204], %exp3A_203 {strides = array<i32>} : memref<128xf32, #tpu.memory_space<vmem>>, vector<16xf32>,
    "tpu.region"() ({
      %run_scoped3A_224 = tpu.sem_alloc : memref<!tpu.dma_semaphore, #tpu.memory_space<semaphore_mem>>
      %dma_start3A_225 = arith.constant 0 : i32
      %dma_start3A_226 = tpu.memref_slice %arg24[%dma_start3A_225] : memref<10240xf32, #tpu.memory_space<vmem_shared>> -> memref<10240xf32, #tpu.memory_space<vmem_shared>>
      tpu.enqueue_indirect_dma source(%arg17 : memref<128xf32, #tpu.memory_space<vmem>>) target(%dma_start3A_226 : memref<10240xf32, #tpu.memory_space<vmem_shared>>) offsets(%arg15 : memref<128xi32, #tpu.memory_space<vmem>>) semaphore(%run_scoped3A_224 : memref<!tpu.dma_semaphore, #tpu.memory_space<semaphore_mem>>) {add = true}
      %dma_wait3A_227 = arith.constant 0 : i32
      %dma_wait3A_228 = tpu.memref_slice %arg24[%dma_wait3A_227] : memref<10240xf32, #tpu.memory_space<vmem_shared>> -> memref<10240xf32, #tpu.memory_space<vmem_shared>>
      tpu.wait_indirect_dma semaphore(%run_scoped3A_224 : memref<!tpu.dma_semaphore, #tpu.memory_space<semaphore_mem>>) src(%arg17 : memref<128xf32, #tpu.memory_space<vmem>>) dst(%dma_wait3A_228 : memref<10240xf32, #tpu.memory_space<vmem_shared>>)
      tpu.yield
    }) : () -> ()
    "tpu.region"() ({
      %run_scoped3A_224 = tpu.sem_alloc : memref<!tpu.dma_semaphore, #tpu.memory_space<semaphore_mem>>
      %dma_start3A_225 = arith.constant 0 : i32
      %dma_start3A_226 = tpu.memref_slice %arg25[%dma_start3A_225] : memref<10240xf32, #tpu.memory_space<vmem_shared>> -> memref<10240xf32, #tpu.memory_space<vmem_shared>>
      tpu.enqueue_indirect_dma source(%arg19 : memref<128xf32, #tpu.memory_space<vmem>>) target(%dma_start3A_226 : memref<10240xf32, #tpu.memory_space<vmem_shared>>) offsets(%arg15 : memref<128xi32, #tpu.memory_space<vmem>>) semaphore(%run_scoped3A_224 : memref<!tpu.dma_semaphore, #tpu.memory_space<semaphore_mem>>) {add = true}
      %dma_wait3A_227 = arith.constant 0 : i32
      %dma_wait3A_228 = tpu.memref_slice %arg25[%dma_wait3A_227] : memref<10240xf32, #tpu.memory_space<vmem_shared>> -> memref<10240xf32, #tpu.memory_space<vmem_shared>>
      tpu.wait_indirect_dma semaphore(%run_scoped3A_224 : memref<!tpu.dma_semaphore, #tpu.memory_space<semaphore_mem>>) src(%arg19 : memref<128xf32, #tpu.memory_space<vmem>>) dst(%dma_wait3A_228 : memref<10240xf32, #tpu.memory_space<vmem_shared>>)
      tpu.yield
    }) : () -> ()
    %scan3A_206 = arith.constant 0 : i32
    %scan3A_207 = arith.constant 0 : i32
    %scan3A_208 = arith.constant 128 : i32
    %scan3A_209 = arith.addi %scan3A_207, %scan3A_208 : i32
    %scan3A_210 = arith.constant 1 : i32
    scf.for %scan3A_224 = %scan3A_207 to %scan3A_209 step %scan3A_210  : i32 {
      %broadcast_in_dim3A = vector.broadcast %scan3A_224 : i32 to vector<16xi32>
      %gather3A = tpu.vector_load_idx %arg17[%broadcast_in_dim3A] : memref<128xf32, #tpu.memory_space<vmem>>[vector<16xi32>], vector<16xf32>,
      %get3A_225 = arith.index_cast %scan3A_224 : i32 to index
      %get3A_226 = arith.constant 0 : index
      %get3A_227 = tpu.vector_load %arg21[%get3A_225, %get3A_226] {strides = array<i32>} : memref<128x128xf32, #tpu.memory_space<vmem>>, vector<16xf32>,
      %mul3A_228 = arith.mulf %get3A_227, %gather3A : vector<16xf32>
      %swap3A_229 = arith.index_cast %scan3A_224 : i32 to index
      %swap3A_230 = arith.constant 0 : index
      %swap3A_231 = tpu.vector_load %arg21[%swap3A_229, %swap3A_230] {strides = array<i32>} : memref<128x128xf32, #tpu.memory_space<vmem>>, vector<16xf32>,
      tpu.vector_store %arg21[%swap3A_229, %swap3A_230], %mul3A_228 {strides = array<i32>} : memref<128x128xf32, #tpu.memory_space<vmem>>, vector<16xf32>,
      %get3A_232 = arith.index_cast %scan3A_224 : i32 to index
      %get3A_233 = arith.constant 16 : index
      %get3A_234 = tpu.vector_load %arg21[%get3A_232, %get3A_233] {strides = array<i32>} : memref<128x128xf32, #tpu.memory_space<vmem>>, vector<16xf32>,
      %mul3A_235 = arith.mulf %get3A_234, %gather3A : vector<16xf32>
      %swap3A_236 = arith.index_cast %scan3A_224 : i32 to index
      %swap3A_237 = arith.constant 16 : index
      %swap3A_238 = tpu.vector_load %arg21[%swap3A_236, %swap3A_237] {strides = array<i32>} : memref<128x128xf32, #tpu.memory_space<vmem>>, vector<16xf32>,
      tpu.vector_store %arg21[%swap3A_236, %swap3A_237], %mul3A_235 {strides = array<i32>} : memref<128x128xf32, #tpu.memory_space<vmem>>, vector<16xf32>,
      %get3A_239 = arith.index_cast %scan3A_224 : i32 to index
      %get3A_240 = arith.constant 32 : index
      %get3A_241 = tpu.vector_load %arg21[%get3A_239, %get3A_240] {strides = array<i32>} : memref<128x128xf32, #tpu.memory_space<vmem>>, vector<16xf32>,
      %mul3A_242 = arith.mulf %get3A_241, %gather3A : vector<16xf32>
      %swap3A_243 = arith.index_cast %scan3A_224 : i32 to index
      %swap3A_244 = arith.constant 32 : index
      %swap3A_245 = tpu.vector_load %arg21[%swap3A_243, %swap3A_244] {strides = array<i32>} : memref<128x128xf32, #tpu.memory_space<vmem>>, vector<16xf32>,
      tpu.vector_store %arg21[%swap3A_243, %swap3A_244], %mul3A_242 {strides = array<i32>} : memref<128x128xf32, #tpu.memory_space<vmem>>, vector<16xf32>,
      %get3A_246 = arith.index_cast %scan3A_224 : i32 to index
      %get3A_247 = arith.constant 48 : index
      %get3A_248 = tpu.vector_load %arg21[%get3A_246, %get3A_247] {strides = array<i32>} : memref<128x128xf32, #tpu.memory_space<vmem>>, vector<16xf32>,
      %mul3A_249 = arith.mulf %get3A_248, %gather3A : vector<16xf32>
      %swap3A_250 = arith.index_cast %scan3A_224 : i32 to index
      %swap3A_251 = arith.constant 48 : index
      %swap3A_252 = tpu.vector_load %arg21[%swap3A_250, %swap3A_251] {strides = array<i32>} : memref<128x128xf32, #tpu.memory_space<vmem>>, vector<16xf32>,
      tpu.vector_store %arg21[%swap3A_250, %swap3A_251], %mul3A_249 {strides = array<i32>} : memref<128x128xf32, #tpu.memory_space<vmem>>, vector<16xf32>,
      %get3A_253 = arith.index_cast %scan3A_224 : i32 to index
      %get3A_254 = arith.constant 64 : index
      %get3A_255 = tpu.vector_load %arg21[%get3A_253, %get3A_254] {strides = array<i32>} : memref<128x128xf32, #tpu.memory_space<vmem>>, vector<16xf32>,
      %mul3A_256 = arith.mulf %get3A_255, %gather3A : vector<16xf32>
      %swap3A_257 = arith.index_cast %scan3A_224 : i32 to index
      %swap3A_258 = arith.constant 64 : index
      %swap3A_259 = tpu.vector_load %arg21[%swap3A_257, %swap3A_258] {strides = array<i32>} : memref<128x128xf32, #tpu.memory_space<vmem>>, vector<16xf32>,
      tpu.vector_store %arg21[%swap3A_257, %swap3A_258], %mul3A_256 {strides = array<i32>} : memref<128x128xf32, #tpu.memory_space<vmem>>, vector<16xf32>,
      %get3A_260 = arith.index_cast %scan3A_224 : i32 to index
      %get3A_261 = arith.constant 80 : index
      %get3A_262 = tpu.vector_load %arg21[%get3A_260, %get3A_261] {strides = array<i32>} : memref<128x128xf32, #tpu.memory_space<vmem>>, vector<16xf32>,
      %mul3A_263 = arith.mulf %get3A_262, %gather3A : vector<16xf32>
      %swap3A_264 = arith.index_cast %scan3A_224 : i32 to index
      %swap3A_265 = arith.constant 80 : index
      %swap3A_266 = tpu.vector_load %arg21[%swap3A_264, %swap3A_265] {strides = array<i32>} : memref<128x128xf32, #tpu.memory_space<vmem>>, vector<16xf32>,
      tpu.vector_store %arg21[%swap3A_264, %swap3A_265], %mul3A_263 {strides = array<i32>} : memref<128x128xf32, #tpu.memory_space<vmem>>, vector<16xf32>,
      %get3A_267 = arith.index_cast %scan3A_224 : i32 to index
      %get3A_268 = arith.constant 96 : index
      %get3A_269 = tpu.vector_load %arg21[%get3A_267, %get3A_268] {strides = array<i32>} : memref<128x128xf32, #tpu.memory_space<vmem>>, vector<16xf32>,
      %mul3A_270 = arith.mulf %get3A_269, %gather3A : vector<16xf32>
      %swap3A_271 = arith.index_cast %scan3A_224 : i32 to index
      %swap3A_272 = arith.constant 96 : index
      %swap3A_273 = tpu.vector_load %arg21[%swap3A_271, %swap3A_272] {strides = array<i32>} : memref<128x128xf32, #tpu.memory_space<vmem>>, vector<16xf32>,
      tpu.vector_store %arg21[%swap3A_271, %swap3A_272], %mul3A_270 {strides = array<i32>} : memref<128x128xf32, #tpu.memory_space<vmem>>, vector<16xf32>,
      %get3A_274 = arith.index_cast %scan3A_224 : i32 to index
      %get3A_275 = arith.constant 112 : index
      %get3A_276 = tpu.vector_load %arg21[%get3A_274, %get3A_275] {strides = array<i32>} : memref<128x128xf32, #tpu.memory_space<vmem>>, vector<16xf32>,
      %mul3A_277 = arith.mulf %get3A_276, %gather3A : vector<16xf32>
      %swap3A_278 = arith.index_cast %scan3A_224 : i32 to index
      %swap3A_279 = arith.constant 112 : index
      %swap3A_280 = tpu.vector_load %arg21[%swap3A_278, %swap3A_279] {strides = array<i32>} : memref<128x128xf32, #tpu.memory_space<vmem>>, vector<16xf32>,
      tpu.vector_store %arg21[%swap3A_278, %swap3A_279], %mul3A_277 {strides = array<i32>} : memref<128x128xf32, #tpu.memory_space<vmem>>, vector<16xf32>,
    }
    %scan3A_211 = arith.constant 128 : i32
    "tpu.region"() ({
      %run_scoped3A_224 = tpu.sem_alloc : memref<!tpu.dma_semaphore, #tpu.memory_space<semaphore_mem>>
      %dma_start3A_225 = arith.constant 0 : i32
      %dma_start3A_226 = arith.constant 0 : i32
      %dma_start3A_227 = tpu.memref_slice %arg26[%dma_start3A_225, %dma_start3A_226] : memref<10240x128xf32, #tpu.memory_space<vmem_shared>> -> memref<10240x128xf32, #tpu.memory_space<vmem_shared>>
      tpu.enqueue_indirect_dma source(%arg21 : memref<128x128xf32, #tpu.memory_space<vmem>>) target(%dma_start3A_227 : memref<10240x128xf32, #tpu.memory_space<vmem_shared>>) offsets(%arg15 : memref<128xi32, #tpu.memory_space<vmem>>) semaphore(%run_scoped3A_224 : memref<!tpu.dma_semaphore, #tpu.memory_space<semaphore_mem>>) {add = true}
      %dma_wait3A_228 = arith.constant 0 : i32
      %dma_wait3A_229 = arith.constant 0 : i32
      %dma_wait3A_230 = tpu.memref_slice %arg26[%dma_wait3A_228, %dma_wait3A_229] : memref<10240x128xf32, #tpu.memory_space<vmem_shared>> -> memref<10240x128xf32, #tpu.memory_space<vmem_shared>>
      tpu.wait_indirect_dma semaphore(%run_scoped3A_224 : memref<!tpu.dma_semaphore, #tpu.memory_space<semaphore_mem>>) src(%arg21 : memref<128x128xf32, #tpu.memory_space<vmem>>) dst(%dma_wait3A_230 : memref<10240x128xf32, #tpu.memory_space<vmem_shared>>)
      tpu.yield
    }) : () -> ()
    %barrier3A_212 = arith.constant 0 : index
    tpu.barrier barrier_id(%barrier3A_212)
    %mul3A_213 = arith.constant 10240 : i32
    %mul3A_214 = arith.muli %arg0, %mul3A_213 : i32
    %mul3A_215 = arith.constant 640 : i32
    %mul3A_216 = arith.muli %arg1, %mul3A_215 : i32
    %add3A_217 = arith.addi %mul3A_214, %mul3A_216 : i32
    %mul3A_218 = arith.constant 640 : i32
    %mul3A_219 = arith.muli %arg1, %mul3A_218 : i32
    "tpu.region"() ({
      %run_scoped3A_224 = tpu.sem_alloc : memref<!tpu.dma_semaphore, #tpu.memory_space<semaphore_mem>>
      %dma_start3A_225 = tpu.memref_slice %arg9[%add3A_217] : memref<20480xf32, #tpu.memory_space<hbm>> -> memref<640xf32, #tpu.memory_space<hbm>>
      %dma_start3A_226 = tpu.memref_slice %arg24[%mul3A_219] : memref<10240xf32, #tpu.memory_space<vmem_shared>> -> memref<640xf32, #tpu.memory_space<vmem_shared>>
      tpu.enqueue_dma source(%dma_start3A_226 : memref<640xf32, #tpu.memory_space<vmem_shared>>) target(%dma_start3A_225 : memref<640xf32, #tpu.memory_space<hbm>>) target_semaphore(%run_scoped3A_224 : memref<!tpu.dma_semaphore, #tpu.memory_space<semaphore_mem>>)
      %dma_wait3A_227 = tpu.memref_slice %arg9[%add3A_217] : memref<20480xf32, #tpu.memory_space<hbm>> -> memref<640xf32, #tpu.memory_space<hbm>>
      %dma_wait3A_228 = tpu.memref_slice %arg24[%mul3A_219] : memref<10240xf32, #tpu.memory_space<vmem_shared>> -> memref<640xf32, #tpu.memory_space<vmem_shared>>
      tpu.wait_dma2 semaphore(%run_scoped3A_224 : memref<!tpu.dma_semaphore, #tpu.memory_space<semaphore_mem>>) src(%dma_wait3A_228 : memref<640xf32, #tpu.memory_space<vmem_shared>>) dst(%dma_wait3A_227 : memref<640xf32, #tpu.memory_space<hbm>>)
      tpu.yield
    }) : () -> ()
    %mul3A_220 = arith.constant 640 : i32
    %mul3A_221 = arith.muli %arg1, %mul3A_220 : i32
    "tpu.region"() ({
      %run_scoped3A_224 = tpu.sem_alloc : memref<!tpu.dma_semaphore, #tpu.memory_space<semaphore_mem>>
      %dma_start3A_225 = tpu.memref_slice %arg10[%add3A_217] : memref<20480xf32, #tpu.memory_space<hbm>> -> memref<640xf32, #tpu.memory_space<hbm>>
      %dma_start3A_226 = tpu.memref_slice %arg25[%mul3A_221] : memref<10240xf32, #tpu.memory_space<vmem_shared>> -> memref<640xf32, #tpu.memory_space<vmem_shared>>
      tpu.enqueue_dma source(%dma_start3A_226 : memref<640xf32, #tpu.memory_space<vmem_shared>>) target(%dma_start3A_225 : memref<640xf32, #tpu.memory_space<hbm>>) target_semaphore(%run_scoped3A_224 : memref<!tpu.dma_semaphore, #tpu.memory_space<semaphore_mem>>)
      %dma_wait3A_227 = tpu.memref_slice %arg10[%add3A_217] : memref<20480xf32, #tpu.memory_space<hbm>> -> memref<640xf32, #tpu.memory_space<hbm>>
      %dma_wait3A_228 = tpu.memref_slice %arg25[%mul3A_221] : memref<10240xf32, #tpu.memory_space<vmem_shared>> -> memref<640xf32, #tpu.memory_space<vmem_shared>>
      tpu.wait_dma2 semaphore(%run_scoped3A_224 : memref<!tpu.dma_semaphore, #tpu.memory_space<semaphore_mem>>) src(%dma_wait3A_228 : memref<640xf32, #tpu.memory_space<vmem_shared>>) dst(%dma_wait3A_227 : memref<640xf32, #tpu.memory_space<hbm>>)
      tpu.yield
    }) : () -> ()
    %mul3A_222 = arith.constant 640 : i32
    %mul3A_223 = arith.muli %arg1, %mul3A_222 : i32
    "tpu.region"() ({
      %run_scoped3A_224 = tpu.sem_alloc : memref<!tpu.dma_semaphore, #tpu.memory_space<semaphore_mem>>
      %dma_start3A_225 = arith.constant 0 : i32
      %dma_start3A_226 = tpu.memref_slice %arg11[%add3A_217, %dma_start3A_225] : memref<20480x128xf32, #tpu.memory_space<hbm>> -> memref<640x128xf32, #tpu.memory_space<hbm>>
      %dma_start3A_227 = arith.constant 0 : i32
      %dma_start3A_228 = tpu.memref_slice %arg26[%mul3A_223, %dma_start3A_227] : memref<10240x128xf32, #tpu.memory_space<vmem_shared>> -> memref<640x128xf32, #tpu.memory_space<vmem_shared>>
      tpu.enqueue_dma source(%dma_start3A_228 : memref<640x128xf32, #tpu.memory_space<vmem_shared>>) target(%dma_start3A_226 : memref<640x128xf32, #tpu.memory_space<hbm>>) target_semaphore(%run_scoped3A_224 : memref<!tpu.dma_semaphore, #tpu.memory_space<semaphore_mem>>)
      %dma_wait3A_229 = arith.constant 0 : i32
      %dma_wait3A_230 = tpu.memref_slice %arg11[%add3A_217, %dma_wait3A_229] : memref<20480x128xf32, #tpu.memory_space<hbm>> -> memref<640x128xf32, #tpu.memory_space<hbm>>
      %dma_wait3A_231 = arith.constant 0 : i32
      %dma_wait3A_232 = tpu.memref_slice %arg26[%mul3A_223, %dma_wait3A_231] : memref<10240x128xf32, #tpu.memory_space<vmem_shared>> -> memref<640x128xf32, #tpu.memory_space<vmem_shared>>
      tpu.wait_dma2 semaphore(%run_scoped3A_224 : memref<!tpu.dma_semaphore, #tpu.memory_space<semaphore_mem>>) src(%dma_wait3A_232 : memref<640x128xf32, #tpu.memory_space<vmem_shared>>) dst(%dma_wait3A_230 : memref<640x128xf32, #tpu.memory_space<hbm>>)
      tpu.yield
    }) : () -> ()
    return
  }
}

#map = affine_map<(d0, d1) -> (0, 0, 0)>
#map1 = affine_map<(d0, d1) -> (0)>
module attributes {stable_mosaic.version = 14 : i64} {
  func.func @_k1a_body(%arg0: i32, %arg1: i32, %arg2: memref<32x79x128xi32, #tpu.memory_space<hbm>>, %arg3: memref<10240xf32, #tpu.memory_space<hbm>>, %arg4: memref<10240xf32, #tpu.memory_space<hbm>>, %arg5: memref<640xf32, #tpu.memory_space<hbm>>, %arg6: memref<32x79x128xf32, #tpu.memory_space<hbm>>, %arg7: memref<20480xf32, #tpu.memory_space<hbm>>, %arg8: memref<79x128xi32, #tpu.memory_space<vmem>>, %arg9: memref<79x128xi32, #tpu.memory_space<vmem>>, %arg10: memref<79x128xf32, #tpu.memory_space<vmem>>, %arg11: memref<10240xf32, #tpu.memory_space<vmem>>, %arg12: memref<10240xf32, #tpu.memory_space<vmem>>, %arg13: memref<128xf32, #tpu.memory_space<vmem>>, %arg14: memref<10240xf32, #tpu.memory_space<vmem_shared>>) attributes {dimension_semantics = [#tpu.dimension_semantics<core_parallel>, #tpu.dimension_semantics<subcore_parallel>], iteration_bounds = array<i64: 2, 16>, scalar_prefetch = 0 : i64, scratch_operands = 7 : i64, tpu.core_type = #tpu.core_type<sc_vector_subcore>, window_params = [{transform_indices = #map}, {transform_indices = #map1}, {transform_indices = #map1}, {transform_indices = #map1}, {transform_indices = #map}, {transform_indices = #map1}]} {
    %mul3A = arith.constant 2 : i32
    %mul3A_0 = arith.muli %arg1, %mul3A : i32
    %add3A = arith.addi %mul3A_0, %arg0 : i32
    "tpu.region"() ({
      %run_scoped3A = tpu.sem_alloc : memref<!tpu.dma_semaphore, #tpu.memory_space<semaphore_mem>>
      %dma_start3A = arith.constant 0 : i32
      %dma_start3A_46 = arith.constant 0 : i32
      %dma_start3A_47 = tpu.memref_slice %arg2[%add3A, %dma_start3A, %dma_start3A_46] : memref<32x79x128xi32, #tpu.memory_space<hbm>> -> memref<1x79x128xi32, #tpu.memory_space<hbm>>
      %dma_start3A_48 = tpu.memref_squeeze %dma_start3A_47 : memref<1x79x128xi32, #tpu.memory_space<hbm>> -> memref<79x128xi32, #tpu.memory_space<hbm>>
      %dma_start3A_49 = arith.constant 0 : i32
      %dma_start3A_50 = arith.constant 0 : i32
      %dma_start3A_51 = tpu.memref_slice %arg2[%add3A, %dma_start3A_49, %dma_start3A_50] : memref<32x79x128xi32, #tpu.memory_space<hbm>> -> memref<1x79x128xi32, #tpu.memory_space<hbm>>
      %dma_start3A_52 = tpu.memref_squeeze %dma_start3A_51 : memref<1x79x128xi32, #tpu.memory_space<hbm>> -> memref<79x128xi32, #tpu.memory_space<hbm>>
      tpu.enqueue_dma source(%dma_start3A_52 : memref<79x128xi32, #tpu.memory_space<hbm>>) target(%arg8 : memref<79x128xi32, #tpu.memory_space<vmem>>) target_semaphore(%run_scoped3A : memref<!tpu.dma_semaphore, #tpu.memory_space<semaphore_mem>>)
      %dma_wait3A = arith.constant 0 : i32
      %dma_wait3A_53 = arith.constant 0 : i32
      %dma_wait3A_54 = tpu.memref_slice %arg2[%add3A, %dma_wait3A, %dma_wait3A_53] : memref<32x79x128xi32, #tpu.memory_space<hbm>> -> memref<1x79x128xi32, #tpu.memory_space<hbm>>
      %dma_wait3A_55 = tpu.memref_squeeze %dma_wait3A_54 : memref<1x79x128xi32, #tpu.memory_space<hbm>> -> memref<79x128xi32, #tpu.memory_space<hbm>>
      %dma_wait3A_56 = arith.constant 0 : i32
      %dma_wait3A_57 = arith.constant 0 : i32
      %dma_wait3A_58 = tpu.memref_slice %arg2[%add3A, %dma_wait3A_56, %dma_wait3A_57] : memref<32x79x128xi32, #tpu.memory_space<hbm>> -> memref<1x79x128xi32, #tpu.memory_space<hbm>>
      %dma_wait3A_59 = tpu.memref_squeeze %dma_wait3A_58 : memref<1x79x128xi32, #tpu.memory_space<hbm>> -> memref<79x128xi32, #tpu.memory_space<hbm>>
      tpu.wait_dma2 semaphore(%run_scoped3A : memref<!tpu.dma_semaphore, #tpu.memory_space<semaphore_mem>>) src(%dma_wait3A_59 : memref<79x128xi32, #tpu.memory_space<hbm>>) dst(%arg8 : memref<79x128xi32, #tpu.memory_space<vmem>>)
      tpu.yield
    }) : () -> ()
    "tpu.region"() ({
      %run_scoped3A = tpu.sem_alloc : memref<!tpu.dma_semaphore, #tpu.memory_space<semaphore_mem>>
      tpu.enqueue_dma source(%arg3 : memref<10240xf32, #tpu.memory_space<hbm>>) target(%arg11 : memref<10240xf32, #tpu.memory_space<vmem>>) target_semaphore(%run_scoped3A : memref<!tpu.dma_semaphore, #tpu.memory_space<semaphore_mem>>)
      tpu.wait_dma2 semaphore(%run_scoped3A : memref<!tpu.dma_semaphore, #tpu.memory_space<semaphore_mem>>) src(%arg3 : memref<10240xf32, #tpu.memory_space<hbm>>) dst(%arg11 : memref<10240xf32, #tpu.memory_space<vmem>>)
      tpu.yield
    }) : () -> ()
    "tpu.region"() ({
      %run_scoped3A = tpu.sem_alloc : memref<!tpu.dma_semaphore, #tpu.memory_space<semaphore_mem>>
      tpu.enqueue_dma source(%arg4 : memref<10240xf32, #tpu.memory_space<hbm>>) target(%arg12 : memref<10240xf32, #tpu.memory_space<vmem>>) target_semaphore(%run_scoped3A : memref<!tpu.dma_semaphore, #tpu.memory_space<semaphore_mem>>)
      tpu.wait_dma2 semaphore(%run_scoped3A : memref<!tpu.dma_semaphore, #tpu.memory_space<semaphore_mem>>) src(%arg4 : memref<10240xf32, #tpu.memory_space<hbm>>) dst(%arg12 : memref<10240xf32, #tpu.memory_space<vmem>>)
      tpu.yield
    }) : () -> ()
    %broadcast_in_dim3A = arith.constant 1.000000e+00 : f32
    %broadcast_in_dim3A_1 = vector.broadcast %broadcast_in_dim3A : f32 to vector<16xf32>
    %swap3A = arith.constant 0 : index
    %swap3A_2 = tpu.vector_load %arg13[%swap3A] {strides = array<i32>} : memref<128xf32, #tpu.memory_space<vmem>>, vector<16xf32>,
    tpu.vector_store %arg13[%swap3A], %broadcast_in_dim3A_1 {strides = array<i32>} : memref<128xf32, #tpu.memory_space<vmem>>, vector<16xf32>,
    %broadcast_in_dim3A_3 = arith.constant 1.000000e+00 : f32
    %broadcast_in_dim3A_4 = vector.broadcast %broadcast_in_dim3A_3 : f32 to vector<16xf32>
    %swap3A_5 = arith.constant 16 : index
    %swap3A_6 = tpu.vector_load %arg13[%swap3A_5] {strides = array<i32>} : memref<128xf32, #tpu.memory_space<vmem>>, vector<16xf32>,
    tpu.vector_store %arg13[%swap3A_5], %broadcast_in_dim3A_4 {strides = array<i32>} : memref<128xf32, #tpu.memory_space<vmem>>, vector<16xf32>,
    %broadcast_in_dim3A_7 = arith.constant 1.000000e+00 : f32
    %broadcast_in_dim3A_8 = vector.broadcast %broadcast_in_dim3A_7 : f32 to vector<16xf32>
    %swap3A_9 = arith.constant 32 : index
    %swap3A_10 = tpu.vector_load %arg13[%swap3A_9] {strides = array<i32>} : memref<128xf32, #tpu.memory_space<vmem>>, vector<16xf32>,
    tpu.vector_store %arg13[%swap3A_9], %broadcast_in_dim3A_8 {strides = array<i32>} : memref<128xf32, #tpu.memory_space<vmem>>, vector<16xf32>,
    %broadcast_in_dim3A_11 = arith.constant 1.000000e+00 : f32
    %broadcast_in_dim3A_12 = vector.broadcast %broadcast_in_dim3A_11 : f32 to vector<16xf32>
    %swap3A_13 = arith.constant 48 : index
    %swap3A_14 = tpu.vector_load %arg13[%swap3A_13] {strides = array<i32>} : memref<128xf32, #tpu.memory_space<vmem>>, vector<16xf32>,
    tpu.vector_store %arg13[%swap3A_13], %broadcast_in_dim3A_12 {strides = array<i32>} : memref<128xf32, #tpu.memory_space<vmem>>, vector<16xf32>,
    %broadcast_in_dim3A_15 = arith.constant 1.000000e+00 : f32
    %broadcast_in_dim3A_16 = vector.broadcast %broadcast_in_dim3A_15 : f32 to vector<16xf32>
    %swap3A_17 = arith.constant 64 : index
    %swap3A_18 = tpu.vector_load %arg13[%swap3A_17] {strides = array<i32>} : memref<128xf32, #tpu.memory_space<vmem>>, vector<16xf32>,
    tpu.vector_store %arg13[%swap3A_17], %broadcast_in_dim3A_16 {strides = array<i32>} : memref<128xf32, #tpu.memory_space<vmem>>, vector<16xf32>,
    %broadcast_in_dim3A_19 = arith.constant 1.000000e+00 : f32
    %broadcast_in_dim3A_20 = vector.broadcast %broadcast_in_dim3A_19 : f32 to vector<16xf32>
    %swap3A_21 = arith.constant 80 : index
    %swap3A_22 = tpu.vector_load %arg13[%swap3A_21] {strides = array<i32>} : memref<128xf32, #tpu.memory_space<vmem>>, vector<16xf32>,
    tpu.vector_store %arg13[%swap3A_21], %broadcast_in_dim3A_20 {strides = array<i32>} : memref<128xf32, #tpu.memory_space<vmem>>, vector<16xf32>,
    %broadcast_in_dim3A_23 = arith.constant 1.000000e+00 : f32
    %broadcast_in_dim3A_24 = vector.broadcast %broadcast_in_dim3A_23 : f32 to vector<16xf32>
    %swap3A_25 = arith.constant 96 : index
    %swap3A_26 = tpu.vector_load %arg13[%swap3A_25] {strides = array<i32>} : memref<128xf32, #tpu.memory_space<vmem>>, vector<16xf32>,
    tpu.vector_store %arg13[%swap3A_25], %broadcast_in_dim3A_24 {strides = array<i32>} : memref<128xf32, #tpu.memory_space<vmem>>, vector<16xf32>,
    %broadcast_in_dim3A_27 = arith.constant 1.000000e+00 : f32
    %broadcast_in_dim3A_28 = vector.broadcast %broadcast_in_dim3A_27 : f32 to vector<16xf32>
    %swap3A_29 = arith.constant 112 : index
    %swap3A_30 = tpu.vector_load %arg13[%swap3A_29] {strides = array<i32>} : memref<128xf32, #tpu.memory_space<vmem>>, vector<16xf32>,
    tpu.vector_store %arg13[%swap3A_29], %broadcast_in_dim3A_28 {strides = array<i32>} : memref<128xf32, #tpu.memory_space<vmem>>, vector<16xf32>,
    %mul3A_31 = arith.constant 640 : i32
    %mul3A_32 = arith.muli %arg1, %mul3A_31 : i32
    "tpu.region"() ({
      %run_scoped3A = tpu.sem_alloc : memref<!tpu.dma_semaphore, #tpu.memory_space<semaphore_mem>>
      %dma_start3A = tpu.memref_slice %arg14[%mul3A_32] : memref<10240xf32, #tpu.memory_space<vmem_shared>> -> memref<640xf32, #tpu.memory_space<vmem_shared>>
      tpu.enqueue_dma source(%arg5 : memref<640xf32, #tpu.memory_space<hbm>>) target(%dma_start3A : memref<640xf32, #tpu.memory_space<vmem_shared>>) target_semaphore(%run_scoped3A : memref<!tpu.dma_semaphore, #tpu.memory_space<semaphore_mem>>)
      %dma_wait3A = tpu.memref_slice %arg14[%mul3A_32] : memref<10240xf32, #tpu.memory_space<vmem_shared>> -> memref<640xf32, #tpu.memory_space<vmem_shared>>
      tpu.wait_dma2 semaphore(%run_scoped3A : memref<!tpu.dma_semaphore, #tpu.memory_space<semaphore_mem>>) src(%arg5 : memref<640xf32, #tpu.memory_space<hbm>>) dst(%dma_wait3A : memref<640xf32, #tpu.memory_space<vmem_shared>>)
      tpu.yield
    }) : () -> ()
    %barrier3A = arith.constant 0 : index
    tpu.barrier barrier_id(%barrier3A)
    %scan3A = arith.constant 0 : i32
    %scan3A_33 = arith.constant 0 : i32
    %scan3A_34 = arith.constant 79 : i32
    %scan3A_35 = arith.addi %scan3A_33, %scan3A_34 : i32
    %scan3A_36 = arith.constant 1 : i32
    scf.for %scan3A_46 = %scan3A_33 to %scan3A_35 step %scan3A_36  : i32 {
      %get3A = arith.index_cast %scan3A_46 : i32 to index
      %get3A_47 = arith.constant 0 : index
      %get3A_48 = tpu.vector_load %arg8[%get3A, %get3A_47] {strides = array<i32>} : memref<79x128xi32, #tpu.memory_space<vmem>>, vector<16xi32>,
      %and3A = arith.constant 65535 : i32
      %and3A_49 = vector.broadcast %and3A : i32 to vector<16xi32>
      %and3A_50 = arith.andi %get3A_48, %and3A_49 : vector<16xi32>
      %shift_right_logical3A = arith.constant 16 : i32
      %shift_right_logical3A_51 = vector.broadcast %shift_right_logical3A : i32 to vector<16xi32>
      %shift_right_logical3A_52 = arith.shrui %get3A_48, %shift_right_logical3A_51 : vector<16xi32>
      %swap3A_53 = arith.index_cast %scan3A_46 : i32 to index
      %swap3A_54 = arith.constant 0 : index
      %swap3A_55 = tpu.vector_load %arg9[%swap3A_53, %swap3A_54] {strides = array<i32>} : memref<79x128xi32, #tpu.memory_space<vmem>>, vector<16xi32>,
      tpu.vector_store %arg9[%swap3A_53, %swap3A_54], %shift_right_logical3A_52 {strides = array<i32>} : memref<79x128xi32, #tpu.memory_space<vmem>>, vector<16xi32>,
      %gather3A = tpu.vector_load_idx %arg11[%and3A_50] : memref<10240xf32, #tpu.memory_space<vmem>>[vector<16xi32>], vector<16xf32>,
      %gather3A_56 = tpu.vector_load_idx %arg12[%shift_right_logical3A_52] : memref<10240xf32, #tpu.memory_space<vmem>>[vector<16xi32>], vector<16xf32>,
      %add3A_57 = arith.addf %gather3A, %gather3A_56 : vector<16xf32>
      %swap3A_58 = arith.index_cast %scan3A_46 : i32 to index
      %swap3A_59 = arith.constant 0 : index
      %swap3A_60 = tpu.vector_load %arg10[%swap3A_58, %swap3A_59] {strides = array<i32>} : memref<79x128xf32, #tpu.memory_space<vmem>>, vector<16xf32>,
      tpu.vector_store %arg10[%swap3A_58, %swap3A_59], %add3A_57 {strides = array<i32>} : memref<79x128xf32, #tpu.memory_space<vmem>>, vector<16xf32>,
      %get3A_61 = arith.index_cast %scan3A_46 : i32 to index
      %get3A_62 = arith.constant 16 : index
      %get3A_63 = tpu.vector_load %arg8[%get3A_61, %get3A_62] {strides = array<i32>} : memref<79x128xi32, #tpu.memory_space<vmem>>, vector<16xi32>,
      %and3A_64 = arith.constant 65535 : i32
      %and3A_65 = vector.broadcast %and3A_64 : i32 to vector<16xi32>
      %and3A_66 = arith.andi %get3A_63, %and3A_65 : vector<16xi32>
      %shift_right_logical3A_67 = arith.constant 16 : i32
      %shift_right_logical3A_68 = vector.broadcast %shift_right_logical3A_67 : i32 to vector<16xi32>
      %shift_right_logical3A_69 = arith.shrui %get3A_63, %shift_right_logical3A_68 : vector<16xi32>
      %swap3A_70 = arith.index_cast %scan3A_46 : i32 to index
      %swap3A_71 = arith.constant 16 : index
      %swap3A_72 = tpu.vector_load %arg9[%swap3A_70, %swap3A_71] {strides = array<i32>} : memref<79x128xi32, #tpu.memory_space<vmem>>, vector<16xi32>,
      tpu.vector_store %arg9[%swap3A_70, %swap3A_71], %shift_right_logical3A_69 {strides = array<i32>} : memref<79x128xi32, #tpu.memory_space<vmem>>, vector<16xi32>,
      %gather3A_73 = tpu.vector_load_idx %arg11[%and3A_66] : memref<10240xf32, #tpu.memory_space<vmem>>[vector<16xi32>], vector<16xf32>,
      %gather3A_74 = tpu.vector_load_idx %arg12[%shift_right_logical3A_69] : memref<10240xf32, #tpu.memory_space<vmem>>[vector<16xi32>], vector<16xf32>,
      %add3A_75 = arith.addf %gather3A_73, %gather3A_74 : vector<16xf32>
      %swap3A_76 = arith.index_cast %scan3A_46 : i32 to index
      %swap3A_77 = arith.constant 16 : index
      %swap3A_78 = tpu.vector_load %arg10[%swap3A_76, %swap3A_77] {strides = array<i32>} : memref<79x128xf32, #tpu.memory_space<vmem>>, vector<16xf32>,
      tpu.vector_store %arg10[%swap3A_76, %swap3A_77], %add3A_75 {strides = array<i32>} : memref<79x128xf32, #tpu.memory_space<vmem>>, vector<16xf32>,
      %get3A_79 = arith.index_cast %scan3A_46 : i32 to index
      %get3A_80 = arith.constant 32 : index
      %get3A_81 = tpu.vector_load %arg8[%get3A_79, %get3A_80] {strides = array<i32>} : memref<79x128xi32, #tpu.memory_space<vmem>>, vector<16xi32>,
      %and3A_82 = arith.constant 65535 : i32
      %and3A_83 = vector.broadcast %and3A_82 : i32 to vector<16xi32>
      %and3A_84 = arith.andi %get3A_81, %and3A_83 : vector<16xi32>
      %shift_right_logical3A_85 = arith.constant 16 : i32
      %shift_right_logical3A_86 = vector.broadcast %shift_right_logical3A_85 : i32 to vector<16xi32>
      %shift_right_logical3A_87 = arith.shrui %get3A_81, %shift_right_logical3A_86 : vector<16xi32>
      %swap3A_88 = arith.index_cast %scan3A_46 : i32 to index
      %swap3A_89 = arith.constant 32 : index
      %swap3A_90 = tpu.vector_load %arg9[%swap3A_88, %swap3A_89] {strides = array<i32>} : memref<79x128xi32, #tpu.memory_space<vmem>>, vector<16xi32>,
      tpu.vector_store %arg9[%swap3A_88, %swap3A_89], %shift_right_logical3A_87 {strides = array<i32>} : memref<79x128xi32, #tpu.memory_space<vmem>>, vector<16xi32>,
      %gather3A_91 = tpu.vector_load_idx %arg11[%and3A_84] : memref<10240xf32, #tpu.memory_space<vmem>>[vector<16xi32>], vector<16xf32>,
      %gather3A_92 = tpu.vector_load_idx %arg12[%shift_right_logical3A_87] : memref<10240xf32, #tpu.memory_space<vmem>>[vector<16xi32>], vector<16xf32>,
      %add3A_93 = arith.addf %gather3A_91, %gather3A_92 : vector<16xf32>
      %swap3A_94 = arith.index_cast %scan3A_46 : i32 to index
      %swap3A_95 = arith.constant 32 : index
      %swap3A_96 = tpu.vector_load %arg10[%swap3A_94, %swap3A_95] {strides = array<i32>} : memref<79x128xf32, #tpu.memory_space<vmem>>, vector<16xf32>,
      tpu.vector_store %arg10[%swap3A_94, %swap3A_95], %add3A_93 {strides = array<i32>} : memref<79x128xf32, #tpu.memory_space<vmem>>, vector<16xf32>,
      %get3A_97 = arith.index_cast %scan3A_46 : i32 to index
      %get3A_98 = arith.constant 48 : index
      %get3A_99 = tpu.vector_load %arg8[%get3A_97, %get3A_98] {strides = array<i32>} : memref<79x128xi32, #tpu.memory_space<vmem>>, vector<16xi32>,
      %and3A_100 = arith.constant 65535 : i32
      %and3A_101 = vector.broadcast %and3A_100 : i32 to vector<16xi32>
      %and3A_102 = arith.andi %get3A_99, %and3A_101 : vector<16xi32>
      %shift_right_logical3A_103 = arith.constant 16 : i32
      %shift_right_logical3A_104 = vector.broadcast %shift_right_logical3A_103 : i32 to vector<16xi32>
      %shift_right_logical3A_105 = arith.shrui %get3A_99, %shift_right_logical3A_104 : vector<16xi32>
      %swap3A_106 = arith.index_cast %scan3A_46 : i32 to index
      %swap3A_107 = arith.constant 48 : index
      %swap3A_108 = tpu.vector_load %arg9[%swap3A_106, %swap3A_107] {strides = array<i32>} : memref<79x128xi32, #tpu.memory_space<vmem>>, vector<16xi32>,
      tpu.vector_store %arg9[%swap3A_106, %swap3A_107], %shift_right_logical3A_105 {strides = array<i32>} : memref<79x128xi32, #tpu.memory_space<vmem>>, vector<16xi32>,
      %gather3A_109 = tpu.vector_load_idx %arg11[%and3A_102] : memref<10240xf32, #tpu.memory_space<vmem>>[vector<16xi32>], vector<16xf32>,
      %gather3A_110 = tpu.vector_load_idx %arg12[%shift_right_logical3A_105] : memref<10240xf32, #tpu.memory_space<vmem>>[vector<16xi32>], vector<16xf32>,
      %add3A_111 = arith.addf %gather3A_109, %gather3A_110 : vector<16xf32>
      %swap3A_112 = arith.index_cast %scan3A_46 : i32 to index
      %swap3A_113 = arith.constant 48 : index
      %swap3A_114 = tpu.vector_load %arg10[%swap3A_112, %swap3A_113] {strides = array<i32>} : memref<79x128xf32, #tpu.memory_space<vmem>>, vector<16xf32>,
      tpu.vector_store %arg10[%swap3A_112, %swap3A_113], %add3A_111 {strides = array<i32>} : memref<79x128xf32, #tpu.memory_space<vmem>>, vector<16xf32>,
      %get3A_115 = arith.index_cast %scan3A_46 : i32 to index
      %get3A_116 = arith.constant 64 : index
      %get3A_117 = tpu.vector_load %arg8[%get3A_115, %get3A_116] {strides = array<i32>} : memref<79x128xi32, #tpu.memory_space<vmem>>, vector<16xi32>,
      %and3A_118 = arith.constant 65535 : i32
      %and3A_119 = vector.broadcast %and3A_118 : i32 to vector<16xi32>
      %and3A_120 = arith.andi %get3A_117, %and3A_119 : vector<16xi32>
      %shift_right_logical3A_121 = arith.constant 16 : i32
      %shift_right_logical3A_122 = vector.broadcast %shift_right_logical3A_121 : i32 to vector<16xi32>
      %shift_right_logical3A_123 = arith.shrui %get3A_117, %shift_right_logical3A_122 : vector<16xi32>
      %swap3A_124 = arith.index_cast %scan3A_46 : i32 to index
      %swap3A_125 = arith.constant 64 : index
      %swap3A_126 = tpu.vector_load %arg9[%swap3A_124, %swap3A_125] {strides = array<i32>} : memref<79x128xi32, #tpu.memory_space<vmem>>, vector<16xi32>,
      tpu.vector_store %arg9[%swap3A_124, %swap3A_125], %shift_right_logical3A_123 {strides = array<i32>} : memref<79x128xi32, #tpu.memory_space<vmem>>, vector<16xi32>,
      %gather3A_127 = tpu.vector_load_idx %arg11[%and3A_120] : memref<10240xf32, #tpu.memory_space<vmem>>[vector<16xi32>], vector<16xf32>,
      %gather3A_128 = tpu.vector_load_idx %arg12[%shift_right_logical3A_123] : memref<10240xf32, #tpu.memory_space<vmem>>[vector<16xi32>], vector<16xf32>,
      %add3A_129 = arith.addf %gather3A_127, %gather3A_128 : vector<16xf32>
      %swap3A_130 = arith.index_cast %scan3A_46 : i32 to index
      %swap3A_131 = arith.constant 64 : index
      %swap3A_132 = tpu.vector_load %arg10[%swap3A_130, %swap3A_131] {strides = array<i32>} : memref<79x128xf32, #tpu.memory_space<vmem>>, vector<16xf32>,
      tpu.vector_store %arg10[%swap3A_130, %swap3A_131], %add3A_129 {strides = array<i32>} : memref<79x128xf32, #tpu.memory_space<vmem>>, vector<16xf32>,
      %get3A_133 = arith.index_cast %scan3A_46 : i32 to index
      %get3A_134 = arith.constant 80 : index
      %get3A_135 = tpu.vector_load %arg8[%get3A_133, %get3A_134] {strides = array<i32>} : memref<79x128xi32, #tpu.memory_space<vmem>>, vector<16xi32>,
      %and3A_136 = arith.constant 65535 : i32
      %and3A_137 = vector.broadcast %and3A_136 : i32 to vector<16xi32>
      %and3A_138 = arith.andi %get3A_135, %and3A_137 : vector<16xi32>
      %shift_right_logical3A_139 = arith.constant 16 : i32
      %shift_right_logical3A_140 = vector.broadcast %shift_right_logical3A_139 : i32 to vector<16xi32>
      %shift_right_logical3A_141 = arith.shrui %get3A_135, %shift_right_logical3A_140 : vector<16xi32>
      %swap3A_142 = arith.index_cast %scan3A_46 : i32 to index
      %swap3A_143 = arith.constant 80 : index
      %swap3A_144 = tpu.vector_load %arg9[%swap3A_142, %swap3A_143] {strides = array<i32>} : memref<79x128xi32, #tpu.memory_space<vmem>>, vector<16xi32>,
      tpu.vector_store %arg9[%swap3A_142, %swap3A_143], %shift_right_logical3A_141 {strides = array<i32>} : memref<79x128xi32, #tpu.memory_space<vmem>>, vector<16xi32>,
      %gather3A_145 = tpu.vector_load_idx %arg11[%and3A_138] : memref<10240xf32, #tpu.memory_space<vmem>>[vector<16xi32>], vector<16xf32>,
      %gather3A_146 = tpu.vector_load_idx %arg12[%shift_right_logical3A_141] : memref<10240xf32, #tpu.memory_space<vmem>>[vector<16xi32>], vector<16xf32>,
      %add3A_147 = arith.addf %gather3A_145, %gather3A_146 : vector<16xf32>
      %swap3A_148 = arith.index_cast %scan3A_46 : i32 to index
      %swap3A_149 = arith.constant 80 : index
      %swap3A_150 = tpu.vector_load %arg10[%swap3A_148, %swap3A_149] {strides = array<i32>} : memref<79x128xf32, #tpu.memory_space<vmem>>, vector<16xf32>,
      tpu.vector_store %arg10[%swap3A_148, %swap3A_149], %add3A_147 {strides = array<i32>} : memref<79x128xf32, #tpu.memory_space<vmem>>, vector<16xf32>,
      %get3A_151 = arith.index_cast %scan3A_46 : i32 to index
      %get3A_152 = arith.constant 96 : index
      %get3A_153 = tpu.vector_load %arg8[%get3A_151, %get3A_152] {strides = array<i32>} : memref<79x128xi32, #tpu.memory_space<vmem>>, vector<16xi32>,
      %and3A_154 = arith.constant 65535 : i32
      %and3A_155 = vector.broadcast %and3A_154 : i32 to vector<16xi32>
      %and3A_156 = arith.andi %get3A_153, %and3A_155 : vector<16xi32>
      %shift_right_logical3A_157 = arith.constant 16 : i32
      %shift_right_logical3A_158 = vector.broadcast %shift_right_logical3A_157 : i32 to vector<16xi32>
      %shift_right_logical3A_159 = arith.shrui %get3A_153, %shift_right_logical3A_158 : vector<16xi32>
      %swap3A_160 = arith.index_cast %scan3A_46 : i32 to index
      %swap3A_161 = arith.constant 96 : index
      %swap3A_162 = tpu.vector_load %arg9[%swap3A_160, %swap3A_161] {strides = array<i32>} : memref<79x128xi32, #tpu.memory_space<vmem>>, vector<16xi32>,
      tpu.vector_store %arg9[%swap3A_160, %swap3A_161], %shift_right_logical3A_159 {strides = array<i32>} : memref<79x128xi32, #tpu.memory_space<vmem>>, vector<16xi32>,
      %gather3A_163 = tpu.vector_load_idx %arg11[%and3A_156] : memref<10240xf32, #tpu.memory_space<vmem>>[vector<16xi32>], vector<16xf32>,
      %gather3A_164 = tpu.vector_load_idx %arg12[%shift_right_logical3A_159] : memref<10240xf32, #tpu.memory_space<vmem>>[vector<16xi32>], vector<16xf32>,
      %add3A_165 = arith.addf %gather3A_163, %gather3A_164 : vector<16xf32>
      %swap3A_166 = arith.index_cast %scan3A_46 : i32 to index
      %swap3A_167 = arith.constant 96 : index
      %swap3A_168 = tpu.vector_load %arg10[%swap3A_166, %swap3A_167] {strides = array<i32>} : memref<79x128xf32, #tpu.memory_space<vmem>>, vector<16xf32>,
      tpu.vector_store %arg10[%swap3A_166, %swap3A_167], %add3A_165 {strides = array<i32>} : memref<79x128xf32, #tpu.memory_space<vmem>>, vector<16xf32>,
      %get3A_169 = arith.index_cast %scan3A_46 : i32 to index
      %get3A_170 = arith.constant 112 : index
      %get3A_171 = tpu.vector_load %arg8[%get3A_169, %get3A_170] {strides = array<i32>} : memref<79x128xi32, #tpu.memory_space<vmem>>, vector<16xi32>,
      %and3A_172 = arith.constant 65535 : i32
      %and3A_173 = vector.broadcast %and3A_172 : i32 to vector<16xi32>
      %and3A_174 = arith.andi %get3A_171, %and3A_173 : vector<16xi32>
      %shift_right_logical3A_175 = arith.constant 16 : i32
      %shift_right_logical3A_176 = vector.broadcast %shift_right_logical3A_175 : i32 to vector<16xi32>
      %shift_right_logical3A_177 = arith.shrui %get3A_171, %shift_right_logical3A_176 : vector<16xi32>
      %swap3A_178 = arith.index_cast %scan3A_46 : i32 to index
      %swap3A_179 = arith.constant 112 : index
      %swap3A_180 = tpu.vector_load %arg9[%swap3A_178, %swap3A_179] {strides = array<i32>} : memref<79x128xi32, #tpu.memory_space<vmem>>, vector<16xi32>,
      tpu.vector_store %arg9[%swap3A_178, %swap3A_179], %shift_right_logical3A_177 {strides = array<i32>} : memref<79x128xi32, #tpu.memory_space<vmem>>, vector<16xi32>,
      %gather3A_181 = tpu.vector_load_idx %arg11[%and3A_174] : memref<10240xf32, #tpu.memory_space<vmem>>[vector<16xi32>], vector<16xf32>,
      %gather3A_182 = tpu.vector_load_idx %arg12[%shift_right_logical3A_177] : memref<10240xf32, #tpu.memory_space<vmem>>[vector<16xi32>], vector<16xf32>,
      %add3A_183 = arith.addf %gather3A_181, %gather3A_182 : vector<16xf32>
      %swap3A_184 = arith.index_cast %scan3A_46 : i32 to index
      %swap3A_185 = arith.constant 112 : index
      %swap3A_186 = tpu.vector_load %arg10[%swap3A_184, %swap3A_185] {strides = array<i32>} : memref<79x128xf32, #tpu.memory_space<vmem>>, vector<16xf32>,
      tpu.vector_store %arg10[%swap3A_184, %swap3A_185], %add3A_183 {strides = array<i32>} : memref<79x128xf32, #tpu.memory_space<vmem>>, vector<16xf32>,
      "tpu.region"() ({
        %run_scoped3A = tpu.sem_alloc : memref<!tpu.dma_semaphore, #tpu.memory_space<semaphore_mem>>
        %dma_start3A = arith.constant 0 : i32
        %dma_start3A_187 = tpu.memref_slice %arg9[%scan3A_46, %dma_start3A] : memref<79x128xi32, #tpu.memory_space<vmem>> -> memref<1x128xi32, #tpu.memory_space<vmem>>
        %dma_start3A_188 = tpu.memref_squeeze %dma_start3A_187 : memref<1x128xi32, #tpu.memory_space<vmem>> -> memref<128xi32, #tpu.memory_space<vmem>>
        %dma_start3A_189 = arith.constant 0 : i32
        %dma_start3A_190 = tpu.memref_slice %arg14[%dma_start3A_189] : memref<10240xf32, #tpu.memory_space<vmem_shared>> -> memref<10240xf32, #tpu.memory_space<vmem_shared>>
        tpu.enqueue_indirect_dma source(%arg13 : memref<128xf32, #tpu.memory_space<vmem>>) target(%dma_start3A_190 : memref<10240xf32, #tpu.memory_space<vmem_shared>>) offsets(%dma_start3A_188 : memref<128xi32, #tpu.memory_space<vmem>>) semaphore(%run_scoped3A : memref<!tpu.dma_semaphore, #tpu.memory_space<semaphore_mem>>) {add = true}
        %dma_wait3A = arith.constant 0 : i32
        %dma_wait3A_191 = tpu.memref_slice %arg9[%scan3A_46, %dma_wait3A] : memref<79x128xi32, #tpu.memory_space<vmem>> -> memref<1x128xi32, #tpu.memory_space<vmem>>
        %dma_wait3A_192 = tpu.memref_squeeze %dma_wait3A_191 : memref<1x128xi32, #tpu.memory_space<vmem>> -> memref<128xi32, #tpu.memory_space<vmem>>
        %dma_wait3A_193 = arith.constant 0 : i32
        %dma_wait3A_194 = tpu.memref_slice %arg14[%dma_wait3A_193] : memref<10240xf32, #tpu.memory_space<vmem_shared>> -> memref<10240xf32, #tpu.memory_space<vmem_shared>>
        tpu.wait_indirect_dma semaphore(%run_scoped3A : memref<!tpu.dma_semaphore, #tpu.memory_space<semaphore_mem>>) src(%arg13 : memref<128xf32, #tpu.memory_space<vmem>>) dst(%dma_wait3A_194 : memref<10240xf32, #tpu.memory_space<vmem_shared>>)
        tpu.yield
      }) : () -> ()
    }
    %scan3A_37 = arith.constant 79 : i32
    "tpu.region"() ({
      %run_scoped3A = tpu.sem_alloc : memref<!tpu.dma_semaphore, #tpu.memory_space<semaphore_mem>>
      %dma_start3A = arith.constant 0 : i32
      %dma_start3A_46 = arith.constant 0 : i32
      %dma_start3A_47 = tpu.memref_slice %arg6[%add3A, %dma_start3A, %dma_start3A_46] : memref<32x79x128xf32, #tpu.memory_space<hbm>> -> memref<1x79x128xf32, #tpu.memory_space<hbm>>
      %dma_start3A_48 = tpu.memref_squeeze %dma_start3A_47 : memref<1x79x128xf32, #tpu.memory_space<hbm>> -> memref<79x128xf32, #tpu.memory_space<hbm>>
      %dma_start3A_49 = arith.constant 0 : i32
      %dma_start3A_50 = arith.constant 0 : i32
      %dma_start3A_51 = tpu.memref_slice %arg6[%add3A, %dma_start3A_49, %dma_start3A_50] : memref<32x79x128xf32, #tpu.memory_space<hbm>> -> memref<1x79x128xf32, #tpu.memory_space<hbm>>
      %dma_start3A_52 = tpu.memref_squeeze %dma_start3A_51 : memref<1x79x128xf32, #tpu.memory_space<hbm>> -> memref<79x128xf32, #tpu.memory_space<hbm>>
      tpu.enqueue_dma source(%arg10 : memref<79x128xf32, #tpu.memory_space<vmem>>) target(%dma_start3A_52 : memref<79x128xf32, #tpu.memory_space<hbm>>) target_semaphore(%run_scoped3A : memref<!tpu.dma_semaphore, #tpu.memory_space<semaphore_mem>>)
      %dma_wait3A = arith.constant 0 : i32
      %dma_wait3A_53 = arith.constant 0 : i32
      %dma_wait3A_54 = tpu.memref_slice %arg6[%add3A, %dma_wait3A, %dma_wait3A_53] : memref<32x79x128xf32, #tpu.memory_space<hbm>> -> memref<1x79x128xf32, #tpu.memory_space<hbm>>
      %dma_wait3A_55 = tpu.memref_squeeze %dma_wait3A_54 : memref<1x79x128xf32, #tpu.memory_space<hbm>> -> memref<79x128xf32, #tpu.memory_space<hbm>>
      %dma_wait3A_56 = arith.constant 0 : i32
      %dma_wait3A_57 = arith.constant 0 : i32
      %dma_wait3A_58 = tpu.memref_slice %arg6[%add3A, %dma_wait3A_56, %dma_wait3A_57] : memref<32x79x128xf32, #tpu.memory_space<hbm>> -> memref<1x79x128xf32, #tpu.memory_space<hbm>>
      %dma_wait3A_59 = tpu.memref_squeeze %dma_wait3A_58 : memref<1x79x128xf32, #tpu.memory_space<hbm>> -> memref<79x128xf32, #tpu.memory_space<hbm>>
      tpu.wait_dma2 semaphore(%run_scoped3A : memref<!tpu.dma_semaphore, #tpu.memory_space<semaphore_mem>>) src(%arg10 : memref<79x128xf32, #tpu.memory_space<vmem>>) dst(%dma_wait3A_59 : memref<79x128xf32, #tpu.memory_space<hbm>>)
      tpu.yield
    }) : () -> ()
    %barrier3A_38 = arith.constant 0 : index
    tpu.barrier barrier_id(%barrier3A_38)
    %mul3A_39 = arith.constant 10240 : i32
    %mul3A_40 = arith.muli %arg0, %mul3A_39 : i32
    %mul3A_41 = arith.constant 640 : i32
    %mul3A_42 = arith.muli %arg1, %mul3A_41 : i32
    %add3A_43 = arith.addi %mul3A_40, %mul3A_42 : i32
    %mul3A_44 = arith.constant 640 : i32
    %mul3A_45 = arith.muli %arg1, %mul3A_44 : i32
    "tpu.region"() ({
      %run_scoped3A = tpu.sem_alloc : memref<!tpu.dma_semaphore, #tpu.memory_space<semaphore_mem>>
      %dma_start3A = tpu.memref_slice %arg7[%add3A_43] : memref<20480xf32, #tpu.memory_space<hbm>> -> memref<640xf32, #tpu.memory_space<hbm>>
      %dma_start3A_46 = tpu.memref_slice %arg14[%mul3A_45] : memref<10240xf32, #tpu.memory_space<vmem_shared>> -> memref<640xf32, #tpu.memory_space<vmem_shared>>
      tpu.enqueue_dma source(%dma_start3A_46 : memref<640xf32, #tpu.memory_space<vmem_shared>>) target(%dma_start3A : memref<640xf32, #tpu.memory_space<hbm>>) target_semaphore(%run_scoped3A : memref<!tpu.dma_semaphore, #tpu.memory_space<semaphore_mem>>)
      %dma_wait3A = tpu.memref_slice %arg7[%add3A_43] : memref<20480xf32, #tpu.memory_space<hbm>> -> memref<640xf32, #tpu.memory_space<hbm>>
      %dma_wait3A_47 = tpu.memref_slice %arg14[%mul3A_45] : memref<10240xf32, #tpu.memory_space<vmem_shared>> -> memref<640xf32, #tpu.memory_space<vmem_shared>>
      tpu.wait_dma2 semaphore(%run_scoped3A : memref<!tpu.dma_semaphore, #tpu.memory_space<semaphore_mem>>) src(%dma_wait3A_47 : memref<640xf32, #tpu.memory_space<vmem_shared>>) dst(%dma_wait3A : memref<640xf32, #tpu.memory_space<hbm>>)
      tpu.yield
    }) : () -> ()
    return
  }
}

module attributes {stable_mosaic.version = 14 : i64} {
  func.func @_k0a_body(%arg0: i32, %arg1: memref<1280x128xf32, #tpu.memory_space<vmem>>, %arg2: memref<128x128xf32, #tpu.memory_space<vmem>>, %arg3: memref<1x128xf32, #tpu.memory_space<vmem>>, %arg4: memref<1x128xf32, #tpu.memory_space<vmem>>, %arg5: memref<1280x128xf32, #tpu.memory_space<vmem>>, %arg6: memref<1x1x1280xf32, #tpu.memory_space<vmem>>, %arg7: memref<1x1x1280xf32, #tpu.memory_space<vmem>>) attributes {dimension_semantics = [#tpu.dimension_semantics<arbitrary>], iteration_bounds = array<i64: 8>, scalar_prefetch = 0 : i64, scratch_operands = 0 : i64, tpu.core_type = #tpu.core_type<tc>, window_params = [{transform_indices = @transform_0, window_bounds = array<i64: 1280, 128>}, {pipeline_mode = #tpu.pipeline_mode<synchronous>, transform_indices = @transform_1, window_bounds = array<i64: 128, 128>}, {pipeline_mode = #tpu.pipeline_mode<synchronous>, transform_indices = @transform_2, window_bounds = array<i64: 1, 128>}, {pipeline_mode = #tpu.pipeline_mode<synchronous>, transform_indices = @transform_3, window_bounds = array<i64: 1, 128>}, {transform_indices = @transform_4, window_bounds = array<i64: 1280, 128>}, {transform_indices = @transform_5, window_bounds = array<i64: 1, 1, 1280>}, {transform_indices = @transform_6, window_bounds = array<i64: 1, 1, 1280>}]} {
    %get3A = arith.constant 0 : index
    %get3A_0 = arith.constant 0 : index
    %get3A_1 = vector.load %arg1[%get3A, %get3A_0] : memref<1280x128xf32, #tpu.memory_space<vmem>>, vector<1280x128xf32>
    %get3A_2 = arith.constant 0 : index
    %get3A_3 = arith.constant 0 : index
    %get3A_4 = vector.load %arg2[%get3A_2, %get3A_3] : memref<128x128xf32, #tpu.memory_space<vmem>>, vector<128x128xf32>
    %dot_general3A = arith.constant dense<0.000000e+00> : vector<1280x128xf32>
    %dot_general3A_5 = tpu.matmul %get3A_1, %get3A_4, %dot_general3A {dimension_numbers = #tpu.dot_dimension_numbers<[1], [1], [0], [0], [0, 0, 1, 0], [], []>, transpose_lhs_hint = false} : vector<1280x128xf32>, vector<128x128xf32>, vector<1280x128xf32> -> vector<1280x128xf32>
    %swap3A = arith.constant 0 : index
    %swap3A_6 = arith.constant 0 : index
    %swap3A_7 = vector.load %arg5[%swap3A, %swap3A_6] : memref<1280x128xf32, #tpu.memory_space<vmem>>, vector<1280x128xf32>
    tpu.vector_store %arg5[%swap3A, %swap3A_6], %dot_general3A_5 {strides = array<i32>} : memref<1280x128xf32, #tpu.memory_space<vmem>>, vector<1280x128xf32>,
    %get3A_8 = arith.constant 0 : index
    %get3A_9 = arith.constant 0 : index
    %get3A_10 = vector.load %arg3[%get3A_8, %get3A_9] : memref<1x128xf32, #tpu.memory_space<vmem>>, vector<1x128xf32>
    %mul3A = vector.broadcast %get3A_10 : vector<1x128xf32> to vector<1280x128xf32>
    %mul3A_11 = arith.mulf %dot_general3A_5, %mul3A : vector<1280x128xf32>
    %reduce_sum3A = arith.constant dense<0.000000e+00> : vector<1280xf32>
    %reduce_sum3A_12 = vector.multi_reduction <add>, %mul3A_11, %reduce_sum3A [1] : vector<1280x128xf32> to vector<1280xf32>
    %broadcast_in_dim3A = vector.shape_cast %reduce_sum3A_12 : vector<1280xf32> to vector<1x1x1280xf32>
    %swap3A_13 = arith.constant 0 : index
    %swap3A_14 = arith.constant 0 : index
    %swap3A_15 = arith.constant 0 : index
    %swap3A_16 = vector.load %arg6[%swap3A_13, %swap3A_14, %swap3A_15] : memref<1x1x1280xf32, #tpu.memory_space<vmem>>, vector<1x1x1280xf32>
    tpu.vector_store %arg6[%swap3A_13, %swap3A_14, %swap3A_15], %broadcast_in_dim3A {strides = array<i32>} : memref<1x1x1280xf32, #tpu.memory_space<vmem>>, vector<1x1x1280xf32>,
    %get3A_17 = arith.constant 0 : index
    %get3A_18 = arith.constant 0 : index
    %get3A_19 = vector.load %arg4[%get3A_17, %get3A_18] : memref<1x128xf32, #tpu.memory_space<vmem>>, vector<1x128xf32>
    %mul3A_20 = vector.broadcast %get3A_19 : vector<1x128xf32> to vector<1280x128xf32>
    %mul3A_21 = arith.mulf %dot_general3A_5, %mul3A_20 : vector<1280x128xf32>
    %reduce_sum3A_22 = arith.constant dense<0.000000e+00> : vector<1280xf32>
    %reduce_sum3A_23 = vector.multi_reduction <add>, %mul3A_21, %reduce_sum3A_22 [1] : vector<1280x128xf32> to vector<1280xf32>
    %broadcast_in_dim3A_24 = vector.shape_cast %reduce_sum3A_23 : vector<1280xf32> to vector<1x1x1280xf32>
    %swap3A_25 = arith.constant 0 : index
    %swap3A_26 = arith.constant 0 : index
    %swap3A_27 = arith.constant 0 : index
    %swap3A_28 = vector.load %arg7[%swap3A_25, %swap3A_26, %swap3A_27] : memref<1x1x1280xf32, #tpu.memory_space<vmem>>, vector<1x1x1280xf32>
    tpu.vector_store %arg7[%swap3A_25, %swap3A_26, %swap3A_27], %broadcast_in_dim3A_24 {strides = array<i32>} : memref<1x1x1280xf32, #tpu.memory_space<vmem>>, vector<1x1x1280xf32>,
    return
  }
  func.func @transform_0(%arg0: i32) -> (i32, i32) {
    %c0_i32 = arith.constant 0 : i32
    %c0_i32_0 = arith.constant 0 : i32
    return %arg0, %c0_i32 : i32, i32
  }
  func.func @transform_1(%arg0: i32) -> (i32, i32) {
    %c0_i32 = arith.constant 0 : i32
    %c0_i32_0 = arith.constant 0 : i32
    %c0_i32_1 = arith.constant 0 : i32
    return %c0_i32, %c0_i32_0 : i32, i32
  }
  func.func @transform_2(%arg0: i32) -> (i32, i32) {
    %c0_i32 = arith.constant 0 : i32
    %c0_i32_0 = arith.constant 0 : i32
    %c0_i32_1 = arith.constant 0 : i32
    return %c0_i32, %c0_i32_0 : i32, i32
  }
  func.func @transform_3(%arg0: i32) -> (i32, i32) {
    %c0_i32 = arith.constant 0 : i32
    %c0_i32_0 = arith.constant 0 : i32
    %c0_i32_1 = arith.constant 0 : i32
    return %c0_i32, %c0_i32_0 : i32, i32
  }
  func.func @transform_4(%arg0: i32) -> (i32, i32) {
    %c0_i32 = arith.constant 0 : i32
    %c0_i32_0 = arith.constant 0 : i32
    return %arg0, %c0_i32 : i32, i32
  }
  func.func @transform_5(%arg0: i32) -> (i32, i32, i32) {
    %c0_i32 = arith.constant 0 : i32
    %c0_i32_0 = arith.constant 0 : i32
    %c0_i32_1 = arith.constant 0 : i32
    return %arg0, %c0_i32, %c0_i32_0 : i32, i32, i32
  }
  func.func @transform_6(%arg0: i32) -> (i32, i32, i32) {
    %c0_i32 = arith.constant 0 : i32
    %c0_i32_0 = arith.constant 0 : i32
    %c0_i32_1 = arith.constant 0 : i32
    return %arg0, %c0_i32, %c0_i32_0 : i32, i32, i32
  }
}

module attributes {stable_mosaic.version = 14 : i64} {
  func.func @_k0b_body(%arg0: i32, %arg1: memref<5000x128xf32, #tpu.memory_space<vmem>>, %arg2: memref<128x16xf32, #tpu.memory_space<vmem>>, %arg3: memref<1x128xf32, #tpu.memory_space<vmem>>, %arg4: memref<128x16xf32, #tpu.memory_space<vmem>>, %arg5: memref<128x8xf32, #tpu.memory_space<vmem>>, %arg6: memref<5000x8xf32, #tpu.memory_space<vmem>>) attributes {dimension_semantics = [#tpu.dimension_semantics<arbitrary>], iteration_bounds = array<i64: 8>, scalar_prefetch = 0 : i64, scratch_operands = 0 : i64, tpu.core_type = #tpu.core_type<tc>, window_params = [{transform_indices = @transform_0, window_bounds = array<i64: 5000, 128>}, {pipeline_mode = #tpu.pipeline_mode<synchronous>, transform_indices = @transform_1, window_bounds = array<i64: 128, 16>}, {pipeline_mode = #tpu.pipeline_mode<synchronous>, transform_indices = @transform_2, window_bounds = array<i64: 1, 128>}, {pipeline_mode = #tpu.pipeline_mode<synchronous>, transform_indices = @transform_3, window_bounds = array<i64: 128, 16>}, {pipeline_mode = #tpu.pipeline_mode<synchronous>, transform_indices = @transform_4, window_bounds = array<i64: 128, 8>}, {transform_indices = @transform_5, window_bounds = array<i64: 5000, 8>}]} {
    %get3A = arith.constant 0 : index
    %get3A_0 = arith.constant 0 : index
    %get3A_1 = vector.load %arg3[%get3A, %get3A_0] : memref<1x128xf32, #tpu.memory_space<vmem>>, vector<1x128xf32>
    %get3A_2 = arith.constant 0 : index
    %get3A_3 = arith.constant 0 : index
    %get3A_4 = vector.load %arg2[%get3A_2, %get3A_3] : memref<128x16xf32, #tpu.memory_space<vmem>>, vector<128x16xf32>
    %dot_general3A = arith.constant dense<0.000000e+00> : vector<1x16xf32>
    %dot_general3A_5 = tpu.matmul %get3A_1, %get3A_4, %dot_general3A {dimension_numbers = #tpu.dot_dimension_numbers<[1], [0], [0], [1], [0, 0, 1, 1], [], []>, transpose_lhs_hint = false} : vector<1x128xf32>, vector<128x16xf32>, vector<1x16xf32> -> vector<1x16xf32>
    %get3A_6 = arith.constant 0 : index
    %get3A_7 = arith.constant 0 : index
    %get3A_8 = vector.load %arg4[%get3A_6, %get3A_7] : memref<128x16xf32, #tpu.memory_space<vmem>>, vector<128x16xf32>
    %dot_general3A_9 = arith.constant dense<0.000000e+00> : vector<128x1xf32>
    %dot_general3A_10 = tpu.matmul %get3A_8, %dot_general3A_5, %dot_general3A_9 {dimension_numbers = #tpu.dot_dimension_numbers<[1], [1], [0], [0], [0, 0, 1, 0], [], []>, transpose_lhs_hint = false} : vector<128x16xf32>, vector<1x16xf32>, vector<128x1xf32> -> vector<128x1xf32>
    %get3A_11 = arith.constant 0 : index
    %get3A_12 = arith.constant 0 : index
    %get3A_13 = vector.load %arg5[%get3A_11, %get3A_12] : memref<128x8xf32, #tpu.memory_space<vmem>>, vector<128x8xf32>
    %mul3A = vector.broadcast %dot_general3A_10 : vector<128x1xf32> to vector<128x8xf32>
    %mul3A_14 = arith.mulf %get3A_13, %mul3A : vector<128x8xf32>
    %get3A_15 = arith.constant 0 : index
    %get3A_16 = arith.constant 0 : index
    %get3A_17 = vector.load %arg1[%get3A_15, %get3A_16] : memref<5000x128xf32, #tpu.memory_space<vmem>>, vector<5000x128xf32>
    %dot_general3A_18 = arith.constant dense<0.000000e+00> : vector<5000x8xf32>
    %dot_general3A_19 = tpu.matmul %get3A_17, %mul3A_14, %dot_general3A_18 {dimension_numbers = #tpu.dot_dimension_numbers<[1], [0], [0], [1], [0, 0, 1, 1], [], []>, transpose_lhs_hint = false} : vector<5000x128xf32>, vector<128x8xf32>, vector<5000x8xf32> -> vector<5000x8xf32>
    %swap3A = arith.constant 0 : index
    %swap3A_20 = arith.constant 0 : index
    %swap3A_21 = vector.load %arg6[%swap3A, %swap3A_20] : memref<5000x8xf32, #tpu.memory_space<vmem>>, vector<5000x8xf32>
    tpu.vector_store %arg6[%swap3A, %swap3A_20], %dot_general3A_19 {strides = array<i32>} : memref<5000x8xf32, #tpu.memory_space<vmem>>, vector<5000x8xf32>,
    return
  }
  func.func @transform_0(%arg0: i32) -> (i32, i32) {
    %c0_i32 = arith.constant 0 : i32
    %c0_i32_0 = arith.constant 0 : i32
    return %arg0, %c0_i32 : i32, i32
  }
  func.func @transform_1(%arg0: i32) -> (i32, i32) {
    %c0_i32 = arith.constant 0 : i32
    %c0_i32_0 = arith.constant 0 : i32
    %c0_i32_1 = arith.constant 0 : i32
    return %c0_i32, %c0_i32_0 : i32, i32
  }
  func.func @transform_2(%arg0: i32) -> (i32, i32) {
    %c0_i32 = arith.constant 0 : i32
    %c0_i32_0 = arith.constant 0 : i32
    %c0_i32_1 = arith.constant 0 : i32
    return %c0_i32, %c0_i32_0 : i32, i32
  }
  func.func @transform_3(%arg0: i32) -> (i32, i32) {
    %c0_i32 = arith.constant 0 : i32
    %c0_i32_0 = arith.constant 0 : i32
    %c0_i32_1 = arith.constant 0 : i32
    return %c0_i32, %c0_i32_0 : i32, i32
  }
  func.func @transform_4(%arg0: i32) -> (i32, i32) {
    %c0_i32 = arith.constant 0 : i32
    %c0_i32_0 = arith.constant 0 : i32
    %c0_i32_1 = arith.constant 0 : i32
    return %c0_i32, %c0_i32_0 : i32, i32
  }
  func.func @transform_5(%arg0: i32) -> (i32, i32) {
    %c0_i32 = arith.constant 0 : i32
    %c0_i32_0 = arith.constant 0 : i32
    return %arg0, %c0_i32 : i32, i32
  }
}

module attributes {stable_mosaic.version = 14 : i64} {
  func.func @_k2_body(%arg0: i32, %arg1: memref<632x128xf32, #tpu.memory_space<vmem>>, %arg2: memref<632x128xf32, #tpu.memory_space<vmem>>, %arg3: memref<632x128xf32, #tpu.memory_space<vmem>>, %arg4: memref<8x128xf32, #tpu.memory_space<vmem>>) attributes {dimension_semantics = [#tpu.dimension_semantics<arbitrary>], iteration_bounds = array<i64: 4>, scalar_prefetch = 0 : i64, scratch_operands = 0 : i64, tpu.core_type = #tpu.core_type<tc>, window_params = [{transform_indices = @transform_0, window_bounds = array<i64: 632, 128>}, {transform_indices = @transform_1, window_bounds = array<i64: 632, 128>}, {transform_indices = @transform_2, window_bounds = array<i64: 632, 128>}, {pipeline_mode = #tpu.pipeline_mode<synchronous>, transform_indices = @transform_3, window_bounds = array<i64: 8, 128>}]} {
    %get3A = arith.constant 0 : index
    %get3A_0 = arith.constant 0 : index
    %get3A_1 = vector.load %arg1[%get3A, %get3A_0] : memref<632x128xf32, #tpu.memory_space<vmem>>, vector<632x128xf32>
    %get3A_2 = arith.constant 0 : index
    %get3A_3 = arith.constant 0 : index
    %get3A_4 = vector.load %arg2[%get3A_2, %get3A_3] : memref<632x128xf32, #tpu.memory_space<vmem>>, vector<632x128xf32>
    %add3A = arith.addf %get3A_1, %get3A_4 : vector<632x128xf32>
    %mul3A = arith.constant 2.000000e-01 : f32
    %mul3A_5 = vector.broadcast %mul3A : f32 to vector<632x128xf32>
    %mul3A_6 = arith.mulf %add3A, %mul3A_5 : vector<632x128xf32>
    %max3A = arith.maximumf %add3A, %mul3A_6 : vector<632x128xf32>
    %swap3A = arith.constant 0 : index
    %swap3A_7 = arith.constant 0 : index
    %swap3A_8 = vector.load %arg3[%swap3A, %swap3A_7] : memref<632x128xf32, #tpu.memory_space<vmem>>, vector<632x128xf32>
    tpu.vector_store %arg3[%swap3A, %swap3A_7], %max3A {strides = array<i32>} : memref<632x128xf32, #tpu.memory_space<vmem>>, vector<632x128xf32>,
    %reduce_max3A = vector.shape_cast %max3A : vector<632x128xf32> to vector<1x632x128xf32>
    %reduce_max3A_9 = arith.constant dense<0xFF800000> : vector<1xf32>
    %reduce_max3A_10 = vector.multi_reduction <maximumf>, %reduce_max3A, %reduce_max3A_9 [1, 2] : vector<1x632x128xf32> to vector<1xf32>
    %reduce_max3A_11 = vector.shape_cast %reduce_max3A_10 : vector<1xf32> to vector<1x1x1xf32>
    %reduce_max3A_12 = vector.extract %reduce_max3A_11[0, 0, 0] : f32 from vector<1x1x1xf32>
    %eq3A = arith.constant 0 : i32
    %eq3A_13 = arith.cmpi eq, %arg0, %eq3A : i32
    %convert_element_type3A = arith.extui %eq3A_13 : i1 to i32
    %cond3A = arith.constant 0 : i32
    %cond3A_14 = arith.cmpi ne, %convert_element_type3A, %cond3A : i32
    scf.if %cond3A_14 {
      %broadcast_in_dim3A = vector.broadcast %reduce_max3A_12 : f32 to vector<8x128xf32>
      %swap3A_19 = arith.constant 0 : index
      %swap3A_20 = arith.constant 0 : index
      %swap3A_21 = vector.load %arg4[%swap3A_19, %swap3A_20] : memref<8x128xf32, #tpu.memory_space<vmem>>, vector<8x128xf32>
      tpu.vector_store %arg4[%swap3A_19, %swap3A_20], %broadcast_in_dim3A {strides = array<i32>} : memref<8x128xf32, #tpu.memory_space<vmem>>, vector<8x128xf32>,
    } else {
    }
    %gt3A = arith.constant 0 : i32
    %gt3A_15 = arith.cmpi sgt, %arg0, %gt3A : i32
    %convert_element_type3A_16 = arith.extui %gt3A_15 : i1 to i32
    %cond3A_17 = arith.constant 0 : i32
    %cond3A_18 = arith.cmpi ne, %convert_element_type3A_16, %cond3A_17 : i32
    scf.if %cond3A_18 {
      %get3A_19 = arith.constant 0 : index
      %get3A_20 = arith.constant 0 : index
      %get3A_21 = vector.load %arg4[%get3A_19, %get3A_20] : memref<8x128xf32, #tpu.memory_space<vmem>>, vector<8x128xf32>
      %max3A_22 = vector.broadcast %reduce_max3A_12 : f32 to vector<8x128xf32>
      %max3A_23 = arith.maximumf %get3A_21, %max3A_22 : vector<8x128xf32>
      %swap3A_24 = arith.constant 0 : index
      %swap3A_25 = arith.constant 0 : index
      %swap3A_26 = vector.load %arg4[%swap3A_24, %swap3A_25] : memref<8x128xf32, #tpu.memory_space<vmem>>, vector<8x128xf32>
      tpu.vector_store %arg4[%swap3A_24, %swap3A_25], %max3A_23 {strides = array<i32>} : memref<8x128xf32, #tpu.memory_space<vmem>>, vector<8x128xf32>,
    } else {
    }
    return
  }
  func.func @transform_0(%arg0: i32) -> (i32, i32) {
    %c0_i32 = arith.constant 0 : i32
    %c0_i32_0 = arith.constant 0 : i32
    return %arg0, %c0_i32 : i32, i32
  }
  func.func @transform_1(%arg0: i32) -> (i32, i32) {
    %c0_i32 = arith.constant 0 : i32
    %c0_i32_0 = arith.constant 0 : i32
    return %arg0, %c0_i32 : i32, i32
  }
  func.func @transform_2(%arg0: i32) -> (i32, i32) {
    %c0_i32 = arith.constant 0 : i32
    %c0_i32_0 = arith.constant 0 : i32
    return %arg0, %c0_i32 : i32, i32
  }
  func.func @transform_3(%arg0: i32) -> (i32, i32) {
    %c0_i32 = arith.constant 0 : i32
    %c0_i32_0 = arith.constant 0 : i32
    %c0_i32_1 = arith.constant 0 : i32
    return %c0_i32, %c0_i32_0 : i32, i32
  }
}

module attributes {stable_mosaic.version = 14 : i64} {
  func.func @_k4_body(%arg0: i32, %arg1: memref<1280x128xf32, #tpu.memory_space<vmem>>, %arg2: memref<1280x128xf32, #tpu.memory_space<vmem>>, %arg3: memref<1280x1xf32, #tpu.memory_space<vmem>>, %arg4: memref<1280x1xf32, #tpu.memory_space<vmem>>, %arg5: memref<1280x1xf32, #tpu.memory_space<vmem>>, %arg6: memref<1280x1xf32, #tpu.memory_space<vmem>>, %arg7: memref<1280x1xf32, #tpu.memory_space<vmem>>, %arg8: memref<1280x1xf32, #tpu.memory_space<vmem>>, %arg9: memref<1280x1xf32, #tpu.memory_space<vmem>>, %arg10: memref<1280x1xf32, #tpu.memory_space<vmem>>, %arg11: memref<8x128xf32, #tpu.memory_space<vmem>>, %arg12: memref<1280x128xf32, #tpu.memory_space<vmem>>, %arg13: memref<1x128xf32, #tpu.memory_space<vmem>>, %arg14: memref<1280x128xf32, #tpu.memory_space<vmem>>) attributes {dimension_semantics = [#tpu.dimension_semantics<arbitrary>], iteration_bounds = array<i64: 8>, scalar_prefetch = 0 : i64, scratch_operands = 0 : i64, tpu.core_type = #tpu.core_type<tc>, window_params = [{transform_indices = @transform_0, window_bounds = array<i64: 1280, 128>}, {transform_indices = @transform_1, window_bounds = array<i64: 1280, 128>}, {transform_indices = @transform_2, window_bounds = array<i64: 1280, 1>}, {transform_indices = @transform_3, window_bounds = array<i64: 1280, 1>}, {transform_indices = @transform_4, window_bounds = array<i64: 1280, 1>}, {transform_indices = @transform_5, window_bounds = array<i64: 1280, 1>}, {transform_indices = @transform_6, window_bounds = array<i64: 1280, 1>}, {transform_indices = @transform_7, window_bounds = array<i64: 1280, 1>}, {transform_indices = @transform_8, window_bounds = array<i64: 1280, 1>}, {transform_indices = @transform_9, window_bounds = array<i64: 1280, 1>}, {pipeline_mode = #tpu.pipeline_mode<synchronous>, transform_indices = @transform_10, window_bounds = array<i64: 8, 128>}, {transform_indices = @transform_11, window_bounds = array<i64: 1280, 128>}, {pipeline_mode = #tpu.pipeline_mode<synchronous>, transform_indices = @transform_12, window_bounds = array<i64: 1, 128>}, {transform_indices = @transform_13, window_bounds = array<i64: 1280, 128>}]} {
    %get3A = arith.constant 0 : index
    %get3A_0 = arith.constant 0 : index
    %get3A_1 = vector.load %arg11[%get3A, %get3A_0] : memref<8x128xf32, #tpu.memory_space<vmem>>, vector<8x128xf32>
    %reduce_max3A = vector.shape_cast %get3A_1 : vector<8x128xf32> to vector<1x8x128xf32>
    %reduce_max3A_2 = arith.constant dense<0xFF800000> : vector<1xf32>
    %reduce_max3A_3 = vector.multi_reduction <maximumf>, %reduce_max3A, %reduce_max3A_2 [1, 2] : vector<1x8x128xf32> to vector<1xf32>
    %reduce_max3A_4 = vector.shape_cast %reduce_max3A_3 : vector<1xf32> to vector<1x1x1xf32>
    %reduce_max3A_5 = vector.extract %reduce_max3A_4[0, 0, 0] : f32 from vector<1x1x1xf32>
    %get3A_6 = arith.constant 0 : index
    %get3A_7 = arith.constant 0 : index
    %get3A_8 = vector.load %arg7[%get3A_6, %get3A_7] : memref<1280x1xf32, #tpu.memory_space<vmem>>, vector<1280x1xf32>
    %get3A_9 = arith.constant 0 : index
    %get3A_10 = arith.constant 0 : index
    %get3A_11 = vector.load %arg8[%get3A_9, %get3A_10] : memref<1280x1xf32, #tpu.memory_space<vmem>>, vector<1280x1xf32>
    %add3A = arith.addf %get3A_8, %get3A_11 : vector<1280x1xf32>
    %get3A_12 = arith.constant 0 : index
    %get3A_13 = arith.constant 0 : index
    %get3A_14 = vector.load %arg5[%get3A_12, %get3A_13] : memref<1280x1xf32, #tpu.memory_space<vmem>>, vector<1280x1xf32>
    %get3A_15 = arith.constant 0 : index
    %get3A_16 = arith.constant 0 : index
    %get3A_17 = vector.load %arg6[%get3A_15, %get3A_16] : memref<1280x1xf32, #tpu.memory_space<vmem>>, vector<1280x1xf32>
    %add3A_18 = arith.addf %get3A_14, %get3A_17 : vector<1280x1xf32>
    %get3A_19 = arith.constant 0 : index
    %get3A_20 = arith.constant 0 : index
    %get3A_21 = vector.load %arg9[%get3A_19, %get3A_20] : memref<1280x1xf32, #tpu.memory_space<vmem>>, vector<1280x1xf32>
    %get3A_22 = arith.constant 0 : index
    %get3A_23 = arith.constant 0 : index
    %get3A_24 = vector.load %arg10[%get3A_22, %get3A_23] : memref<1280x1xf32, #tpu.memory_space<vmem>>, vector<1280x1xf32>
    %add3A_25 = arith.addf %get3A_21, %get3A_24 : vector<1280x1xf32>
    %max3A = arith.constant 1.000000e+00 : f32
    %max3A_26 = vector.broadcast %max3A : f32 to vector<1280x1xf32>
    %max3A_27 = arith.maximumf %add3A, %max3A_26 : vector<1280x1xf32>
    %div3A = arith.divf %add3A_18, %max3A_27 : vector<1280x1xf32>
    %add3A_28 = arith.addf %add3A_25, %div3A : vector<1280x1xf32>
    %mul3A = arith.constant 2.000000e-01 : f32
    %mul3A_29 = vector.broadcast %mul3A : f32 to vector<1280x1xf32>
    %mul3A_30 = arith.mulf %add3A_28, %mul3A_29 : vector<1280x1xf32>
    %max3A_31 = arith.maximumf %add3A_28, %mul3A_30 : vector<1280x1xf32>
    %sub3A = vector.broadcast %reduce_max3A_5 : f32 to vector<1280x1xf32>
    %sub3A_32 = arith.subf %max3A_31, %sub3A : vector<1280x1xf32>
    %exp3A = math.exp %sub3A_32 : vector<1280x1xf32>
    %get3A_33 = arith.constant 0 : index
    %get3A_34 = arith.constant 0 : index
    %get3A_35 = vector.load %arg3[%get3A_33, %get3A_34] : memref<1280x1xf32, #tpu.memory_space<vmem>>, vector<1280x1xf32>
    %get3A_36 = arith.constant 0 : index
    %get3A_37 = arith.constant 0 : index
    %get3A_38 = vector.load %arg4[%get3A_36, %get3A_37] : memref<1280x1xf32, #tpu.memory_space<vmem>>, vector<1280x1xf32>
    %add3A_39 = arith.addf %get3A_35, %get3A_38 : vector<1280x1xf32>
    %add3A_40 = arith.addf %add3A_39, %exp3A : vector<1280x1xf32>
    %add3A_41 = arith.constant 1.000000e-16 : f32
    %add3A_42 = vector.broadcast %add3A_41 : f32 to vector<1280x1xf32>
    %add3A_43 = arith.addf %add3A_40, %add3A_42 : vector<1280x1xf32>
    %get3A_44 = arith.constant 0 : index
    %get3A_45 = arith.constant 0 : index
    %get3A_46 = vector.load %arg1[%get3A_44, %get3A_45] : memref<1280x128xf32, #tpu.memory_space<vmem>>, vector<1280x128xf32>
    %get3A_47 = arith.constant 0 : index
    %get3A_48 = arith.constant 0 : index
    %get3A_49 = vector.load %arg2[%get3A_47, %get3A_48] : memref<1280x128xf32, #tpu.memory_space<vmem>>, vector<1280x128xf32>
    %add3A_50 = arith.addf %get3A_46, %get3A_49 : vector<1280x128xf32>
    %get3A_51 = arith.constant 0 : index
    %get3A_52 = arith.constant 0 : index
    %get3A_53 = vector.load %arg12[%get3A_51, %get3A_52] : memref<1280x128xf32, #tpu.memory_space<vmem>>, vector<1280x128xf32>
    %mul3A_54 = vector.broadcast %exp3A : vector<1280x1xf32> to vector<1280x128xf32>
    %mul3A_55 = arith.mulf %mul3A_54, %get3A_53 : vector<1280x128xf32>
    %add3A_56 = arith.addf %add3A_50, %mul3A_55 : vector<1280x128xf32>
    %div3A_57 = vector.broadcast %add3A_43 : vector<1280x1xf32> to vector<1280x128xf32>
    %div3A_58 = arith.divf %add3A_56, %div3A_57 : vector<1280x128xf32>
    %get3A_59 = arith.constant 0 : index
    %get3A_60 = arith.constant 0 : index
    %get3A_61 = vector.load %arg13[%get3A_59, %get3A_60] : memref<1x128xf32, #tpu.memory_space<vmem>>, vector<1x128xf32>
    %add3A_62 = vector.broadcast %get3A_61 : vector<1x128xf32> to vector<1280x128xf32>
    %add3A_63 = arith.addf %div3A_58, %add3A_62 : vector<1280x128xf32>
    %max3A_64 = arith.constant 0.000000e+00 : f32
    %max3A_65 = vector.broadcast %max3A_64 : f32 to vector<1280x128xf32>
    %max3A_66 = arith.maximumf %add3A_63, %max3A_65 : vector<1280x128xf32>
    %swap3A = arith.constant 0 : index
    %swap3A_67 = arith.constant 0 : index
    %swap3A_68 = vector.load %arg14[%swap3A, %swap3A_67] : memref<1280x128xf32, #tpu.memory_space<vmem>>, vector<1280x128xf32>
    tpu.vector_store %arg14[%swap3A, %swap3A_67], %max3A_66 {strides = array<i32>} : memref<1280x128xf32, #tpu.memory_space<vmem>>, vector<1280x128xf32>,
    return
  }
  func.func @transform_0(%arg0: i32) -> (i32, i32) {
    %c0_i32 = arith.constant 0 : i32
    %c0_i32_0 = arith.constant 0 : i32
    return %arg0, %c0_i32 : i32, i32
  }
  func.func @transform_1(%arg0: i32) -> (i32, i32) {
    %add3A = arith.constant 8 : i32
    %add3A_0 = arith.addi %arg0, %add3A : i32
    %c0_i32 = arith.constant 0 : i32
    %c0_i32_1 = arith.constant 0 : i32
    return %add3A_0, %c0_i32 : i32, i32
  }
  func.func @transform_2(%arg0: i32) -> (i32, i32) {
    %c0_i32 = arith.constant 0 : i32
    %c0_i32_0 = arith.constant 0 : i32
    return %arg0, %c0_i32 : i32, i32
  }
  func.func @transform_3(%arg0: i32) -> (i32, i32) {
    %add3A = arith.constant 8 : i32
    %add3A_0 = arith.addi %arg0, %add3A : i32
    %c0_i32 = arith.constant 0 : i32
    %c0_i32_1 = arith.constant 0 : i32
    return %add3A_0, %c0_i32 : i32, i32
  }
  func.func @transform_4(%arg0: i32) -> (i32, i32) {
    %c0_i32 = arith.constant 0 : i32
    %c0_i32_0 = arith.constant 0 : i32
    return %arg0, %c0_i32 : i32, i32
  }
  func.func @transform_5(%arg0: i32) -> (i32, i32) {
    %add3A = arith.constant 8 : i32
    %add3A_0 = arith.addi %arg0, %add3A : i32
    %c0_i32 = arith.constant 0 : i32
    %c0_i32_1 = arith.constant 0 : i32
    return %add3A_0, %c0_i32 : i32, i32
  }
  func.func @transform_6(%arg0: i32) -> (i32, i32) {
    %c0_i32 = arith.constant 0 : i32
    %c0_i32_0 = arith.constant 0 : i32
    return %arg0, %c0_i32 : i32, i32
  }
  func.func @transform_7(%arg0: i32) -> (i32, i32) {
    %add3A = arith.constant 8 : i32
    %add3A_0 = arith.addi %arg0, %add3A : i32
    %c0_i32 = arith.constant 0 : i32
    %c0_i32_1 = arith.constant 0 : i32
    return %add3A_0, %c0_i32 : i32, i32
  }
  func.func @transform_8(%arg0: i32) -> (i32, i32) {
    %c0_i32 = arith.constant 0 : i32
    %c0_i32_0 = arith.constant 0 : i32
    return %arg0, %c0_i32 : i32, i32
  }
  func.func @transform_9(%arg0: i32) -> (i32, i32) {
    %c0_i32 = arith.constant 0 : i32
    %c0_i32_0 = arith.constant 0 : i32
    return %arg0, %c0_i32 : i32, i32
  }
  func.func @transform_10(%arg0: i32) -> (i32, i32) {
    %c0_i32 = arith.constant 0 : i32
    %c0_i32_0 = arith.constant 0 : i32
    %c0_i32_1 = arith.constant 0 : i32
    return %c0_i32, %c0_i32_0 : i32, i32
  }
  func.func @transform_11(%arg0: i32) -> (i32, i32) {
    %c0_i32 = arith.constant 0 : i32
    %c0_i32_0 = arith.constant 0 : i32
    return %arg0, %c0_i32 : i32, i32
  }
  func.func @transform_12(%arg0: i32) -> (i32, i32) {
    %c0_i32 = arith.constant 0 : i32
    %c0_i32_0 = arith.constant 0 : i32
    %c0_i32_1 = arith.constant 0 : i32
    return %c0_i32, %c0_i32_0 : i32, i32
  }
  func.func @transform_13(%arg0: i32) -> (i32, i32) {
    %c0_i32 = arith.constant 0 : i32
    %c0_i32_0 = arith.constant 0 : i32
    return %arg0, %c0_i32 : i32, i32
  }
}

</mosaic_0001>

<sc_bundles>
// kernel: kernel.11.cloned.1.call-start
scs
__scs_entry_jumppad:
0x0: {  	(pc) =	sbr.rel $0x88, $3  }
0x1: {  	(tag) =	ssettag $0x0;
	lr =	simm.s32 $0x1  }
0x2: {  	[smem:$0x3F98] =	sst lr;
	_ =	strace $0xD0000000  }
0x3: {  	_ = 	snop  }
0x4: {  	_ = 	snop  }
0x5: {  	_ = 	snop  }
0x6: {  	_ = 	snop  }
0x7: {  	_ = 	snop  }
__scs_overlays_trampoline_lowered:
0x8: {  	[smem:$0x3FA7] =	sst s0  }
0x9: {  	[smem:$0x3FA8] =	sst s1  }
0xa: {  	[smem:$0x3FA9] =	sst s2  }
0xb: {  	[smem:$0x3FAA] =	sst s3  }
0xc: {  	[smem:$0x3FAB] =	sst s4  }
0xd: {  	[smem:$0x3FAC] =	sst s5  }
0xe: {  	[smem:$0x3FAD] =	sst s6  }
0xf: {  	[smem:$0x3FAE] =	sst s7  }
0x10: {  	[smem:$0x3FAF] =	sst s8  }
0x11: {  	[smem:$0x3FB0] =	sst s9;
	s0 =	simm.s32 @!p0 $0x0  }
0x12: {  	s1 =	sld [smem:$0x3F96];
	s0 =	simm.s32 @p0 $0x1  }
0x13: {  	[smem:$0x3FB1] =	sst s0;
	s0 =	simm.s32 @!p1 $0x0  }
0x14: {  	s2 =	sld [smem:$0x3F95];
	s0 =	simm.s32 @p1 $0x1  }
0x15: {  	[smem:$0x3FB2] =	sst s0;
	s0 =	simm.s32 @!p2 $0x0  }
0x16: {  	s3 =	sld [smem:$0x3FDB];
	s0 =	simm.s32 @p2 $0x1  }
0x17: {  	s4 =	simm.s32 $0x1BF5;
	[smem:$0x3FB4] =	sst s0  }
0x18: {  	s0 =	sld [smem:$0x3F97];
	_ =	swait.ge [sflag:s4], $0x0  }
0x19: {  	s7 =	sld [smem:$0x3F98]  }
0x1a: {  	s8 =	sadd.s32 $0xFFFFE003, lr  }
0x1b: {  	s9 =	sadd.s32 $0xFFFFFEF7, lr;
	s5 =	simm.s32 $0xFFFFFFFF;
	p2 =	slt.u32 s8, $0xFFFFF086  }
0x1c: {  	p1 =	slt.u32 s9, $0xF7A;
	s5 =	simm.s32 @!p2 $0x0  }
0x1d: {  	s5 =	simm.s32 @p1 $0x1;
	p0 =	seq.s32 s7, s2  }
0x1e: {  	s7 =	smul.u32 @!p0 $0xF7A, s2;
	p2 =	seq.s32 @!p0 s5, $0x0  }
0x1f: {  	s9 =	smul.u32 $0xF7A, s1;
	s8 =	simm.s32 @!p0 $0x1BF5;
	p2 =	por !p2, p0  }
0x20: {  	[sflag:s8] =	ssyncset.s32 @!p0 $0xFFFFF086;
	s6 =	sadd.s32 @!p0 s3, s7;
	s7 =	simm.s32 @!p0 $0x108  }
0x21: {  	s3 =	sadd.s32 s3, s9;
	s6 =	sadd.s32 @!p0 $0x88, s6;
	s7 =	simm.s32 @p2 $0x1082  }
0x22: {  	[simem:s7], [sflag:s8] =	dma.local @!p0 [hbm:s6], $0xF7A  }
0x23: {  	s9 =	sor.u32 $0xD0000000, s2;
	s6 =	simm.s32 $0x108;
	_ =	swait.ge @!p0 [sflag:s8], $0x0  }
0x24: {  	s3 =	sadd.s32 $0x88, s3;
	s6 =	simm.s32 @!p1 $0x1082;
	[sflag:s4] =	ssyncset.s32 $0xFFFFF086  }
0x25: {  	[simem:s6], [sflag:s4] =	dma.local [hbm:s3], $0xF7A  }
0x26: {  	[smem:$0x3F98] =	sst s1;
	(tag) =	ssettag s2;
	_ =	strace s9  }
0x27: {  	s1 =	sld [smem:$0x3FA8]  }
0x28: {  	s2 =	sld [smem:$0x3FA9]  }
0x29: {  	s4 =	sld [smem:$0x3FAB]  }
0x2a: {  	p0 =	seq.s32 s5, $0x0;
	s5 =	sld [smem:$0x3FAC]  }
0x2b: {  	s6 =	sld [smem:$0x3FAD]  }
0x2c: {  	s7 =	sld [smem:$0x3FAE]  }
0x2d: {  	s3 =	simm.s32 $0x108;
	s8 =	sld [smem:$0x3FAF]  }
0x2e: {  	s3 =	simm.s32 @!p0 $0x1082;
	s9 =	sld [smem:$0x3FB0]  }
0x2f: {  	lr =	sadd.s32 s0, s3;
	s0 =	sld [smem:$0x3FA7]  }
0x30: {  	s3 =	sld [smem:$0x3FAA]  }
0x31: {  	[smem:$0x3FB3] =	sst s10  }
0x32: {  	s10 =	sld [smem:$0x3FB1];
	_ =	sdelay $0x3  }
0x33: {  	p0 =	seq.s32 s10, $0x1;
	s10 =	sld [smem:$0x3FB3];
	_ =	sdelay $0x3  }
0x34: {  	[smem:$0x3FB3] =	sst s10  }
0x35: {  	s10 =	sld [smem:$0x3FB2];
	_ =	sdelay $0x3  }
0x36: {  	p1 =	seq.s32 s10, $0x1;
	s10 =	sld [smem:$0x3FB3];
	_ =	sdelay $0x3  }
0x37: {  	[smem:$0x3FB3] =	sst s10  }
0x38: {  	s10 =	sld [smem:$0x3FB4]  }
0x39: {  	_ = 	snop;
	(pc) =	sbr.ind lr, $3  }
0x3a: {  	_ = 	snop  }
0x3b: {  	_ = 	snop  }
0x3c: {  	p2 =	seq.s32 s10, $0x1;
	s10 =	sld [smem:$0x3FB3]  }
0x3d: {  	_ =	shalt  }
0x3e: {  	_ =	shalt  }
0x3f: {  	_ =	shalt  }
0x40: {  	_ =	shalt  }
0x41: {  	_ =	shalt  }
0x42: {  	_ =	shalt  }
0x43: {  	_ =	shalt  }
0x44: {  	_ =	shalt  }
0x45: {  	_ =	shalt  }
0x46: {  	_ =	shalt  }
0x47: {  	_ =	shalt  }
0x48: {  	_ =	shalt  }
0x49: {  	_ =	shalt  }
0x4a: {  	_ =	shalt  }
0x4b: {  	_ =	shalt  }
0x4c: {  	_ =	shalt  }
0x4d: {  	_ =	shalt  }
0x4e: {  	_ =	shalt  }
0x4f: {  	_ =	shalt  }
0x50: {  	_ =	shalt  }
0x51: {  	_ =	shalt  }
0x52: {  	_ =	shalt  }
0x53: {  	_ =	shalt  }
0x54: {  	_ =	shalt  }
0x55: {  	_ =	shalt  }
0x56: {  	_ =	shalt  }
0x57: {  	_ =	shalt  }
0x58: {  	_ =	shalt  }
0x59: {  	_ =	shalt  }
0x5a: {  	_ =	shalt  }
0x5b: {  	_ =	shalt  }
0x5c: {  	_ =	shalt  }
0x5d: {  	_ =	shalt  }
0x5e: {  	_ =	shalt  }
0x5f: {  	_ =	shalt  }
0x60: {  	_ =	shalt  }
0x61: {  	_ =	shalt  }
0x62: {  	_ =	shalt  }
0x63: {  	_ =	shalt  }
0x64: {  	_ =	shalt  }
0x65: {  	_ =	shalt  }
0x66: {  	_ =	shalt  }
0x67: {  	_ =	shalt  }
0x68: {  	_ =	shalt  }
0x69: {  	_ =	shalt  }
0x6a: {  	_ =	shalt  }
0x6b: {  	_ =	shalt  }
0x6c: {  	_ =	shalt  }
0x6d: {  	_ =	shalt  }
0x6e: {  	_ =	shalt  }
0x6f: {  	_ =	shalt  }
0x70: {  	_ =	shalt  }
0x71: {  	_ =	shalt  }
0x72: {  	_ =	shalt  }
0x73: {  	_ =	shalt  }
0x74: {  	_ =	shalt  }
0x75: {  	_ =	shalt  }
0x76: {  	_ =	shalt  }
0x77: {  	_ =	shalt  }
0x78: {  	_ =	shalt  }
0x79: {  	_ =	shalt  }
0x7a: {  	_ =	shalt  }
0x7b: {  	_ =	shalt  }
0x7c: {  	_ =	shalt  }
0x7d: {  	_ =	shalt  }
0x7e: {  	_ =	shalt  }
0x7f: {  	_ =	shalt  }
0x80: {  	_ =	shalt  }
0x81: {  	_ =	shalt  }
0x82: {  	_ =	shalt  }
0x83: {  	_ =	shalt  }
0x84: {  	_ =	shalt  }
0x85: {  	_ =	shalt  }
0x86: {  	_ =	shalt  }
0x87: {  	_ =	shalt  }
.Lfunc_end0:
.L_simem_size_0:
called_computation.1_lowered:
.L_overlay_start_0:
0x88: {  	s2 =	sld [smem:$0x3FD9]  }
0x89: {  	s3 =	sld [smem:$0x3FFE];
	_ =	sdelay $0x1  }
0x8a: {  	s1 =	srdreg.scid  }
0x8b: {  	s0 =	sand.u32 $0x1, s1  }
0x8c: {  	s17 =	sshll.u32 s0, $0xA;
	s2 =	sadd.s32 s3, s2  }
0x8d: {  	s2 =	sadd.s32 s2, s17  }
0x8e: {  	[smem:$0x3FBF] =	sst s2  }
0x8f: {  	_ = 	snop  }
0x90: {  	s2 =	sld [smem:$0x3FD0];
	(tm) =	ssettm $0x1  }
0x91: {  	s18 =	sld [smem:$0x3FFB];
	_ =	sdelay $0x3  }
0x92: {  	_ =	strace s18  }
0x93: {  	s3 =	sld [smem:$0x3FFC];
	_ =	sdelay $0x3  }
0x94: {  	_ =	strace s3  }
0x95: {  	s3 =	sld [smem:$0x3FFD];
	_ =	sdelay $0x3  }
0x96: {  	_ =	strace s3  }
0x97: {  	_ =	strace $0x8FFFFFFF  }
0x98: {  	s19 =	sld [smem:$0x3FDB];
	_ =	sdelay $0x1  }
0x99: {  	s4 =	simm.s32 $_scs_section_size  }
0x9a: {  	s5 =	simm.s32 $_size__tile_overlayer_lowered;
	s6 =	simm.s32 $_tile_overlayer_lowered  }
0x9b: {  	s22 =	simm.s32 $0x1BFF;
	s21 =	sshll.u32 s6, $0x1;
	s3 =	sadd.s32 s4, s19  }
0x9c: {  	s7 =	simm.s32 $0x0;
	s20 =	sshll.u32 s5, $0x1;
	s5 =	sadd.s32 s21, s3  }
0x9d: {  	[timem:s7], [sflag:s22] =	dma.local [hbm:s5], s20  }
0x9e: {  	_ =	swait.ge [sflag:s22], s20  }
0x9f: {  	s4 =	ssub.s32 $0x0, s20;
	[sflag:s22] =	ssyncset.done $0x0  }
0xa0: {  	[sflag:s22] =	ssyncadd.s32 s4;
	_ =	sdelay $0x1  }
0xa1: {  	s23 =	simm.s32 $0x1B8B  }
0xa2: {  	_ =	swait.ge [sflag:s23], $0x1  }
0xa3: {  	[sflag:s23] =	ssyncset.done $0x0  }
0xa4: {  	s25 =	simm.s32 $0x1B8E;
	s24 =	sld [smem:$0x3FFE];
	[sflag:s23] =	ssyncadd.s32 $0xFFFFFFFF  }
0xa5: {  	s26 =	simm.s32 $execute0_lowered;
	[smem:$0x3FD2] =	sst s25  }
0xa6: {  	s5 =	sshll.u32 s26, $0x1;
	_ =	strace $0x80000049;
	[dreg:$0x1] =	wrdreg $0xFFFFFFFF  }
0xa7: {  	s28 =	simm.s32 $_size_execute0_lowered;
	s3 =	sadd.s32 s3, s5;
	[dreg:$0x0] =	wrdreg $0x0  }
0xa8: {  	s5 =	sshll.u32 s28, $0x1;
	[dreg:$0x2] =	wrdreg s3  }
0xa9: {  	[dreg:$0x3] =	wrdreg s5  }
0xaa: {  	[dreg:$0x4] =	wrdreg $0xC0  }
0xab: {  	_ =	task [dreg:s7], $0x5FFFF  }
0xac: {  	[dreg:$0x1] =	wrdreg $0xFFFFFFFF  }
0xad: {  	[dreg:$0x0] =	wrdreg $0x60  }
0xae: {  	[dreg:$0x2] =	wrdreg s2  }
0xaf: {  	[dreg:$0x3] =	wrdreg s24  }
0xb0: {  	[dreg:$0x4] =	wrdreg $0xB1800  }
0xb1: {  	[dreg:$0x5] =	wrdreg $0xAC800  }
0xb2: {  	[dreg:$0x6] =	wrdreg $0xAF000  }
0xb3: {  	[dreg:$0x7] =	wrdreg $0x9  }
0xb4: {  	_ =	task.clear_ibuf [dreg:s7], $0x8FFFF;
	_ =	strace $0x90000049  }
0xb5: {  	s29 =	simm.s32 $0x9;
	_ =	strace $0x8000004B  }
0xb6: {  	_ =	swait.ge [sflag:s29], $0x1  }
0xb7: {  	[sflag:s29] =	ssyncadd.s32 $0xFFFFFFFF  }
0xb8: {  	_ =	strace $0x9000004B  }
0xb9: {  	_ =	sfence  }
0xba: {  	s30 =	sld [smem:$0x0];
	_ =	sdelay $0x2  }
0xbb: {  	s31 =	sshll.u32 s1, $0xD;
	s1 =	sshrl.u32 s1, $0x2  }
0xbc: {  	s3 =	sand.u32 $0x4000, s31;
	s1 =	sadd.s32 s1, s30  }
0xbd: {  	s0 =	sor.u32 s3, s0;
	s1 =	sshll.u32 s1, $0x11  }
0xbe: {  	s0 =	sor.u32 s1, s0  }
0xbf: {  	s0 =	sadd.s32 $0x8F2B, s0  }
0xc0: {  	[sflag:s0] =	ssyncadd.remote.s32 $0x1  }
0xc1: {  	_ =	sfence.sel $0xFFFF  }
0xc2: {  	[dreg:$0x0] =	wrdreg $0xFFFFFFFF;
	(pc) =	sbr.abs _section_cstart, $3  }
0xc3: {  	[dreg:$0x1] =	wrdreg $0xFFFFFFFF  }
0xc4: {  	_ =	task.clear_ibuf [dreg:s7], $0x2FFFF;
	_ =	strace $0x9FFFFFFF  }
0xc5: {  	(tm) =	ssettm $0x7FFFFFFF  }
tec
execute0_lowered:
.L_overlay_start_1:
0x0: {  	(tag) =	ssettag $0x1  }
0x1: {  	s0 =	rddreg [dreg:$0x0]  }
0x2: {  	s3 =	rddreg [dreg:$0x1]  }
0x3: {  	s1 =	rddreg [dreg:$0x2]  }
0x4: {  	s2 =	rddreg [dreg:$0x3]  }
0x5: {  	s4 =	rddreg [dreg:$0x4]  }
0x6: {  	s6 =	simm.s32 $0x0;
	s5 =	srdreg.scid;
	s16 =	stileid.u32  }
0x7: {  	s28 =	simm.s32 $0x80;
	s29 =	simm.s32 $0x2800;
	s30 =	simm.s32 $0x2C00  }
0x8: {  	s31 =	simm.s32 $0x2A80;
	[smem:$0x7FF] =	sst s6;
	s5 =	sand.u32 $0x1, s5  }
0x9: {  	s8 =	smul.u32 $0x280, s16;
	s6 =	sadd.s32 $0x2CE00, s3;
	s7 =	sadd.s32 $0x37800, s3  }
0xa: {  	s9 =	sadd.s32 $0x36C00, s3;
	s11 =	sadd.s32 $0x2CC00, s3;
	s14 =	sshll.u32 s16, $0x1  }
0xb: {  	s12 =	sadd.s32 $0x41600, s3;
	s18 =	smul.u32 $0x50000, s16;
	_ =	strace $0x8000004A  }
0xc: {  	s10 =	smul.u32 $0x2800, s5;
	[dreg:$0x6] =	wrdreg s9;
	s9 =	sadd.s32 $0x4000, s3  }
0xd: {  	[dreg:$0x7] =	wrdreg s11;
	s11 =	sor.u32 s5, s14;
	s5 =	ssub.s32 $0x2, s5  }
0xe: {  	[dreg:$0x8] =	wrdreg s12;
	s13 =	smul.u32 $0x2780, s11;
	s14 =	sshrl.u32 s5, $0x1  }
0xf: {  	s17 =	smul.u32 $0x500, s11;
	s19 =	sadd.s32 s8, s2;
	s21 =	sshrl.u32 s18, $0x2  }
0x10: {  	s16 =	smul.u32 $0x4F, s11;
	s10 =	sadd.s32 s8, s10;
	s5 =	ssub.s32 s5, s14  }
0x11: {  	[dreg:$0xa] =	wrdreg s19;
	s8 =	sadd.s32 s8, s4;
	s14 =	simm.s32 $0x0  }
0x12: {  	s15 =	sshrl.u32 s10, $0x3;
	s10 =	sshll.u32 s10, $0x4;
	s13 =	sand.u32 $0x7FC00, s13  }
0x13: {  	s0 =	sadd.s32 s0, s17;
	[dreg:$0xb] =	wrdreg s8;
	s8 =	sadd.s32 s21, s1  }
0x14: {  	s26 =	smax.u32 s5, $0x1;
	s12 =	sadd.s32 s15, s3;
	[dreg:$0x9] =	wrdreg s0  }
0x15: {  	s15 =	smul.u32 $0x380, s11;
	s3 =	sadd.s32 s10, s3;
	[dreg:$0xc] =	wrdreg s8  }
0x16: {  	[dreg:$0x12] =	wrdreg s26;
	s26 =	simm.s32 $0x2B00;
	s8 =	simm.s32 $0x1  }
0x17: {  	s11 =	simm.s32 $0x2900;
	s23 =	sadd.s32 $0x43E00, s12;
	s24 =	sadd.s32 $0x44800, s12  }
0x18: {  	s25 =	sadd.s32 $0x45200, s3;
	s15 =	sand.u32 $0x380, s15;
	[dreg:$0xf] =	wrdreg s23  }
0x19: {  	s3 =	simm.s32 $0x6C00;
	[dreg:$0x10] =	wrdreg s24;
	s20 =	sor.u32 s15, s13  }
0x1a: {  	s12 =	simm.s32 $0x2;
	[dreg:$0x11] =	wrdreg s25;
	s0 =	sshrl.u32 s20, $0x3  }
0x1b: {  	s23 =	simm.s32 $0x3;
	s25 =	simm.s32 $0x2A00;
	s22 =	sadd.s32 s6, s0  }
0x1c: {  	s24 =	simm.s32 $0x2880;
	s0 =	sadd.s32 s7, s0;
	[dreg:$0xd] =	wrdreg s22  }
0x1d: {  	s13 =	simm.s32 $0x2980;
	[dreg:$0xe] =	wrdreg s0;
	s0 =	simm.s32 $0x2B80  }
.LBB2_1:
0x1e: {  	s10 =	simm.s32 $0x0;
	s5 =	rddreg [dreg:$0x9]  }
0x1f: {  	[tilespmem:s10], [sflag:$0x3] =	stream.linear.gather [hbm4b:s5+s10], $0x2780, $0x38;
	[tilespmem:$0x1F180] =	vst v63  }
0x20: {  	_ =	swait.ge [sflag:s23], $0x2780  }
0x21: {  	[sflag:s23] =	ssyncset.done $0x0  }
0x22: {  	s15 =	simm.s32 $0xAC00;
	s19 =	rddreg [dreg:$0x6];
	[sflag:s23] =	ssyncadd.s32 $0xFFFFD880  }
0x23: {  	[tilespmem:s15], [sflag:$0x3] =	stream.linear.gather [hbm4b:s19+s10], $0x80, $0x38;
	[tilespmem:$0x1F180] =	vst v63  }
0x24: {  	s20 =	stileid.u32;
	_ =	swait.ge [sflag:s23], $0x80  }
0x25: {  	s5 =	sshll.u32 s20, $0x6;
	s21 =	rddreg [dreg:$0xa]  }
0x26: {  	[sflag:s23] =	ssyncset.done $0x0;
	s22 =	rddreg [dreg:$0x7];
	s17 =	sshrl.u32 s21, $0x3  }
0x27: {  	s15 =	sor.u32 $0x1C03, s5;
	[sflag:s23] =	ssyncadd.s32 $0xFFFFFF80;
	[dreg:$0x13] =	wrdreg s17  }
0x28: {  	[spmem:s17], [sflag:s15] =	dma.local [hbm:s22], $0x50  }
0x29: {  	_ =	swait.ge [sflag:s23], $0x50  }
0x2a: {  	[sflag:s23] =	ssyncset.done $0x0;
	s18 =	rddreg [dreg:$0xb]  }
0x2b: {  	[sflag:s23] =	ssyncadd.s32 $0xFFFFFFB0;
	s18 =	sshrl.u32 s18, $0x3  }
0x2c: {  	[spmem:s18], [sflag:s15] =	dma.local [hbm:s22], $0x50  }
0x2d: {  	_ =	swait.ge [sflag:s23], $0x50  }
0x2e: {  	[sflag:s23] =	ssyncset.done $0x0;
	s19 =	rddreg [dreg:$0xc]  }
0x2f: {  	s20 =	rddreg [dreg:$0x8];
	[sflag:s23] =	ssyncadd.s32 $0xFFFFFFB0;
	s19 =	sshrl.u32 s19, $0x3  }
0x30: {  	[spmem:s19], [sflag:s15] =	dma.local [hbm:s20], $0x2800  }
0x31: {  	_ =	swait.ge [sflag:s23], $0x2800  }
0x32: {  	[sflag:s23] =	ssyncset.done $0x0  }
0x33: {  	[sflag:s23] =	ssyncadd.s32 $0xFFFFD800  }
0x34: {  	[bflag:$0x0] =	sbarrier.arrive $0xFFFF  }
0x35: {  	v0 =	vld [tilespmem:$0x0];
	_ =	sdelay $0x1  }
0x36: {  	v1 =	vld [tilespmem:$0x10];
	_ =	sdelay $0x1  }
0x37: {  	v2 =	vld [tilespmem:$0x20]  }
0x38: {  	v3 =	vand.u32 $0xFFFF, v0  }
0x39: {  	v0 =	vshrl.u32 v0, $0x10;
	[tilespmem:$0x2800] =	vst v3;
	v3 =	vld [tilespmem:$0x30]  }
0x3a: {  	[tilespmem:$0x2900] =	vst v0;
	v0 =	vand.u32 $0xFFFF, v1  }
0x3b: {  	[tilespmem:$0x2810] =	vst v0;
	v0 =	vshrl.u32 v1, $0x10;
	v1 =	vld [tilespmem:$0x40]  }
0x3c: {  	[tilespmem:$0x2910] =	vst v0;
	v0 =	vand.u32 $0xFFFF, v2  }
0x3d: {  	[tilespmem:$0x2820] =	vst v0;
	v0 =	vshrl.u32 v2, $0x10;
	v2 =	vld [tilespmem:$0x50]  }
0x3e: {  	[tilespmem:$0x2920] =	vst v0;
	v0 =	vand.u32 $0xFFFF, v3  }
0x3f: {  	[tilespmem:$0x2830] =	vst v0;
	v0 =	vshrl.u32 v3, $0x10;
	v3 =	vld [tilespmem:$0x60]  }
0x40: {  	[tilespmem:$0x2930] =	vst v0;
	v0 =	vand.u32 $0xFFFF, v1  }
0x41: {  	[tilespmem:$0x2840] =	vst v0;
	v0 =	vshrl.u32 v1, $0x10;
	v1 =	vld [tilespmem:$0x70]  }
0x42: {  	[tilespmem:$0x2940] =	vst v0;
	v0 =	vand.u32 $0xFFFF, v2  }
0x43: {  	[tilespmem:$0x2850] =	vst v0;
	v0 =	vshrl.u32 v2, $0x10  }
0x44: {  	[tilespmem:$0x2950] =	vst v0;
	v0 =	vand.u32 $0xFFFF, v3  }
0x45: {  	[tilespmem:$0x2860] =	vst v0;
	v0 =	vshrl.u32 v3, $0x10  }
0x46: {  	[tilespmem:$0x2960] =	vst v0;
	v0 =	vand.u32 $0xFFFF, v1  }
0x47: {  	v1 =	vshrl.u32 v1, $0x10;
	[tilespmem:$0x2870] =	vst v0  }
0x48: {  	s21 =	rddreg [dreg:$0xd];
	[tilespmem:$0x2970] =	vst v1  }
0x49: {  	v0 =	vld [tilespmem:$0xAC00];
	[tilespmem:s25], [sflag:$0x1] =	stream.linear.gather [hbm4b:s21+s10], $0x80, $0x38  }
0x4a: {  	s22 =	rddreg [dreg:$0xe]  }
0x4b: {  	[tilespmem:s26], [sflag:$0x1] =	stream.linear.gather [hbm4b:s22+s10], $0x80, $0x38;
	[tilespmem:$0x1F180] =	vst v63  }
0x4c: {  	s20 =	simm.s32 $0x0  }
0x4d: {  	[tilespmem:s30], [sflag:$0x1] =	stream.indirect.gather [hbm4b:s9+s28], $0x80, s29, s28, $0xb8;
	[tilespmem:$0x1F180] =	vst v63  }
.LBB2_2:
0x4e: {  	s5 =	sshllo.u32 s20, $0x1  }
0x4f: {  	s10 =	sshll.u32 s5, $0x7  }
0x50: {  	s10 =	sand.u32 $0x3FFFFF80, s10  }
0x51: {  	v1 =	vld [tilespmem:s10+$0x0];
	_ =	sdelay $0x4  }
0x52: {  	v2 =	vand.u32 $0xFFFF, v1  }
0x53: {  	v1 =	vshrl.u32 v1, $0x10;
	[tilespmem:$0x2880] =	vst v2  }
0x54: {  	[tilespmem:$0x2980] =	vst v1  }
0x55: {  	v1 =	vld [tilespmem:s10+$0x10];
	_ =	sdelay $0x4  }
0x56: {  	v2 =	vand.u32 $0xFFFF, v1  }
0x57: {  	v1 =	vshrl.u32 v1, $0x10;
	[tilespmem:$0x2890] =	vst v2  }
0x58: {  	[tilespmem:$0x2990] =	vst v1  }
0x59: {  	v1 =	vld [tilespmem:s10+$0x20];
	_ =	sdelay $0x4  }
0x5a: {  	v2 =	vand.u32 $0xFFFF, v1  }
0x5b: {  	v1 =	vshrl.u32 v1, $0x10;
	[tilespmem:$0x28A0] =	vst v2  }
0x5c: {  	[tilespmem:$0x29A0] =	vst v1  }
0x5d: {  	v1 =	vld [tilespmem:s10+$0x30];
	_ =	sdelay $0x4  }
0x5e: {  	v2 =	vand.u32 $0xFFFF, v1  }
0x5f: {  	v1 =	vshrl.u32 v1, $0x10;
	[tilespmem:$0x28B0] =	vst v2  }
0x60: {  	[tilespmem:$0x29B0] =	vst v1  }
0x61: {  	v1 =	vld [tilespmem:s10+$0x40];
	_ =	sdelay $0x4  }
0x62: {  	v2 =	vand.u32 $0xFFFF, v1  }
0x63: {  	v1 =	vshrl.u32 v1, $0x10;
	[tilespmem:$0x28C0] =	vst v2  }
0x64: {  	[tilespmem:$0x29C0] =	vst v1  }
0x65: {  	v1 =	vld [tilespmem:s10+$0x50];
	_ =	sdelay $0x4  }
0x66: {  	v2 =	vand.u32 $0xFFFF, v1  }
0x67: {  	v1 =	vshrl.u32 v1, $0x10;
	[tilespmem:$0x28D0] =	vst v2  }
0x68: {  	[tilespmem:$0x29D0] =	vst v1  }
0x69: {  	v1 =	vld [tilespmem:s10+$0x60];
	_ =	sdelay $0x4  }
0x6a: {  	v2 =	vand.u32 $0xFFFF, v1  }
0x6b: {  	v1 =	vshrl.u32 v1, $0x10;
	[tilespmem:$0x28E0] =	vst v2  }
0x6c: {  	[tilespmem:$0x29E0] =	vst v1  }
0x6d: {  	v1 =	vld [tilespmem:s10+$0x70];
	_ =	sdelay $0x3  }
0x6e: {  	s5 =	sadd.s32 s16, s5  }
0x6f: {  	s5 =	sshll.u32 s5, $0x4;
	v2 =	vand.u32 $0xFFFF, v1  }
0x70: {  	s5 =	sand.u32 $0xFFFFFF0, s5;
	v1 =	vshrl.u32 v1, $0x10;
	[tilespmem:$0x28F0] =	vst v2  }
0x71: {  	s21 =	simm.s32 $0x0;
	s22 =	sadd.s32 s6, s5;
	[tilespmem:$0x29F0] =	vst v1  }
0x72: {  	[tilespmem:s31], [sflag:$0x2] =	stream.linear.gather [hbm4b:s22+s21], $0x80, $0x38;
	[tilespmem:$0x1F180] =	vst v63  }
0x73: {  	s5 =	sadd.s32 s7, s5  }
0x74: {  	[tilespmem:s0], [sflag:$0x2] =	stream.linear.gather [hbm4b:s5+s21], $0x80, $0x38;
	[tilespmem:$0x1F180] =	vst v63  }
0x75: {  	_ = 	snop  }
0x76: {  	[tilespmem:s3], [sflag:$0x2] =	stream.indirect.gather [hbm4b:s9+s28], $0x80, s24, s28, $0xb8;
	[tilespmem:$0x1F180] =	vst v63  }
0x77: {  	_ =	swait.ge [sflag:s8], $0x80  }
0x78: {  	[sflag:s8] =	ssyncset.done $0x0  }
0x79: {  	[sflag:s8] =	ssyncadd.s32 $0xFFFFFF80  }
0x7a: {  	_ =	swait.ge [sflag:s8], $0x80  }
0x7b: {  	[sflag:s8] =	ssyncset.done $0x0  }
0x7c: {  	[sflag:s8] =	ssyncadd.s32 $0xFFFFFF80  }
0x7d: {  	_ =	swait.ge [sflag:s8], $0x4000  }
0x7e: {  	[sflag:s8] =	ssyncset.done $0x0  }
0x7f: {  	[sflag:s8] =	ssyncadd.s32 $0xFFFFC000  }
0x80: {  	v1 =	vld [tilespmem:$0x2A00]  }
0x81: {  	v2 =	vld [tilespmem:$0x2A10]  }
0x82: {  	v3 =	vld [tilespmem:$0x2A20]  }
0x83: {  	v4 =	vld [tilespmem:$0x2A30]  }
0x84: {  	v5 =	vld [tilespmem:$0x2A40]  }
0x85: {  	v6 =	vld [tilespmem:$0x2A50];
	v1 =	vsub.f32 v1, v0  }
0x86: {  	v7 =	vld [tilespmem:$0x2A60];
	v2 =	vsub.f32 v2, v0  }
0x87: {  	v8 =	vld [tilespmem:$0x2A70];
	v3 =	vsub.f32 v3, v0;
	v1 =	vmul.f32 $1.442695020e+00, v1  }
0x88: {  	v4 =	vsub.f32 v4, v0;
	v2 =	vmul.f32 $1.442695020e+00, v2  }
0x89: {  	(erf) = vpow2.f32 v1;
	v1 =	vmul.f32 $1.442695020e+00, v3;
	v3 =	vsub.f32 v5, v0  }
0x8a: {  	(erf) = vpow2.f32 v2;
	v2 =	vmul.f32 $1.442695020e+00, v4;
	v4 =	vsub.f32 v6, v0  }
0x8b: {  	(erf) = vpow2.f32 v1;
	v1 =	vmul.f32 $1.442695020e+00, v3;
	v3 =	vsub.f32 v7, v0  }
0x8c: {  	(erf) = vpow2.f32 v2;
	v2 =	vmul.f32 $1.442695020e+00, v4;
	v4 =	vsub.f32 v8, v0  }
0x8d: {  	(erf) = vpow2.f32 v1;
	v1 =	vmul.f32 $1.442695020e+00, v3  }
0x8e: {  	(erf) = vpow2.f32 v2;
	v2 =	vmul.f32 $1.442695020e+00, v4  }
0x8f: {  	(erf) = vpow2.f32 v1  }
0x90: {  	(erf) = vpow2.f32 v2;
	_ =	sdelay $0x1  }
0x91: {  	v1 =	vpop (erf)  }
0x92: {  	v2 =	vpop (erf);
	[tilespmem:$0x2A00] =	vst v1  }
0x93: {  	v1 =	vpop (erf);
	[tilespmem:$0x2A10] =	vst v2  }
0x94: {  	v2 =	vpop (erf);
	[tilespmem:$0x2A20] =	vst v1  }
0x95: {  	v1 =	vpop (erf);
	[tilespmem:$0x2A30] =	vst v2  }
0x96: {  	v2 =	vpop (erf);
	[tilespmem:$0x2A40] =	vst v1  }
0x97: {  	v1 =	vpop (erf);
	[tilespmem:$0x2A50] =	vst v2  }
0x98: {  	[tilespmem:$0x2A60] =	vst v1;
	v1 =	vpop (erf)  }
0x99: {  	[tilespmem:$0x2A70] =	vst v1  }
0x9a: {  	[spmem:s2] =	stream.indirect.scatter.add.f32 [tilespmem:s25], [sflag:$0x3], $0x1, s11, s28, $0xb8;
	[tilespmem:$0x1F180] =	vst v63  }
0x9b: {  	_ =	swait.ge [sflag:s23], $0x80  }
0x9c: {  	[sflag:s23] =	ssyncset.done $0x0  }
0x9d: {  	[sflag:s23] =	ssyncadd.s32 $0xFFFFFF80  }
0x9e: {  	[spmem:s4] =	stream.indirect.scatter.add.f32 [tilespmem:s26], [sflag:$0x3], $0x1, s11, s28, $0xb8;
	[tilespmem:$0x1F180] =	vst v63  }
0x9f: {  	_ =	swait.ge [sflag:s23], $0x80  }
0xa0: {  	v1 =	vmov s21;
	[sflag:s23] =	ssyncset.done $0x0  }
0xa1: {  	s21 =	simm.s32 $0x2C40;
	[sflag:s23] =	ssyncadd.s32 $0xFFFFFF80  }
0xa2: {  	v5 =	vld [tilespmem:s21+$0x30]  }
0xa3: {  	v8 =	vld [tilespmem:s21+$0x10]  }
0xa4: {  	v6 =	vld [tilespmem:s21+$0xFFFFFFC0]  }
0xa5: {  	v2 =	vld.idx.msk [tilespmem:v1+s25+$0x0], $0xffff  }
0xa6: {  	v10 =	vld [tilespmem:s21+$0xFFFFFFE0]  }
0xa7: {  	v1 =	vld [tilespmem:s21+$0xFFFFFFF0]  }
0xa8: {  	v3 =	vld [tilespmem:s21+$0x20]  }
0xa9: {  	v4 =	vld [tilespmem:s21+$0xFFFFFFD0]  }
0xaa: {  	v9 =	vmul.f32 v5, v2;
	v5 =	vld [tilespmem:s21+$0x0]  }
0xab: {  	v7 =	vmul.f32 v6, v2  }
0xac: {  	s10 =	simm.s32 $0x2C40;
	s22 =	sshll.u32 s20, $0x1;
	s5 =	simm.s32 $0x1;
	v6 =	vmul.f32 v10, v2;
	v8 =	vmul.f32 v8, v2  }
.LBB2_3:
0xad: {  	p0 =	sne.s32 s5, $0x7F  }
0xae: {  	v4 =	vmul.f32 v4, v2;
	v3 =	vmul.f32 v3, v2;
	[tilespmem:s21+$0x30] =	vst v9;
	s10 =	sadd.s32 $0x80, s10;
	s17 =	smov.u32 s5;
	s5 =	sadd.s32 $0x1, s5  }
0xaf: {  	[tilespmem:s21+$0xFFFFFFC0] =	vst v7;
	v7 =	vmul.f32 v1, v2;
	v2 =	vmul.f32 v5, v2  }
0xb0: {  	[tilespmem:s21+$0x10] =	vst v8  }
0xb1: {  	v5 =	vmov s17;
	[tilespmem:s21+$0xFFFFFFE0] =	vst v6  }
0xb2: {  	v1 =	vld [tilespmem:s10+$0xFFFFFFF0];
	[tilespmem:s21+$0xFFFFFFF0] =	vst v7  }
0xb3: {  	v6 =	vld [tilespmem:s10+$0x30];
	[tilespmem:s21+$0x0] =	vst v2  }
0xb4: {  	v8 =	vld [tilespmem:s10+$0x10];
	[tilespmem:s21+$0x20] =	vst v3  }
0xb5: {  	v7 =	vld [tilespmem:s10+$0xFFFFFFC0];
	[tilespmem:s21+$0xFFFFFFD0] =	vst v4;
	s21 =	smov.u32 s10  }
0xb6: {  	v2 =	vld.idx.msk [tilespmem:v5+s25+$0x0], $0xffff  }
0xb7: {  	v10 =	vld [tilespmem:s10+$0xFFFFFFE0]  }
0xb8: {  	v3 =	vld [tilespmem:s10+$0x20]  }
.Ltmp0:
0xb9: {  	v4 =	vld [tilespmem:s10+$0xFFFFFFD0];
	(pc) =	sbr.rel @p0 .LBB2_3-.Ltmp0, $3  }
0xba: {  	v5 =	vld [tilespmem:s10+$0x0];
	_ =	sdelay $0x1  }
0xbb: {  	v7 =	vmul.f32 v7, v2;
	v9 =	vmul.f32 v6, v2  }
0xbc: {  	v8 =	vmul.f32 v8, v2;
	v6 =	vmul.f32 v10, v2  }
0xbd: {  	[tilespmem:s21+$0x30] =	vst v9  }
0xbe: {  	[tilespmem:s21+$0xFFFFFFC0] =	vst v7  }
0xbf: {  	v1 =	vmul.f32 v1, v2;
	[tilespmem:s21+$0x10] =	vst v8  }
0xc0: {  	v3 =	vmul.f32 v3, v2;
	[tilespmem:s21+$0xFFFFFFE0] =	vst v6  }
0xc1: {  	v5 =	vmul.f32 v5, v2;
	[tilespmem:s21+$0xFFFFFFF0] =	vst v1  }
0xc2: {  	v1 =	vmul.f32 v4, v2;
	[tilespmem:s21+$0x20] =	vst v3  }
0xc3: {  	[tilespmem:s21+$0x0] =	vst v5  }
0xc4: {  	[tilespmem:s21+$0xFFFFFFD0] =	vst v1  }
0xc5: {  	[spmem:s1] =	stream.indirect.scatter.add.f32 [tilespmem:s30], [sflag:$0x3], $0x80, s11, s28, $0xb8;
	[tilespmem:$0x1F180] =	vst v63  }
0xc6: {  	s5 =	sadd.s32 $0x2, s22;
	_ =	swait.ge [sflag:s23], $0x4000  }
0xc7: {  	s10 =	sshll.u32 s5, $0x7;
	[sflag:s23] =	ssyncset.done $0x0  }
0xc8: {  	s10 =	sand.u32 $0x3FFFFF80, s10;
	[sflag:s23] =	ssyncadd.s32 $0xFFFFC000  }
0xc9: {  	v1 =	vld [tilespmem:s10+$0x0];
	_ =	sdelay $0x4  }
0xca: {  	v2 =	vand.u32 $0xFFFF, v1  }
0xcb: {  	v1 =	vshrl.u32 v1, $0x10;
	[tilespmem:$0x2800] =	vst v2  }
0xcc: {  	[tilespmem:$0x2900] =	vst v1  }
0xcd: {  	v1 =	vld [tilespmem:s10+$0x10];
	_ =	sdelay $0x4  }
0xce: {  	v2 =	vand.u32 $0xFFFF, v1  }
0xcf: {  	v1 =	vshrl.u32 v1, $0x10;
	[tilespmem:$0x2810] =	vst v2  }
0xd0: {  	[tilespmem:$0x2910] =	vst v1  }
0xd1: {  	v1 =	vld [tilespmem:s10+$0x20];
	_ =	sdelay $0x4  }
0xd2: {  	v2 =	vand.u32 $0xFFFF, v1  }
0xd3: {  	v1 =	vshrl.u32 v1, $0x10;
	[tilespmem:$0x2820] =	vst v2  }
0xd4: {  	[tilespmem:$0x2920] =	vst v1  }
0xd5: {  	v1 =	vld [tilespmem:s10+$0x30];
	_ =	sdelay $0x4  }
0xd6: {  	v2 =	vand.u32 $0xFFFF, v1  }
0xd7: {  	v1 =	vshrl.u32 v1, $0x10;
	[tilespmem:$0x2830] =	vst v2  }
0xd8: {  	[tilespmem:$0x2930] =	vst v1  }
0xd9: {  	v1 =	vld [tilespmem:s10+$0x40];
	_ =	sdelay $0x4  }
0xda: {  	v2 =	vand.u32 $0xFFFF, v1  }
0xdb: {  	v1 =	vshrl.u32 v1, $0x10;
	[tilespmem:$0x2840] =	vst v2  }
0xdc: {  	[tilespmem:$0x2940] =	vst v1  }
0xdd: {  	v1 =	vld [tilespmem:s10+$0x50];
	_ =	sdelay $0x4  }
0xde: {  	v2 =	vand.u32 $0xFFFF, v1  }
0xdf: {  	v1 =	vshrl.u32 v1, $0x10;
	[tilespmem:$0x2850] =	vst v2  }
0xe0: {  	[tilespmem:$0x2950] =	vst v1  }
0xe1: {  	v1 =	vld [tilespmem:s10+$0x60];
	_ =	sdelay $0x4  }
0xe2: {  	v2 =	vand.u32 $0xFFFF, v1  }
0xe3: {  	v1 =	vshrl.u32 v1, $0x10;
	[tilespmem:$0x2860] =	vst v2  }
0xe4: {  	[tilespmem:$0x2960] =	vst v1  }
0xe5: {  	v1 =	vld [tilespmem:s10+$0x70];
	_ =	sdelay $0x3  }
0xe6: {  	s5 =	sadd.s32 s16, s5  }
0xe7: {  	s5 =	sshll.u32 s5, $0x4;
	v2 =	vand.u32 $0xFFFF, v1  }
0xe8: {  	s5 =	sand.u32 $0xFFFFFF0, s5;
	v1 =	vshrl.u32 v1, $0x10;
	[tilespmem:$0x2870] =	vst v2  }
0xe9: {  	s22 =	simm.s32 $0x0;
	s21 =	sadd.s32 s6, s5;
	[tilespmem:$0x2970] =	vst v1  }
0xea: {  	[tilespmem:s25], [sflag:$0x1] =	stream.linear.gather [hbm4b:s21+s22], $0x80, $0x38;
	[tilespmem:$0x1F180] =	vst v63  }
0xeb: {  	s5 =	sadd.s32 s7, s5  }
0xec: {  	[tilespmem:s26], [sflag:$0x1] =	stream.linear.gather [hbm4b:s5+s22], $0x80, $0x38;
	[tilespmem:$0x1F180] =	vst v63  }
0xed: {  	_ = 	snop  }
0xee: {  	[tilespmem:s30], [sflag:$0x1] =	stream.indirect.gather [hbm4b:s9+s28], $0x80, s29, s28, $0xb8;
	[tilespmem:$0x1F180] =	vst v63  }
0xef: {  	_ =	swait.ge [sflag:s12], $0x80  }
0xf0: {  	[sflag:s12] =	ssyncset.done $0x0  }
0xf1: {  	[sflag:s12] =	ssyncadd.s32 $0xFFFFFF80  }
0xf2: {  	_ =	swait.ge [sflag:s12], $0x80  }
0xf3: {  	[sflag:s12] =	ssyncset.done $0x0  }
0xf4: {  	[sflag:s12] =	ssyncadd.s32 $0xFFFFFF80  }
0xf5: {  	_ =	swait.ge [sflag:s12], $0x4000  }
0xf6: {  	[sflag:s12] =	ssyncset.done $0x0  }
0xf7: {  	[sflag:s12] =	ssyncadd.s32 $0xFFFFC000  }
0xf8: {  	v1 =	vld [tilespmem:$0x2A80]  }
0xf9: {  	v2 =	vld [tilespmem:$0x2A90]  }
0xfa: {  	v3 =	vld [tilespmem:$0x2AA0]  }
0xfb: {  	v4 =	vld [tilespmem:$0x2AB0]  }
0xfc: {  	v5 =	vld [tilespmem:$0x2AC0]  }
0xfd: {  	v6 =	vld [tilespmem:$0x2AD0];
	v1 =	vsub.f32 v1, v0  }
0xfe: {  	v7 =	vld [tilespmem:$0x2AE0];
	v2 =	vsub.f32 v2, v0  }
0xff: {  	v8 =	vld [tilespmem:$0x2AF0];
	v3 =	vsub.f32 v3, v0;
	v1 =	vmul.f32 $1.442695020e+00, v1  }
0x100: {  	v4 =	vsub.f32 v4, v0;
	v2 =	vmul.f32 $1.442695020e+00, v2  }
0x101: {  	(erf) = vpow2.f32 v1;
	v1 =	vmul.f32 $1.442695020e+00, v3;
	v3 =	vsub.f32 v5, v0  }
0x102: {  	(erf) = vpow2.f32 v2;
	v2 =	vmul.f32 $1.442695020e+00, v4;
	v4 =	vsub.f32 v6, v0  }
0x103: {  	(erf) = vpow2.f32 v1;
	v1 =	vmul.f32 $1.442695020e+00, v3;
	v3 =	vsub.f32 v7, v0  }
0x104: {  	(erf) = vpow2.f32 v2;
	v2 =	vmul.f32 $1.442695020e+00, v4;
	v4 =	vsub.f32 v8, v0  }
0x105: {  	(erf) = vpow2.f32 v1;
	v1 =	vmul.f32 $1.442695020e+00, v3  }
0x106: {  	(erf) = vpow2.f32 v2;
	v2 =	vmul.f32 $1.442695020e+00, v4  }
0x107: {  	(erf) = vpow2.f32 v1  }
0x108: {  	(erf) = vpow2.f32 v2;
	_ =	sdelay $0x1  }
0x109: {  	v1 =	vpop (erf)  }
0x10a: {  	v2 =	vpop (erf);
	[tilespmem:$0x2A80] =	vst v1  }
0x10b: {  	v1 =	vpop (erf);
	[tilespmem:$0x2A90] =	vst v2  }
0x10c: {  	v2 =	vpop (erf);
	[tilespmem:$0x2AA0] =	vst v1  }
0x10d: {  	v1 =	vpop (erf);
	[tilespmem:$0x2AB0] =	vst v2  }
0x10e: {  	v2 =	vpop (erf);
	[tilespmem:$0x2AC0] =	vst v1  }
0x10f: {  	v1 =	vpop (erf);
	[tilespmem:$0x2AD0] =	vst v2  }
0x110: {  	[tilespmem:$0x2AE0] =	vst v1;
	v1 =	vpop (erf)  }
0x111: {  	[tilespmem:$0x2AF0] =	vst v1  }
0x112: {  	[spmem:s2] =	stream.indirect.scatter.add.f32 [tilespmem:s31], [sflag:$0x3], $0x1, s13, s28, $0xb8;
	[tilespmem:$0x1F180] =	vst v63  }
0x113: {  	_ =	swait.ge [sflag:s23], $0x80  }
0x114: {  	[sflag:s23] =	ssyncset.done $0x0  }
0x115: {  	[sflag:s23] =	ssyncadd.s32 $0xFFFFFF80  }
0x116: {  	[spmem:s4] =	stream.indirect.scatter.add.f32 [tilespmem:s0], [sflag:$0x3], $0x1, s13, s28, $0xb8;
	[tilespmem:$0x1F180] =	vst v63  }
0x117: {  	_ =	swait.ge [sflag:s23], $0x80  }
0x118: {  	v1 =	vmov s22;
	[sflag:s23] =	ssyncset.done $0x0  }
0x119: {  	s21 =	simm.s32 $0x6C40;
	[sflag:s23] =	ssyncadd.s32 $0xFFFFFF80  }
0x11a: {  	v5 =	vld [tilespmem:s21+$0x30]  }
0x11b: {  	v8 =	vld [tilespmem:s21+$0x10]  }
0x11c: {  	v6 =	vld [tilespmem:s21+$0xFFFFFFC0]  }
0x11d: {  	v2 =	vld.idx.msk [tilespmem:v1+s31+$0x0], $0xffff  }
0x11e: {  	v10 =	vld [tilespmem:s21+$0xFFFFFFE0]  }
0x11f: {  	v1 =	vld [tilespmem:s21+$0xFFFFFFF0]  }
0x120: {  	v3 =	vld [tilespmem:s21+$0x20]  }
0x121: {  	v4 =	vld [tilespmem:s21+$0xFFFFFFD0]  }
0x122: {  	v9 =	vmul.f32 v5, v2;
	v5 =	vld [tilespmem:s21+$0x0]  }
0x123: {  	v7 =	vmul.f32 v6, v2  }
0x124: {  	s10 =	simm.s32 $0x6C40;
	s5 =	simm.s32 $0x1;
	v6 =	vmul.f32 v10, v2;
	v8 =	vmul.f32 v8, v2  }
.LBB2_5:
0x125: {  	p0 =	sne.s32 s5, $0x7F  }
0x126: {  	v4 =	vmul.f32 v4, v2;
	v3 =	vmul.f32 v3, v2;
	[tilespmem:s21+$0x30] =	vst v9;
	s10 =	sadd.s32 $0x80, s10;
	s17 =	smov.u32 s5;
	s5 =	sadd.s32 $0x1, s5  }
0x127: {  	[tilespmem:s21+$0xFFFFFFC0] =	vst v7;
	v7 =	vmul.f32 v1, v2;
	v2 =	vmul.f32 v5, v2  }
0x128: {  	[tilespmem:s21+$0x10] =	vst v8  }
0x129: {  	v5 =	vmov s17;
	[tilespmem:s21+$0xFFFFFFE0] =	vst v6  }
0x12a: {  	v1 =	vld [tilespmem:s10+$0xFFFFFFF0];
	[tilespmem:s21+$0xFFFFFFF0] =	vst v7  }
0x12b: {  	v6 =	vld [tilespmem:s10+$0x30];
	[tilespmem:s21+$0x0] =	vst v2  }
0x12c: {  	v8 =	vld [tilespmem:s10+$0x10];
	[tilespmem:s21+$0x20] =	vst v3  }
0x12d: {  	v7 =	vld [tilespmem:s10+$0xFFFFFFC0];
	[tilespmem:s21+$0xFFFFFFD0] =	vst v4;
	s21 =	smov.u32 s10  }
0x12e: {  	v2 =	vld.idx.msk [tilespmem:v5+s31+$0x0], $0xffff  }
0x12f: {  	v10 =	vld [tilespmem:s10+$0xFFFFFFE0]  }
0x130: {  	v3 =	vld [tilespmem:s10+$0x20]  }
.Ltmp1:
0x131: {  	v4 =	vld [tilespmem:s10+$0xFFFFFFD0];
	(pc) =	sbr.rel @p0 .LBB2_5-.Ltmp1, $3  }
0x132: {  	v5 =	vld [tilespmem:s10+$0x0];
	_ =	sdelay $0x1  }
0x133: {  	v7 =	vmul.f32 v7, v2;
	v9 =	vmul.f32 v6, v2  }
0x134: {  	v8 =	vmul.f32 v8, v2;
	v6 =	vmul.f32 v10, v2  }
0x135: {  	[tilespmem:s21+$0x30] =	vst v9  }
0x136: {  	[tilespmem:s21+$0xFFFFFFC0] =	vst v7  }
0x137: {  	v1 =	vmul.f32 v1, v2;
	[tilespmem:s21+$0x10] =	vst v8  }
0x138: {  	v3 =	vmul.f32 v3, v2;
	[tilespmem:s21+$0xFFFFFFE0] =	vst v6  }
0x139: {  	v5 =	vmul.f32 v5, v2;
	[tilespmem:s21+$0xFFFFFFF0] =	vst v1  }
0x13a: {  	s20 =	sadd.s32 $0x1, s20;
	v1 =	vmul.f32 v4, v2;
	[tilespmem:s21+$0x20] =	vst v3  }
0x13b: {  	p0 =	sne.s32 s20, $0x27;
	[tilespmem:s21+$0x0] =	vst v5  }
.Ltmp2:
0x13c: {  	[tilespmem:s21+$0xFFFFFFD0] =	vst v1;
	(pc) =	sbr.rel @p0 .LBB2_2-.Ltmp2, $4  }
0x13d: {  	[spmem:s1] =	stream.indirect.scatter.add.f32 [tilespmem:s3], [sflag:$0x3], $0x80, s13, s28, $0xb8;
	[tilespmem:$0x1F180] =	vst v63  }
0x13e: {  	_ =	swait.ge [sflag:s23], $0x4000  }
0x13f: {  	[sflag:s23] =	ssyncset.done $0x0  }
0x140: {  	[sflag:s23] =	ssyncadd.s32 $0xFFFFC000  }
0x141: {  	_ =	swait.ge [sflag:s8], $0x80  }
0x142: {  	[sflag:s8] =	ssyncset.done $0x0  }
0x143: {  	[sflag:s8] =	ssyncadd.s32 $0xFFFFFF80  }
0x144: {  	_ =	swait.ge [sflag:s8], $0x80  }
0x145: {  	[sflag:s8] =	ssyncset.done $0x0  }
0x146: {  	[sflag:s8] =	ssyncadd.s32 $0xFFFFFF80  }
0x147: {  	_ =	swait.ge [sflag:s8], $0x4000  }
0x148: {  	[sflag:s8] =	ssyncset.done $0x0  }
0x149: {  	[sflag:s8] =	ssyncadd.s32 $0xFFFFC000  }
0x14a: {  	v1 =	vld [tilespmem:$0x2A00]  }
0x14b: {  	v2 =	vld [tilespmem:$0x2A10]  }
0x14c: {  	v3 =	vld [tilespmem:$0x2A20]  }
0x14d: {  	v4 =	vld [tilespmem:$0x2A30]  }
0x14e: {  	v5 =	vld [tilespmem:$0x2A40]  }
0x14f: {  	v6 =	vld [tilespmem:$0x2A50];
	v1 =	vsub.f32 v1, v0  }
0x150: {  	v7 =	vld [tilespmem:$0x2A60];
	v2 =	vsub.f32 v2, v0  }
0x151: {  	v8 =	vld [tilespmem:$0x2A70];
	v3 =	vsub.f32 v3, v0;
	v1 =	vmul.f32 $1.442695020e+00, v1  }
0x152: {  	v4 =	vsub.f32 v4, v0;
	v2 =	vmul.f32 $1.442695020e+00, v2  }
0x153: {  	(erf) = vpow2.f32 v1;
	v1 =	vmul.f32 $1.442695020e+00, v3;
	v3 =	vsub.f32 v5, v0  }
0x154: {  	(erf) = vpow2.f32 v2;
	v2 =	vmul.f32 $1.442695020e+00, v4;
	v4 =	vsub.f32 v6, v0  }
0x155: {  	(erf) = vpow2.f32 v1;
	v1 =	vmul.f32 $1.442695020e+00, v3;
	v3 =	vsub.f32 v7, v0  }
0x156: {  	v0 =	vsub.f32 v8, v0;
	(erf) = vpow2.f32 v2;
	v2 =	vmul.f32 $1.442695020e+00, v4  }
0x157: {  	(erf) = vpow2.f32 v1;
	v1 =	vmul.f32 $1.442695020e+00, v3  }
0x158: {  	v0 =	vmul.f32 $1.442695020e+00, v0;
	(erf) = vpow2.f32 v2  }
0x159: {  	(erf) = vpow2.f32 v1  }
0x15a: {  	(erf) = vpow2.f32 v0;
	_ =	sdelay $0x1  }
0x15b: {  	v0 =	vpop (erf)  }
0x15c: {  	v1 =	vpop (erf);
	[tilespmem:$0x2A00] =	vst v0  }
0x15d: {  	v0 =	vpop (erf);
	[tilespmem:$0x2A10] =	vst v1  }
0x15e: {  	v1 =	vpop (erf);
	[tilespmem:$0x2A20] =	vst v0  }
0x15f: {  	v0 =	vpop (erf);
	[tilespmem:$0x2A30] =	vst v1  }
0x160: {  	v1 =	vpop (erf);
	[tilespmem:$0x2A40] =	vst v0  }
0x161: {  	v0 =	vpop (erf);
	[tilespmem:$0x2A50] =	vst v1  }
0x162: {  	[tilespmem:$0x2A60] =	vst v0;
	v0 =	vpop (erf)  }
0x163: {  	[tilespmem:$0x2A70] =	vst v0  }
0x164: {  	[spmem:s2] =	stream.indirect.scatter.add.f32 [tilespmem:s25], [sflag:$0x3], $0x1, s11, s28, $0xb8;
	[tilespmem:$0x1F180] =	vst v63  }
0x165: {  	_ =	swait.ge [sflag:s23], $0x80  }
0x166: {  	[sflag:s23] =	ssyncset.done $0x0  }
0x167: {  	[sflag:s23] =	ssyncadd.s32 $0xFFFFFF80  }
0x168: {  	[spmem:s4] =	stream.indirect.scatter.add.f32 [tilespmem:s26], [sflag:$0x3], $0x1, s11, s28, $0xb8;
	[tilespmem:$0x1F180] =	vst v63  }
0x169: {  	s5 =	simm.s32 $0x0;
	_ =	swait.ge [sflag:s23], $0x80  }
0x16a: {  	v0 =	vmov s5;
	[sflag:s23] =	ssyncset.done $0x0  }
0x16b: {  	s20 =	simm.s32 $0x2C40;
	[sflag:s23] =	ssyncadd.s32 $0xFFFFFF80  }
0x16c: {  	v4 =	vld [tilespmem:s20+$0x30]  }
0x16d: {  	v7 =	vld [tilespmem:s20+$0x10]  }
0x16e: {  	v5 =	vld [tilespmem:s20+$0xFFFFFFC0]  }
0x16f: {  	v1 =	vld.idx.msk [tilespmem:v0+s25+$0x0], $0xffff  }
0x170: {  	v9 =	vld [tilespmem:s20+$0xFFFFFFE0]  }
0x171: {  	v0 =	vld [tilespmem:s20+$0xFFFFFFF0]  }
0x172: {  	v2 =	vld [tilespmem:s20+$0x20]  }
0x173: {  	v3 =	vld [tilespmem:s20+$0xFFFFFFD0]  }
0x174: {  	v8 =	vmul.f32 v4, v1;
	v4 =	vld [tilespmem:s20+$0x0]  }
0x175: {  	v6 =	vmul.f32 v5, v1  }
0x176: {  	s10 =	simm.s32 $0x2C40;
	s5 =	simm.s32 $0x1;
	v5 =	vmul.f32 v9, v1;
	v7 =	vmul.f32 v7, v1  }
.LBB2_8:
0x177: {  	p0 =	sne.s32 s5, $0x7F  }
0x178: {  	v3 =	vmul.f32 v3, v1;
	v2 =	vmul.f32 v2, v1;
	[tilespmem:s20+$0x30] =	vst v8;
	s10 =	sadd.s32 $0x80, s10;
	s17 =	smov.u32 s5;
	s5 =	sadd.s32 $0x1, s5  }
0x179: {  	[tilespmem:s20+$0xFFFFFFC0] =	vst v6;
	v6 =	vmul.f32 v0, v1;
	v1 =	vmul.f32 v4, v1  }
0x17a: {  	[tilespmem:s20+$0x10] =	vst v7  }
0x17b: {  	v4 =	vmov s17;
	[tilespmem:s20+$0xFFFFFFE0] =	vst v5  }
0x17c: {  	v0 =	vld [tilespmem:s10+$0xFFFFFFF0];
	[tilespmem:s20+$0xFFFFFFF0] =	vst v6  }
0x17d: {  	v5 =	vld [tilespmem:s10+$0x30];
	[tilespmem:s20+$0x0] =	vst v1  }
0x17e: {  	v7 =	vld [tilespmem:s10+$0x10];
	[tilespmem:s20+$0x20] =	vst v2  }
0x17f: {  	v6 =	vld [tilespmem:s10+$0xFFFFFFC0];
	[tilespmem:s20+$0xFFFFFFD0] =	vst v3;
	s20 =	smov.u32 s10  }
0x180: {  	v1 =	vld.idx.msk [tilespmem:v4+s25+$0x0], $0xffff  }
0x181: {  	v9 =	vld [tilespmem:s10+$0xFFFFFFE0]  }
0x182: {  	v2 =	vld [tilespmem:s10+$0x20]  }
.Ltmp3:
0x183: {  	v3 =	vld [tilespmem:s10+$0xFFFFFFD0];
	(pc) =	sbr.rel @p0 .LBB2_8-.Ltmp3, $3  }
0x184: {  	v4 =	vld [tilespmem:s10+$0x0];
	_ =	sdelay $0x1  }
0x185: {  	v6 =	vmul.f32 v6, v1;
	v8 =	vmul.f32 v5, v1  }
0x186: {  	v7 =	vmul.f32 v7, v1;
	v5 =	vmul.f32 v9, v1  }
0x187: {  	[tilespmem:s20+$0x30] =	vst v8  }
0x188: {  	[tilespmem:s20+$0xFFFFFFC0] =	vst v6  }
0x189: {  	v0 =	vmul.f32 v0, v1;
	[tilespmem:s20+$0x10] =	vst v7  }
0x18a: {  	v2 =	vmul.f32 v2, v1;
	[tilespmem:s20+$0xFFFFFFE0] =	vst v5  }
0x18b: {  	v63 =	vmul.f32 v3, v1;
	[tilespmem:s20+$0xFFFFFFF0] =	vst v0  }
0x18c: {  	v4 =	vmul.f32 v4, v1;
	[tilespmem:s20+$0x20] =	vst v2  }
0x18d: {  	[tilespmem:s20+$0xFFFFFFD0] =	vst v63  }
0x18e: {  	[tilespmem:s20+$0x0] =	vst v4  }
0x18f: {  	[spmem:s1] =	stream.indirect.scatter.add.f32 [tilespmem:s30], [sflag:$0x3], $0x80, s11, s28, $0xb8;
	[tilespmem:$0x1F180] =	vst v63  }
0x190: {  	_ =	swait.ge [sflag:s23], $0x4000  }
0x191: {  	[sflag:s23] =	ssyncset.done $0x0  }
0x192: {  	[sflag:s23] =	ssyncadd.s32 $0xFFFFC000  }
0x193: {  	[bflag:$0x0] =	sbarrier.arrive $0xFFFF  }
0x194: {  	s5 =	rddreg [dreg:$0xf]  }
0x195: {  	s10 =	rddreg [dreg:$0x13]  }
0x196: {  	[hbm:s5], [sflag:s15] =	dma.local [spmem:s10], $0x50  }
0x197: {  	_ =	swait.ge [sflag:s23], $0x50  }
0x198: {  	[sflag:s23] =	ssyncset.done $0x0  }
0x199: {  	s20 =	rddreg [dreg:$0x10];
	[sflag:s23] =	ssyncadd.s32 $0xFFFFFFB0  }
0x19a: {  	[hbm:s20], [sflag:s15] =	dma.local [spmem:s18], $0x50  }
0x19b: {  	_ =	swait.ge [sflag:s23], $0x50  }
0x19c: {  	[sflag:s23] =	ssyncset.done $0x0  }
0x19d: {  	s21 =	rddreg [dreg:$0x11];
	[sflag:s23] =	ssyncadd.s32 $0xFFFFFFB0  }
0x19e: {  	[hbm:s21], [sflag:s15] =	dma.local [spmem:s19], $0x2800  }
0x19f: {  	_ =	swait.ge [sflag:s23], $0x2800  }
0x1a0: {  	s14 =	sadd.s32 $0x1, s14;
	s22 =	rddreg [dreg:$0x12]  }
0x1a1: {  	p0 =	sne.s32 s14, s22  }
.Ltmp4:
0x1a2: {  	_ = 	snop;
	(pc) =	sbr.rel @p0 .LBB2_1-.Ltmp4, $3  }
0x1a3: {  	_ =	sdelay $0x1  }
0x1a4: {  	[sflag:s23] =	ssyncset.done $0x0  }
0x1a5: {  	[sflag:s23] =	ssyncadd.s32 $0xFFFFD800  }
0x1a6: {  	_ =	sfence.sel $0x180000  }
0x1a7: {  	[bflag:$0x0] =	sbarrier.arrive $0xFFFF  }
0x1a8: {  	_ =	strace $0x9000004A  }
0x1a9: {  	s0 =	stileid.u32;
	[bflag:$0x2] =	sbarrier.arrive $0xFFFF  }
0x1aa: {  	p0 =	sne.s32 s0, $0x0;
	s0 =	rddreg [dreg:$0x5]  }
0x1ab: {  	s0 =	sadd.s32 @!p0 $0x100000, s0  }
0x1ac: {  	[sflag:s0] =	ssyncadd.tile.s32 @!p0 $0x1;
	_ =	shalt  }
.Lfunc_end2:
_tile_overlayer_lowered:
.L_overlay_start_2:
0x1ad: {  	(tag) =	ssettag $0x2  }
0x1ae: {  	s0 =	rddreg [dreg:$0x0];
	s2 =	stileid.u32  }
0x1af: {  	s1 =	rddreg [dreg:$0x1];
	p0 =	sne.s32 s2, $0x0  }
0x1b0: {  	s3 =	rddreg [dreg:$0x2];
	[bflag:$0x3] =	sbarrier.arrive $0xFFFF;
	s2 =	simm.s32 @!p0 $0x1C03  }
0x1b1: {  	[timem:s3], [sflag:s2] =	dma.local @!p0 [hbm:s0], s1  }
0x1b2: {  	s0 =	simm.s32 @!p0 $0x3  }
0x1b3: {  	_ =	swait.ge @!p0 [sflag:s0], s1  }
0x1b4: {  	s1 =	ssub.s32 @!p0 $0x0, s1;
	[sflag:s0] =	ssyncset.done @!p0 $0x0  }
0x1b5: {  	[sflag:s0] =	ssyncadd.s32 @!p0 s1  }
0x1b6: {  	[bflag:$0x3] =	sbarrier.arrive $0xFFFF  }
0x1b7: {  	_ =	shalt  }

// kernel: kernel.8.cloned.1.call-start
scs
__scs_entry_jumppad:
0x0: {  	(pc) =	sbr.rel $0x88, $3  }
0x1: {  	(tag) =	ssettag $0x0;
	lr =	simm.s32 $0x1  }
0x2: {  	[smem:$0x3F98] =	sst lr;
	_ =	strace $0xD0000000  }
0x3: {  	_ = 	snop  }
0x4: {  	_ = 	snop  }
0x5: {  	_ = 	snop  }
0x6: {  	_ = 	snop  }
0x7: {  	_ = 	snop  }
__scs_overlays_trampoline_lowered:
0x8: {  	[smem:$0x3FA7] =	sst s0  }
0x9: {  	[smem:$0x3FA8] =	sst s1  }
0xa: {  	[smem:$0x3FA9] =	sst s2  }
0xb: {  	[smem:$0x3FAA] =	sst s3  }
0xc: {  	[smem:$0x3FAB] =	sst s4  }
0xd: {  	[smem:$0x3FAC] =	sst s5  }
0xe: {  	[smem:$0x3FAD] =	sst s6  }
0xf: {  	[smem:$0x3FAE] =	sst s7  }
0x10: {  	[smem:$0x3FAF] =	sst s8  }
0x11: {  	[smem:$0x3FB0] =	sst s9;
	s0 =	simm.s32 @!p0 $0x0  }
0x12: {  	s1 =	sld [smem:$0x3F96];
	s0 =	simm.s32 @p0 $0x1  }
0x13: {  	[smem:$0x3FB1] =	sst s0;
	s0 =	simm.s32 @!p1 $0x0  }
0x14: {  	s2 =	sld [smem:$0x3F95];
	s0 =	simm.s32 @p1 $0x1  }
0x15: {  	[smem:$0x3FB2] =	sst s0;
	s0 =	simm.s32 @!p2 $0x0  }
0x16: {  	s3 =	sld [smem:$0x3FDB];
	s0 =	simm.s32 @p2 $0x1  }
0x17: {  	s4 =	simm.s32 $0x1BF5;
	[smem:$0x3FB4] =	sst s0  }
0x18: {  	s0 =	sld [smem:$0x3F97];
	_ =	swait.ge [sflag:s4], $0x0  }
0x19: {  	s7 =	sld [smem:$0x3F98]  }
0x1a: {  	s8 =	sadd.s32 $0xFFFFE003, lr  }
0x1b: {  	s9 =	sadd.s32 $0xFFFFFEF7, lr;
	s5 =	simm.s32 $0xFFFFFFFF;
	p2 =	slt.u32 s8, $0xFFFFF086  }
0x1c: {  	p1 =	slt.u32 s9, $0xF7A;
	s5 =	simm.s32 @!p2 $0x0  }
0x1d: {  	s5 =	simm.s32 @p1 $0x1;
	p0 =	seq.s32 s7, s2  }
0x1e: {  	s7 =	smul.u32 @!p0 $0xF7A, s2;
	p2 =	seq.s32 @!p0 s5, $0x0  }
0x1f: {  	s9 =	smul.u32 $0xF7A, s1;
	s8 =	simm.s32 @!p0 $0x1BF5;
	p2 =	por !p2, p0  }
0x20: {  	[sflag:s8] =	ssyncset.s32 @!p0 $0xFFFFF086;
	s6 =	sadd.s32 @!p0 s3, s7;
	s7 =	simm.s32 @!p0 $0x108  }
0x21: {  	s3 =	sadd.s32 s3, s9;
	s6 =	sadd.s32 @!p0 $0x88, s6;
	s7 =	simm.s32 @p2 $0x1082  }
0x22: {  	[simem:s7], [sflag:s8] =	dma.local @!p0 [hbm:s6], $0xF7A  }
0x23: {  	s9 =	sor.u32 $0xD0000000, s2;
	s6 =	simm.s32 $0x108;
	_ =	swait.ge @!p0 [sflag:s8], $0x0  }
0x24: {  	s3 =	sadd.s32 $0x88, s3;
	s6 =	simm.s32 @!p1 $0x1082;
	[sflag:s4] =	ssyncset.s32 $0xFFFFF086  }
0x25: {  	[simem:s6], [sflag:s4] =	dma.local [hbm:s3], $0xF7A  }
0x26: {  	[smem:$0x3F98] =	sst s1;
	(tag) =	ssettag s2;
	_ =	strace s9  }
0x27: {  	s1 =	sld [smem:$0x3FA8]  }
0x28: {  	s2 =	sld [smem:$0x3FA9]  }
0x29: {  	s4 =	sld [smem:$0x3FAB]  }
0x2a: {  	p0 =	seq.s32 s5, $0x0;
	s5 =	sld [smem:$0x3FAC]  }
0x2b: {  	s6 =	sld [smem:$0x3FAD]  }
0x2c: {  	s7 =	sld [smem:$0x3FAE]  }
0x2d: {  	s3 =	simm.s32 $0x108;
	s8 =	sld [smem:$0x3FAF]  }
0x2e: {  	s3 =	simm.s32 @!p0 $0x1082;
	s9 =	sld [smem:$0x3FB0]  }
0x2f: {  	lr =	sadd.s32 s0, s3;
	s0 =	sld [smem:$0x3FA7]  }
0x30: {  	s3 =	sld [smem:$0x3FAA]  }
0x31: {  	[smem:$0x3FB3] =	sst s10  }
0x32: {  	s10 =	sld [smem:$0x3FB1];
	_ =	sdelay $0x3  }
0x33: {  	p0 =	seq.s32 s10, $0x1;
	s10 =	sld [smem:$0x3FB3];
	_ =	sdelay $0x3  }
0x34: {  	[smem:$0x3FB3] =	sst s10  }
0x35: {  	s10 =	sld [smem:$0x3FB2];
	_ =	sdelay $0x3  }
0x36: {  	p1 =	seq.s32 s10, $0x1;
	s10 =	sld [smem:$0x3FB3];
	_ =	sdelay $0x3  }
0x37: {  	[smem:$0x3FB3] =	sst s10  }
0x38: {  	s10 =	sld [smem:$0x3FB4]  }
0x39: {  	_ = 	snop;
	(pc) =	sbr.ind lr, $3  }
0x3a: {  	_ = 	snop  }
0x3b: {  	_ = 	snop  }
0x3c: {  	p2 =	seq.s32 s10, $0x1;
	s10 =	sld [smem:$0x3FB3]  }
0x3d: {  	_ =	shalt  }
0x3e: {  	_ =	shalt  }
0x3f: {  	_ =	shalt  }
0x40: {  	_ =	shalt  }
0x41: {  	_ =	shalt  }
0x42: {  	_ =	shalt  }
0x43: {  	_ =	shalt  }
0x44: {  	_ =	shalt  }
0x45: {  	_ =	shalt  }
0x46: {  	_ =	shalt  }
0x47: {  	_ =	shalt  }
0x48: {  	_ =	shalt  }
0x49: {  	_ =	shalt  }
0x4a: {  	_ =	shalt  }
0x4b: {  	_ =	shalt  }
0x4c: {  	_ =	shalt  }
0x4d: {  	_ =	shalt  }
0x4e: {  	_ =	shalt  }
0x4f: {  	_ =	shalt  }
0x50: {  	_ =	shalt  }
0x51: {  	_ =	shalt  }
0x52: {  	_ =	shalt  }
0x53: {  	_ =	shalt  }
0x54: {  	_ =	shalt  }
0x55: {  	_ =	shalt  }
0x56: {  	_ =	shalt  }
0x57: {  	_ =	shalt  }
0x58: {  	_ =	shalt  }
0x59: {  	_ =	shalt  }
0x5a: {  	_ =	shalt  }
0x5b: {  	_ =	shalt  }
0x5c: {  	_ =	shalt  }
0x5d: {  	_ =	shalt  }
0x5e: {  	_ =	shalt  }
0x5f: {  	_ =	shalt  }
0x60: {  	_ =	shalt  }
0x61: {  	_ =	shalt  }
0x62: {  	_ =	shalt  }
0x63: {  	_ =	shalt  }
0x64: {  	_ =	shalt  }
0x65: {  	_ =	shalt  }
0x66: {  	_ =	shalt  }
0x67: {  	_ =	shalt  }
0x68: {  	_ =	shalt  }
0x69: {  	_ =	shalt  }
0x6a: {  	_ =	shalt  }
0x6b: {  	_ =	shalt  }
0x6c: {  	_ =	shalt  }
0x6d: {  	_ =	shalt  }
0x6e: {  	_ =	shalt  }
0x6f: {  	_ =	shalt  }
0x70: {  	_ =	shalt  }
0x71: {  	_ =	shalt  }
0x72: {  	_ =	shalt  }
0x73: {  	_ =	shalt  }
0x74: {  	_ =	shalt  }
0x75: {  	_ =	shalt  }
0x76: {  	_ =	shalt  }
0x77: {  	_ =	shalt  }
0x78: {  	_ =	shalt  }
0x79: {  	_ =	shalt  }
0x7a: {  	_ =	shalt  }
0x7b: {  	_ =	shalt  }
0x7c: {  	_ =	shalt  }
0x7d: {  	_ =	shalt  }
0x7e: {  	_ =	shalt  }
0x7f: {  	_ =	shalt  }
0x80: {  	_ =	shalt  }
0x81: {  	_ =	shalt  }
0x82: {  	_ =	shalt  }
0x83: {  	_ =	shalt  }
0x84: {  	_ =	shalt  }
0x85: {  	_ =	shalt  }
0x86: {  	_ =	shalt  }
0x87: {  	_ =	shalt  }
.Lfunc_end0:
.L_simem_size_0:
called_computation_lowered:
.L_overlay_start_0:
0x88: {  	s2 =	sld [smem:$0x3FD9]  }
0x89: {  	s3 =	sld [smem:$0x3FFE];
	_ =	sdelay $0x1  }
0x8a: {  	s1 =	srdreg.scid  }
0x8b: {  	s0 =	sand.u32 $0x1, s1  }
0x8c: {  	s17 =	sshll.u32 s0, $0xA;
	s2 =	sadd.s32 s3, s2  }
0x8d: {  	s2 =	sadd.s32 s2, s17  }
0x8e: {  	[smem:$0x3FBF] =	sst s2  }
0x8f: {  	_ = 	snop  }
0x90: {  	s2 =	sld [smem:$0x3FD0];
	(tm) =	ssettm $0x1  }
0x91: {  	s18 =	sld [smem:$0x3FFB];
	_ =	sdelay $0x3  }
0x92: {  	_ =	strace s18  }
0x93: {  	s3 =	sld [smem:$0x3FFC];
	_ =	sdelay $0x3  }
0x94: {  	_ =	strace s3  }
0x95: {  	s3 =	sld [smem:$0x3FFD];
	_ =	sdelay $0x3  }
0x96: {  	_ =	strace s3  }
0x97: {  	_ =	strace $0x8FFFFFFF  }
0x98: {  	s19 =	sld [smem:$0x3FDB];
	_ =	sdelay $0x1  }
0x99: {  	s4 =	simm.s32 $_scs_section_size  }
0x9a: {  	s5 =	simm.s32 $_size__tile_overlayer_lowered;
	s6 =	simm.s32 $_tile_overlayer_lowered  }
0x9b: {  	s22 =	simm.s32 $0x1BFF;
	s21 =	sshll.u32 s6, $0x1;
	s3 =	sadd.s32 s4, s19  }
0x9c: {  	s7 =	simm.s32 $0x0;
	s20 =	sshll.u32 s5, $0x1;
	s5 =	sadd.s32 s21, s3  }
0x9d: {  	[timem:s7], [sflag:s22] =	dma.local [hbm:s5], s20  }
0x9e: {  	_ =	swait.ge [sflag:s22], s20  }
0x9f: {  	s4 =	ssub.s32 $0x0, s20;
	[sflag:s22] =	ssyncset.done $0x0  }
0xa0: {  	[sflag:s22] =	ssyncadd.s32 s4;
	_ =	sdelay $0x1  }
0xa1: {  	s23 =	simm.s32 $0x1B8B  }
0xa2: {  	_ =	swait.ge [sflag:s23], $0x1  }
0xa3: {  	[sflag:s23] =	ssyncset.done $0x0  }
0xa4: {  	s25 =	simm.s32 $0x1B8E;
	s24 =	sld [smem:$0x3FFE];
	[sflag:s23] =	ssyncadd.s32 $0xFFFFFFFF  }
0xa5: {  	s26 =	simm.s32 $execute0_lowered;
	[smem:$0x3FD2] =	sst s25  }
0xa6: {  	s5 =	sshll.u32 s26, $0x1;
	_ =	strace $0x80000046;
	[dreg:$0x1] =	wrdreg $0xFFFFFFFF  }
0xa7: {  	s28 =	simm.s32 $_size_execute0_lowered;
	s3 =	sadd.s32 s3, s5;
	[dreg:$0x0] =	wrdreg $0x0  }
0xa8: {  	s5 =	sshll.u32 s28, $0x1;
	[dreg:$0x2] =	wrdreg s3  }
0xa9: {  	[dreg:$0x3] =	wrdreg s5  }
0xaa: {  	[dreg:$0x4] =	wrdreg $0xC0  }
0xab: {  	_ =	task [dreg:s7], $0x5FFFF  }
0xac: {  	[dreg:$0x1] =	wrdreg $0xFFFFFFFF  }
0xad: {  	[dreg:$0x0] =	wrdreg $0x60  }
0xae: {  	[dreg:$0x2] =	wrdreg s2  }
0xaf: {  	[dreg:$0x3] =	wrdreg s24  }
0xb0: {  	[dreg:$0x4] =	wrdreg $0xC8800  }
0xb1: {  	[dreg:$0x5] =	wrdreg $0x9  }
0xb2: {  	_ =	task.clear_ibuf [dreg:s7], $0x6FFFF;
	_ =	strace $0x90000046  }
0xb3: {  	s29 =	simm.s32 $0x9;
	_ =	strace $0x80000048  }
0xb4: {  	_ =	swait.ge [sflag:s29], $0x1  }
0xb5: {  	[sflag:s29] =	ssyncadd.s32 $0xFFFFFFFF  }
0xb6: {  	_ =	strace $0x90000048  }
0xb7: {  	_ =	sfence  }
0xb8: {  	s30 =	sld [smem:$0x0];
	_ =	sdelay $0x2  }
0xb9: {  	s31 =	sshll.u32 s1, $0xD;
	s1 =	sshrl.u32 s1, $0x2  }
0xba: {  	s3 =	sand.u32 $0x4000, s31;
	s1 =	sadd.s32 s1, s30  }
0xbb: {  	s0 =	sor.u32 s3, s0;
	s1 =	sshll.u32 s1, $0x11  }
0xbc: {  	s0 =	sor.u32 s1, s0  }
0xbd: {  	s0 =	sadd.s32 $0x8F2B, s0  }
0xbe: {  	[sflag:s0] =	ssyncadd.remote.s32 $0x1  }
0xbf: {  	_ =	sfence.sel $0xFFFF  }
0xc0: {  	[dreg:$0x0] =	wrdreg $0xFFFFFFFF;
	(pc) =	sbr.abs _section_cstart, $3  }
0xc1: {  	[dreg:$0x1] =	wrdreg $0xFFFFFFFF  }
0xc2: {  	_ =	task.clear_ibuf [dreg:s7], $0x2FFFF;
	_ =	strace $0x9FFFFFFF  }
0xc3: {  	(tm) =	ssettm $0x7FFFFFFF  }
tec
execute0_lowered:
.L_overlay_start_1:
0x0: {  	(tag) =	ssettag $0x1  }
0x1: {  	s7 =	rddreg [dreg:$0x0]  }
0x2: {  	s8 =	rddreg [dreg:$0x1]  }
0x3: {  	s2 =	rddreg [dreg:$0x2]  }
0x4: {  	s0 =	rddreg [dreg:$0x3]  }
0x5: {  	s3 =	simm.s32 $0x0;
	s4 =	srdreg.scid;
	s1 =	stileid.u32  }
0x6: {  	s16 =	simm.s32 $0x80;
	s17 =	simm.s32 $0xC800;
	s18 =	simm.s32 $0x5000  }
0x7: {  	s19 =	simm.s32 $0x0;
	[smem:$0x7FF] =	sst s3;
	s6 =	sand.u32 $0x1, s4  }
0x8: {  	s9 =	smul.u32 $0x280, s1;
	s10 =	sshll.u32 s1, $0x1;
	s4 =	sadd.s32 $0x2C600, s8  }
0x9: {  	s5 =	sadd.s32 $0x2C000, s8;
	s31 =	sshll.u32 s1, $0x6;
	_ =	strace $0x80000047  }
0xa: {  	s11 =	smul.u32 $0x2800, s6;
	s10 =	sor.u32 s6, s10;
	s12 =	ssub.s32 $0x2, s6  }
0xb: {  	s6 =	sadd.s32 $0x2CC00, s8;
	s10 =	smul.u32 $0x500, s10;
	s13 =	sshrl.u32 s12, $0x1  }
0xc: {  	s15 =	sadd.s32 s9, s2;
	s11 =	sadd.s32 s9, s11;
	s12 =	ssub.s32 s12, s13  }
0xd: {  	s13 =	simm.s32 $0xA000;
	s15 =	sshrl.u32 s15, $0x3;
	s11 =	sshrl.u32 s11, $0x3  }
0xe: {  	s14 =	sadd.s32 s10, s8;
	s7 =	sadd.s32 s7, s10;
	s10 =	smax.u32 s12, $0x1  }
0xf: {  	s12 =	simm.s32 $0x7800;
	s11 =	sadd.s32 s11, s8;
	s8 =	sadd.s32 $0x2CE00, s14  }
0x10: {  	v0 =	vimm.f32 $1.000000000e+00;
	s14 =	sor.u32 $0x1C01, s31;
	s9 =	sadd.s32 $0x36E00, s11;
	s11 =	simm.s32 $0x1  }
.LBB2_1:
0x11: {  	[tilespmem:s3], [sflag:$0x1] =	stream.linear.gather [hbm4b:s7+s3], $0x2780, $0x38;
	[tilespmem:$0xCB00] =	vst v63  }
0x12: {  	_ =	swait.ge [sflag:s11], $0x2780  }
0x13: {  	[sflag:s11] =	ssyncset.done $0x0  }
0x14: {  	[sflag:s11] =	ssyncadd.s32 $0xFFFFD880  }
0x15: {  	[tilespmem:s12], [sflag:$0x1] =	stream.linear.gather [hbm4b:s4+s3], $0x2800, $0x38;
	[tilespmem:$0xCB00] =	vst v63  }
0x16: {  	_ =	swait.ge [sflag:s11], $0x2800  }
0x17: {  	[sflag:s11] =	ssyncset.done $0x0  }
0x18: {  	[sflag:s11] =	ssyncadd.s32 $0xFFFFD800  }
0x19: {  	[tilespmem:s13], [sflag:$0x1] =	stream.linear.gather [hbm4b:s5+s3], $0x2800, $0x38;
	[tilespmem:$0xCB00] =	vst v63  }
0x1a: {  	_ =	swait.ge [sflag:s11], $0x2800  }
0x1b: {  	[sflag:s11] =	ssyncset.done $0x0  }
0x1c: {  	[sflag:s11] =	ssyncadd.s32 $0xFFFFD800  }
0x1d: {  	[tilespmem:$0xC800] =	vst v0  }
0x1e: {  	[tilespmem:$0xC810] =	vst v0  }
0x1f: {  	[tilespmem:$0xC820] =	vst v0  }
0x20: {  	[tilespmem:$0xC830] =	vst v0  }
0x21: {  	[tilespmem:$0xC840] =	vst v0  }
0x22: {  	[tilespmem:$0xC850] =	vst v0  }
0x23: {  	[tilespmem:$0xC860] =	vst v0  }
0x24: {  	[tilespmem:$0xC870] =	vst v0  }
0x25: {  	[spmem:s15], [sflag:s14] =	dma.local [hbm:s6], $0x50  }
0x26: {  	_ =	swait.ge [sflag:s11], $0x50  }
0x27: {  	[sflag:s11] =	ssyncset.done $0x0  }
0x28: {  	[sflag:s11] =	ssyncadd.s32 $0xFFFFFFB0  }
0x29: {  	s20 =	simm.s32 $0x0;
	[bflag:$0x0] =	sbarrier.arrive $0xFFFF  }
0x2a: {  	v1 =	vld [tilespmem:s20+$0x0];
	_ =	sdelay $0x4  }
0x2b: {  	v2 =	vand.u32 $0xFFFF, v1  }
0x2c: {  	v1 =	vshrl.u32 v1, $0x10;
	_ =	sdelay $0x2  }
0x2d: {  	v3 =	vld [tilespmem:s20+$0x10];
	[tilespmem:s20+$0x2800] =	vst v1  }
0x2e: {  	v2 =	vld.idx.msk [tilespmem:v2+s12+$0x0], $0xffff  }
0x2f: {  	v1 =	vld.idx.msk [tilespmem:v1+s13+$0x0], $0xffff;
	_ =	sdelay $0x2  }
0x30: {  	v4 =	vand.u32 $0xFFFF, v3  }
0x31: {  	v3 =	vshrl.u32 v3, $0x10  }
0x32: {  	v1 =	vadd.f32 v1, v2  }
0x33: {  	[tilespmem:s20+$0x2810] =	vst v3  }
0x34: {  	[tilespmem:s20+$0x5000] =	vst v1;
	v1 =	vld [tilespmem:s20+$0x20]  }
0x35: {  	v2 =	vld.idx.msk [tilespmem:v4+s12+$0x0], $0xffff  }
0x36: {  	v3 =	vld.idx.msk [tilespmem:v3+s13+$0x0], $0xffff;
	_ =	sdelay $0x2  }
0x37: {  	v58 =	vand.u32 $0xFFFF, v1  }
0x38: {  	v1 =	vshrl.u32 v1, $0x10  }
0x39: {  	v2 =	vadd.f32 v3, v2  }
0x3a: {  	[tilespmem:s20+$0x2820] =	vst v1  }
0x3b: {  	[tilespmem:s20+$0x5010] =	vst v2;
	v2 =	vld [tilespmem:s20+$0x30]  }
0x3c: {  	v3 =	vld.idx.msk [tilespmem:v58+s12+$0x0], $0xffff  }
0x3d: {  	v1 =	vld.idx.msk [tilespmem:v1+s13+$0x0], $0xffff;
	_ =	sdelay $0x2  }
0x3e: {  	v59 =	vand.u32 $0xFFFF, v2  }
0x3f: {  	v2 =	vshrl.u32 v2, $0x10  }
0x40: {  	v1 =	vadd.f32 v1, v3  }
0x41: {  	[tilespmem:s20+$0x2830] =	vst v2  }
0x42: {  	[tilespmem:s20+$0x5020] =	vst v1;
	v1 =	vld [tilespmem:s20+$0x40]  }
0x43: {  	v3 =	vld.idx.msk [tilespmem:v59+s12+$0x0], $0xffff  }
0x44: {  	v2 =	vld.idx.msk [tilespmem:v2+s13+$0x0], $0xffff;
	_ =	sdelay $0x2  }
0x45: {  	v60 =	vand.u32 $0xFFFF, v1  }
0x46: {  	v1 =	vshrl.u32 v1, $0x10  }
0x47: {  	v2 =	vadd.f32 v2, v3  }
0x48: {  	[tilespmem:s20+$0x2840] =	vst v1  }
0x49: {  	v5 =	vld [tilespmem:s20+$0x50];
	[tilespmem:s20+$0x5030] =	vst v2  }
0x4a: {  	v2 =	vld.idx.msk [tilespmem:v60+s12+$0x0], $0xffff  }
0x4b: {  	v1 =	vld.idx.msk [tilespmem:v1+s13+$0x0], $0xffff;
	_ =	sdelay $0x2  }
0x4c: {  	v3 =	vand.u32 $0xFFFF, v5  }
0x4d: {  	v61 =	vshrl.u32 v5, $0x10  }
0x4e: {  	v1 =	vadd.f32 v1, v2  }
0x4f: {  	[tilespmem:s20+$0x2850] =	vst v61  }
0x50: {  	v2 =	vld [tilespmem:s20+$0x60];
	[tilespmem:s20+$0x5040] =	vst v1  }
0x51: {  	v1 =	vld.idx.msk [tilespmem:v3+s12+$0x0], $0xffff  }
0x52: {  	v3 =	vld.idx.msk [tilespmem:v61+s13+$0x0], $0xffff;
	_ =	sdelay $0x2  }
0x53: {  	v62 =	vand.u32 $0xFFFF, v2  }
0x54: {  	v2 =	vshrl.u32 v2, $0x10  }
0x55: {  	v1 =	vadd.f32 v3, v1  }
0x56: {  	[tilespmem:s20+$0x2860] =	vst v2  }
0x57: {  	v3 =	vld [tilespmem:s20+$0x70];
	[tilespmem:s20+$0x5050] =	vst v1  }
0x58: {  	v1 =	vld.idx.msk [tilespmem:v62+s12+$0x0], $0xffff  }
0x59: {  	v2 =	vld.idx.msk [tilespmem:v2+s13+$0x0], $0xffff;
	_ =	sdelay $0x2  }
0x5a: {  	v63 =	vand.u32 $0xFFFF, v3  }
0x5b: {  	v3 =	vshrl.u32 v3, $0x10  }
0x5c: {  	v1 =	vadd.f32 v2, v1  }
0x5d: {  	[tilespmem:s20+$0x2870] =	vst v3  }
0x5e: {  	[tilespmem:s20+$0x5060] =	vst v1  }
0x5f: {  	v1 =	vld.idx.msk [tilespmem:v63+s12+$0x0], $0xffff  }
0x60: {  	s21 =	simm.s32 $0x200;
	s22 =	simm.s32 $0x2800;
	v2 =	vld.idx.msk [tilespmem:v3+s13+$0x0], $0xffff  }
.LBB2_2:
0x61: {  	_ =	sdelay $0x1  }
0x62: {  	p0 =	sne.s32 s21, $0x9C00;
	s23 =	smov.u32 s21;
	s21 =	sadd.s32 $0x200, s21  }
0x63: {  	_ = 	snop  }
0x64: {  	v1 =	vadd.f32 v2, v1;
	_ =	sdelay $0x1  }
0x65: {  	[tilespmem:s20+$0x5070] =	vst v1  }
0x66: {  	[spmem:s2] =	stream.indirect.scatter.add.f32 [tilespmem:s17], [sflag:$0x1], $0x1, s22, s16, $0xb8;
	[tilespmem:$0xCB00] =	vst v63  }
0x67: {  	_ =	swait.ge [sflag:s11], $0x80  }
0x68: {  	[sflag:s11] =	ssyncset.done $0x0  }
0x69: {  	s20 =	sshra.s32 s23, $0x2;
	[sflag:s11] =	ssyncadd.s32 $0xFFFFFF80  }
0x6a: {  	v1 =	vld [tilespmem:s20+$0x0];
	_ =	sdelay $0x4  }
0x6b: {  	v2 =	vshrl.u32 v1, $0x10;
	v1 =	vand.u32 $0xFFFF, v1;
	_ =	sdelay $0x3  }
0x6c: {  	[tilespmem:s20+$0x2800] =	vst v2;
	v3 =	vld [tilespmem:s20+$0x10]  }
0x6d: {  	v1 =	vld.idx.msk [tilespmem:v1+s12+$0x0], $0xffff  }
0x6e: {  	v2 =	vld.idx.msk [tilespmem:v2+s13+$0x0], $0xffff;
	_ =	sdelay $0x3  }
0x6f: {  	v4 =	vand.u32 $0xFFFF, v3  }
0x70: {  	v3 =	vshrl.u32 v3, $0x10  }
0x71: {  	v1 =	vadd.f32 v2, v1  }
0x72: {  	[tilespmem:s20+$0x2810] =	vst v3  }
0x73: {  	[tilespmem:s20+$0x5000] =	vst v1;
	v1 =	vld [tilespmem:s20+$0x20]  }
0x74: {  	v2 =	vld.idx.msk [tilespmem:v4+s12+$0x0], $0xffff  }
0x75: {  	v3 =	vld.idx.msk [tilespmem:v3+s13+$0x0], $0xffff;
	_ =	sdelay $0x3  }
0x76: {  	v4 =	vand.u32 $0xFFFF, v1  }
0x77: {  	v1 =	vshrl.u32 v1, $0x10  }
0x78: {  	v2 =	vadd.f32 v3, v2  }
0x79: {  	[tilespmem:s20+$0x2820] =	vst v1  }
0x7a: {  	[tilespmem:s20+$0x5010] =	vst v2;
	v2 =	vld [tilespmem:s20+$0x30]  }
0x7b: {  	v3 =	vld.idx.msk [tilespmem:v4+s12+$0x0], $0xffff  }
0x7c: {  	v1 =	vld.idx.msk [tilespmem:v1+s13+$0x0], $0xffff;
	_ =	sdelay $0x3  }
0x7d: {  	v4 =	vand.u32 $0xFFFF, v2  }
0x7e: {  	v2 =	vshrl.u32 v2, $0x10  }
0x7f: {  	v1 =	vadd.f32 v1, v3  }
0x80: {  	[tilespmem:s20+$0x2830] =	vst v2  }
0x81: {  	[tilespmem:s20+$0x5020] =	vst v1;
	v1 =	vld [tilespmem:s20+$0x40]  }
0x82: {  	v3 =	vld.idx.msk [tilespmem:v4+s12+$0x0], $0xffff  }
0x83: {  	v2 =	vld.idx.msk [tilespmem:v2+s13+$0x0], $0xffff;
	_ =	sdelay $0x3  }
0x84: {  	v4 =	vand.u32 $0xFFFF, v1  }
0x85: {  	v1 =	vshrl.u32 v1, $0x10;
	v5 =	vld [tilespmem:s20+$0x50]  }
0x86: {  	v2 =	vadd.f32 v2, v3  }
0x87: {  	[tilespmem:s20+$0x2840] =	vst v1  }
0x88: {  	[tilespmem:s20+$0x5030] =	vst v2  }
0x89: {  	v2 =	vld.idx.msk [tilespmem:v4+s12+$0x0], $0xffff  }
0x8a: {  	v1 =	vld.idx.msk [tilespmem:v1+s13+$0x0], $0xffff;
	v3 =	vshrl.u32 v5, $0x10  }
0x8b: {  	[tilespmem:s20+$0x2850] =	vst v3;
	_ =	sdelay $0x2  }
0x8c: {  	v4 =	vand.u32 $0xFFFF, v5  }
0x8d: {  	v5 =	vld [tilespmem:s20+$0x60]  }
0x8e: {  	v1 =	vadd.f32 v1, v2;
	_ =	sdelay $0x1  }
0x8f: {  	[tilespmem:s20+$0x5040] =	vst v1  }
0x90: {  	v1 =	vld.idx.msk [tilespmem:v4+s12+$0x0], $0xffff  }
0x91: {  	v2 =	vld.idx.msk [tilespmem:v3+s13+$0x0], $0xffff;
	v3 =	vshrl.u32 v5, $0x10  }
0x92: {  	[tilespmem:s20+$0x2860] =	vst v3;
	_ =	sdelay $0x2  }
0x93: {  	v4 =	vand.u32 $0xFFFF, v5  }
0x94: {  	v5 =	vld [tilespmem:s20+$0x70]  }
0x95: {  	v1 =	vadd.f32 v2, v1;
	_ =	sdelay $0x1  }
0x96: {  	[tilespmem:s20+$0x5050] =	vst v1  }
0x97: {  	v1 =	vld.idx.msk [tilespmem:v4+s12+$0x0], $0xffff  }
0x98: {  	v2 =	vld.idx.msk [tilespmem:v3+s13+$0x0], $0xffff;
	v3 =	vshrl.u32 v5, $0x10  }
0x99: {  	[tilespmem:s20+$0x2870] =	vst v3;
	_ =	sdelay $0x2  }
0x9a: {  	v4 =	vand.u32 $0xFFFF, v5;
	_ =	sdelay $0x1  }
.Ltmp0:
0x9b: {  	v1 =	vadd.f32 v2, v1;
	(pc) =	sbr.rel @p0 .LBB2_2-.Ltmp0, $4  }
0x9c: {  	_ = 	snop  }
0x9d: {  	[tilespmem:s20+$0x5060] =	vst v1  }
0x9e: {  	v1 =	vld.idx.msk [tilespmem:v4+s12+$0x0], $0xffff  }
0x9f: {  	s22 =	sadd.s32 $0x2800, s20;
	v2 =	vld.idx.msk [tilespmem:v3+s13+$0x0], $0xffff  }
0xa0: {  	_ =	sdelay $0x3  }
0xa1: {  	v1 =	vadd.f32 v2, v1;
	_ =	sdelay $0x1  }
0xa2: {  	[tilespmem:s20+$0x5070] =	vst v1  }
0xa3: {  	[spmem:s2] =	stream.indirect.scatter.add.f32 [tilespmem:s17], [sflag:$0x1], $0x1, s22, s16, $0xb8;
	[tilespmem:$0xCB00] =	vst v63  }
0xa4: {  	_ =	swait.ge [sflag:s11], $0x80  }
0xa5: {  	[sflag:s11] =	ssyncset.done $0x0  }
0xa6: {  	[sflag:s11] =	ssyncadd.s32 $0xFFFFFF80  }
0xa7: {  	[hbm4b:s8+s3] =	stream.linear.scatter [tilespmem:s18], [sflag:$0x1], $0x2780, $0x38;
	[tilespmem:$0xCB00] =	vst v63  }
0xa8: {  	_ =	swait.ge [sflag:s11], $0x2780  }
0xa9: {  	s19 =	sadd.s32 $0x1, s19;
	[sflag:s11] =	ssyncset.done $0x0  }
0xaa: {  	p0 =	sne.s32 s19, s10;
	[sflag:s11] =	ssyncadd.s32 $0xFFFFD880  }
.Ltmp1:
0xab: {  	[bflag:$0x0] =	sbarrier.arrive $0xFFFF;
	(pc) =	sbr.rel @p0 .LBB2_1-.Ltmp1, $4  }
0xac: {  	[hbm:s9], [sflag:s14] =	dma.local [spmem:s15], $0x50  }
0xad: {  	_ =	swait.ge [sflag:s11], $0x50  }
0xae: {  	[sflag:s11] =	ssyncset.done $0x0  }
0xaf: {  	[sflag:s11] =	ssyncadd.s32 $0xFFFFFFB0  }
0xb0: {  	_ =	sfence.sel $0x180000  }
0xb1: {  	[bflag:$0x0] =	sbarrier.arrive $0xFFFF  }
0xb2: {  	p0 =	sne.s32 s1, $0x0;
	_ =	strace $0x90000047  }
0xb3: {  	s0 =	sadd.s32 @!p0 $0x100000, s0;
	[bflag:$0x2] =	sbarrier.arrive $0xFFFF  }
0xb4: {  	[sflag:s0] =	ssyncadd.tile.s32 @!p0 $0x1;
	_ =	shalt  }
.Lfunc_end2:
_tile_overlayer_lowered:
.L_overlay_start_2:
0xb5: {  	(tag) =	ssettag $0x2  }
0xb6: {  	s0 =	rddreg [dreg:$0x0];
	s2 =	stileid.u32  }
0xb7: {  	s1 =	rddreg [dreg:$0x1];
	p0 =	sne.s32 s2, $0x0  }
0xb8: {  	s3 =	rddreg [dreg:$0x2];
	[bflag:$0x3] =	sbarrier.arrive $0xFFFF;
	s2 =	simm.s32 @!p0 $0x1C01  }
0xb9: {  	[timem:s3], [sflag:s2] =	dma.local @!p0 [hbm:s0], s1  }
0xba: {  	s0 =	simm.s32 @!p0 $0x1  }
0xbb: {  	_ =	swait.ge @!p0 [sflag:s0], s1  }
0xbc: {  	s1 =	ssub.s32 @!p0 $0x0, s1;
	[sflag:s0] =	ssyncset.done @!p0 $0x0  }
0xbd: {  	[sflag:s0] =	ssyncadd.s32 @!p0 s1  }
0xbe: {  	[bflag:$0x3] =	sbarrier.arrive $0xFFFF  }
0xbf: {  	_ =	shalt  }

</sc_bundles>
